<compile_context>
chip_gen: v7x
topology: tpu7x:2x2x1
jax: 0.10.2.dev20260603
libtpu: 0.0.44.dev20260713+nightly
codegen_flags: <defaults>
</compile_context>

<pallas_src>
import functools

import jax
import jax.numpy as jnp
from jax import lax
from jax.experimental import pallas as pl
from jax.experimental.pallas import tpu as pltpu
from jax.experimental.pallas import tpu_sc as plsc

N = 10000
E = 160000
NP = 10240
EP = 163840
DUMMY = 10000

NWORK = 32
EPW = EP // NWORK
CHUNK = 128
NCHUNK = EPW // CHUNK

F32 = jnp.float32



_NBUF = 4


def _sc_gather(table, idx2d, d):
    mesh = plsc.VectorSubcoreMesh(core_axis_name="c", subcore_axis_name="s")

    @functools.partial(
        pl.kernel, mesh=mesh,
        out_type=jax.ShapeDtypeStruct((EP, d), F32),
        scratch_types=[
            pltpu.VMEM((NCHUNK, CHUNK), jnp.int32),
            [pltpu.VMEM((CHUNK, d), F32) for _ in range(_NBUF)],
            pltpu.SemaphoreType.DMA,
            pltpu.SemaphoreType.DMA,
        ],
    )
    def k(table_hbm, idx_hbm, out_hbm, idx_v, bufs, gsem, wsem):
        wid = lax.axis_index("s") * 2 + lax.axis_index("c")
        base = wid * EPW
        pltpu.sync_copy(idx_hbm.at[pl.ds(wid * NCHUNK, NCHUNK)], idx_v)

        def group(g, carry):
            gds = [pltpu.async_copy(table_hbm.at[idx_v.at[g * _NBUF + b]],
                                    bufs[b], gsem)
                   for b in range(_NBUF)]
            for dsc in gds:
                dsc.wait()
            wds = [pltpu.async_copy(
                bufs[b],
                out_hbm.at[pl.ds(base + (g * _NBUF + b) * CHUNK, CHUNK)],
                wsem)
                for b in range(_NBUF)]
            for dsc in wds:
                dsc.wait()
            return carry

        lax.fori_loop(0, NCHUNK // _NBUF, group, 0)

    return k(table, idx2d)


def _sc_scatter_add(msg, dst2d, zeros_np, d):
    mesh = plsc.VectorSubcoreMesh(core_axis_name="c", subcore_axis_name="s")
    rpt = NP // 16

    nb = 2

    @functools.partial(
        pl.kernel, mesh=mesh,
        out_type=jax.ShapeDtypeStruct((2, NP, d), F32),
        scratch_types=[
            pltpu.VMEM((NCHUNK, CHUNK), jnp.int32),
            [pltpu.VMEM((CHUNK, d), F32) for _ in range(nb)],
            pltpu.VMEM_SHARED((NP, d), F32),
            pltpu.SemaphoreType.DMA,
            pltpu.SemaphoreType.DMA,
        ],
    )
    def k(msg_hbm, dst_hbm, zeros_hbm, out_hbm, idx_v, bufs, acc_sh,
          msem, ssem):
        cid = lax.axis_index("c")
        sid = lax.axis_index("s")
        wid = sid * 2 + cid
        base = wid * EPW
        pltpu.sync_copy(zeros_hbm.at[pl.ds(sid * rpt, rpt)],
                        acc_sh.at[pl.ds(sid * rpt, rpt)])
        pltpu.sync_copy(dst_hbm.at[pl.ds(wid * NCHUNK, NCHUNK)], idx_v)
        plsc.subcore_barrier()

        def body(j, carry):
            pltpu.sync_copy(msg_hbm.at[pl.ds(base + j * CHUNK, CHUNK)],
                            bufs[0])
            pltpu.sync_copy(bufs[0], acc_sh.at[idx_v.at[j]], add=True)
            return carry

        lax.fori_loop(0, NCHUNK, body, 0)
        plsc.subcore_barrier()
        pltpu.sync_copy(acc_sh.at[pl.ds(sid * rpt, rpt)],
                        out_hbm.at[cid, pl.ds(sid * rpt, rpt)])

    return k(msg, dst2d, zeros_np)



_ET = 1024


def _tc_msg(ea, hsrc, waug, sbr, tbr, obr, cw, dout, ones_col):
    grid = EP // _ET

    def body(ea_ref, hs_ref, w_ref, s_ref, t_ref, o_ref, out_ref):
        eat = ea_ref[...]
        hs = hs_ref[...][:, :cw]
        eab = jnp.dot(eat, s_ref[...], preferred_element_type=F32) + o_ref[...]
        htl = jnp.dot(hs, t_ref[...], preferred_element_type=F32)
        g = eab * htl
        msg = jnp.dot(g, w_ref[...], preferred_element_type=F32)
        lane = lax.broadcasted_iota(jnp.int32, (_ET, 128 - dout), 1)
        tailv = 1.0 if ones_col else 0.0
        tail = jnp.where(lane == 0, tailv, 0.0).astype(F32)
        out_ref[...] = jnp.concatenate([msg, tail], axis=1)

    return pl.pallas_call(
        body,
        grid=(grid,),
        in_specs=[
            pl.BlockSpec((_ET, 21), lambda i: (i, 0)),
            pl.BlockSpec((_ET, 128), lambda i: (i, 0)),
            pl.BlockSpec((22 * cw, dout), lambda i: (0, 0)),
            pl.BlockSpec((21, 22 * cw), lambda i: (0, 0)),
            pl.BlockSpec((cw, 22 * cw), lambda i: (0, 0)),
            pl.BlockSpec((1, 22 * cw), lambda i: (0, 0)),
        ],
        out_specs=pl.BlockSpec((_ET, 128), lambda i: (i, 0)),
        out_shape=jax.ShapeDtypeStruct((EP, 128), F32),
    )(ea, hsrc, waug, sbr, tbr, obr)


_NT = 512


def _tc_combine1(s0, s1, xp, rootp, biasp, lng, lnb):
    grid = NP // _NT

    def body(s0_ref, s1_ref, x_ref, r_ref, b_ref, g_ref, be_ref,
             h_ref, c_ref):
        s = s0_ref[...] + s1_ref[...]
        cnt = s[:, 64:65]
        agg = s[:, :64] / jnp.maximum(cnt, 1.0)
        pre = agg + jnp.dot(x_ref[...][:, :32], r_ref[...],
                            preferred_element_type=F32) + b_ref[...]
        m = jnp.mean(pre, axis=-1, keepdims=True)
        v = jnp.mean((pre - m) ** 2, axis=-1, keepdims=True)
        h = (pre - m) / jnp.sqrt(v + 1e-5) * g_ref[...] + be_ref[...]
        h = jnp.where(h >= 0, h, 0.01 * h)
        h_ref[...] = jnp.concatenate([h, jnp.zeros((_NT, 64), F32)], axis=1)
        c_ref[...] = jnp.broadcast_to(cnt, (_NT, 8))

    return pl.pallas_call(
        body,
        grid=(grid,),
        in_specs=[
            pl.BlockSpec((_NT, 128), lambda i: (i, 0)),
            pl.BlockSpec((_NT, 128), lambda i: (i, 0)),
            pl.BlockSpec((_NT, 128), lambda i: (i, 0)),
            pl.BlockSpec((32, 64), lambda i: (0, 0)),
            pl.BlockSpec((1, 64), lambda i: (0, 0)),
            pl.BlockSpec((1, 64), lambda i: (0, 0)),
            pl.BlockSpec((1, 64), lambda i: (0, 0)),
        ],
        out_specs=[
            pl.BlockSpec((_NT, 128), lambda i: (i, 0)),
            pl.BlockSpec((_NT, 8), lambda i: (i, 0)),
        ],
        out_shape=[
            jax.ShapeDtypeStruct((NP, 128), F32),
            jax.ShapeDtypeStruct((NP, 8), F32),
        ],
    )(s0, s1, xp, rootp, biasp, lng, lnb)


def _tc_combine2(s0, s1, cnt8, h1s, root2p, bias2p, g2p, b2p):
    grid = NP // _NT

    def body(s0_ref, s1_ref, c_ref, h1_ref, r2_ref, b2_ref, g2_ref, be2_ref,
             h2_ref):
        s = s0_ref[...] + s1_ref[...]
        cnt = c_ref[...][:, 0:1]
        agg = s / jnp.maximum(cnt, 1.0)
        pre = agg + jnp.dot(h1_ref[...], r2_ref[...],
                            preferred_element_type=F32) + b2_ref[...]
        m = jnp.sum(pre, axis=-1, keepdims=True) * (1.0 / 30.0)
        d = pre[:, :30] - m
        v = jnp.sum(d * d, axis=-1, keepdims=True) * (1.0 / 30.0)
        h2 = (pre - m) / jnp.sqrt(v + 1e-5) * g2_ref[...] + be2_ref[...]
        h2_ref[...] = jnp.where(h2 >= 0, h2, 0.01 * h2)

    return pl.pallas_call(
        body,
        grid=(grid,),
        in_specs=[
            pl.BlockSpec((_NT, 32), lambda i: (i, 0)),
            pl.BlockSpec((_NT, 32), lambda i: (i, 0)),
            pl.BlockSpec((_NT, 8), lambda i: (i, 0)),
            pl.BlockSpec((_NT, 64), lambda i: (i, 0)),
            pl.BlockSpec((64, 32), lambda i: (0, 0)),
            pl.BlockSpec((1, 32), lambda i: (0, 0)),
            pl.BlockSpec((1, 32), lambda i: (0, 0)),
            pl.BlockSpec((1, 32), lambda i: (0, 0)),
        ],
        out_specs=pl.BlockSpec((_NT, 32), lambda i: (i, 0)),
        out_shape=jax.ShapeDtypeStruct((NP, 32), F32),
    )(s0, s1, cnt8, h1s, root2p, bias2p, g2p, b2p)


def _tc_lstm_head(h2, wihft, wihbt, xbf, xbb, wcat, g3, b3, fcwt, fcbp, prev):
    ntiles = NP // _NT

    def body(h2_ref, wf_ref, wb_ref, xbf_ref, xbb_ref, wc_ref, g3_ref,
             b3_ref, fw_ref, fb_ref, pr_ref, out_ref, xsum_scr, h_scr):
        def stage1b(j, carry):
            src = h2_ref[pl.ds(j * _NT, _NT), :]
            xb = jnp.dot(src, wb_ref[...],
                         preferred_element_type=F32) + xbb_ref[...]
            rev = jnp.dot(pr_ref[...], xb, preferred_element_type=F32,
                          precision=lax.Precision.HIGHEST)
            xsum_scr[pl.ds((N - 512) - _NT * j, _NT), :] = rev
            return carry

        lax.fori_loop(0, ntiles - 1, stage1b, 0)
        srcl = h2_ref[pl.ds((ntiles - 1) * _NT, _NT), :]
        xbl = jnp.dot(srcl, wb_ref[...],
                      preferred_element_type=F32) + xbb_ref[...]
        revl = jnp.dot(pr_ref[...], xbl, preferred_element_type=F32,
                       precision=lax.Precision.HIGHEST)
        xsum_scr[pl.ds(0, N - (ntiles - 1) * _NT), :] = (
            revl[_NT - (N - (ntiles - 1) * _NT):, :])

        def stage1f(i, carry):
            sl = pl.ds(i * _NT, _NT)
            xsum_scr[sl, :] = (xsum_scr[sl, :]
                               + jnp.dot(h2_ref[sl, :], wf_ref[...],
                                         preferred_element_type=F32)
                               + xbf_ref[...])
            return carry

        lax.fori_loop(0, ntiles, stage1f, 0)

        wcf = wc_ref[...][0:64, 0:256]
        wcb = wc_ref[...][64:128, 256:512]

        def step(t, carry):
            hf, cf, hb, cb = carry
            rt = (N - 1) - t
            gf = jnp.dot(hf, wcf, preferred_element_type=F32)
            gb = jnp.dot(hb, wcb, preferred_element_type=F32)
            xrow = xsum_scr[pl.ds(t, 1), :]
            af = gf + xrow[:, 0:256]
            ab = gb + xrow[:, 256:512]
            i_f = jax.nn.sigmoid(af[:, 0:64])
            f_f = jax.nn.sigmoid(af[:, 64:128])
            n_f = jnp.tanh(af[:, 128:192])
            o_f = jax.nn.sigmoid(af[:, 192:256])
            cf = f_f * cf + i_f * n_f
            hf = o_f * jnp.tanh(cf)
            i_b = jax.nn.sigmoid(ab[:, 0:64])
            f_b = jax.nn.sigmoid(ab[:, 64:128])
            n_b = jnp.tanh(ab[:, 128:192])
            o_b = jax.nn.sigmoid(ab[:, 192:256])
            cb = f_b * cb + i_b * n_b
            hb = o_b * jnp.tanh(cb)
            h_scr[pl.ds(t, 1), 0:64] = hf
            h_scr[pl.ds(rt, 1), 64:128] = hb
            return hf, cf, hb, cb

        z = jnp.zeros((1, 64), F32)
        lax.fori_loop(0, N, step, (z, z, z, z), unroll=4)

        def head(i, carry):
            sl = pl.ds(i * _NT, _NT)
            hc = h_scr[sl, :]
            m = jnp.mean(hc, axis=-1, keepdims=True)
            v = jnp.mean((hc - m) ** 2, axis=-1, keepdims=True)
            hn = (hc - m) / jnp.sqrt(v + 1e-5) * g3_ref[...] + b3_ref[...]
            out_ref[sl, :] = jnp.dot(hn, fw_ref[...],
                                     preferred_element_type=F32) + fb_ref[...]
            return carry

        lax.fori_loop(0, ntiles, head, 0)

    return pl.pallas_call(
        body,
        out_shape=jax.ShapeDtypeStruct((NP, 8), F32),
        scratch_shapes=[
            pltpu.VMEM((NP, 512), F32),
            pltpu.VMEM((NP, 128), F32),
        ],
    )(h2, wihft, wihbt, xbf, xbb, wcat, g3, b3, fcwt, fcbp, prev)



def kernel(x, edge_attr, edge_index, W1e, b1e, root1, bias1, ln1_g, ln1_b,
           W2e, b2e, root2, bias2, ln2_g, ln2_b,
           Wih_f, Whh_f, bih_f, bhh_f, Wih_b, Whh_b, bih_b, bhh_b,
           ln3_g, ln3_b, fcW, fcb):
    src = edge_index[0]
    dst = edge_index[1]
    src_p = jnp.concatenate([src, jnp.zeros((EP - E,), jnp.int32)])
    dst_p = jnp.concatenate([dst, jnp.full((EP - E,), DUMMY, jnp.int32)])
    src2d = src_p.reshape(EP // CHUNK, CHUNK)
    dst2d = dst_p.reshape(EP // CHUNK, CHUNK)
    ea_p = jnp.concatenate([edge_attr, jnp.zeros((EP - E, 21), F32)], axis=0)
    x_p = jnp.zeros((NP, 128), F32).at[:N, :26].set(x)
    zeros128 = jnp.zeros((NP, 128), F32)

    w1r = W1e.reshape(21, 26, 64)
    w1p = jnp.zeros((21, 32, 64), F32).at[:, :26, :].set(w1r).reshape(672, 64)
    be1 = jnp.zeros((32, 64), F32).at[:26, :].set(b1e.reshape(26, 64))
    waug1 = jnp.concatenate([w1p, be1], axis=0)
    root1p = jnp.zeros((32, 64), F32).at[:26, :].set(root1)

    w2p = W2e.reshape(21, 64, 30).reshape(1344, 30)
    waug2 = jnp.concatenate([w2p, b2e.reshape(64, 30)], axis=0)
    root2p = jnp.zeros((64, 32), F32).at[:, :30].set(root2)
    bias2p = jnp.zeros((1, 32), F32).at[0, :30].set(bias2)
    g2p = jnp.zeros((1, 32), F32).at[0, :30].set(ln2_g)
    b2p = jnp.zeros((1, 32), F32).at[0, :30].set(ln2_b)

    wihft = jnp.zeros((32, 512), F32).at[:30, 0:256].set(Wih_f.T)
    wihbt = jnp.zeros((32, 512), F32).at[:30, 256:512].set(Wih_b.T)
    xbf = jnp.zeros((1, 512), F32).at[0, 0:256].set(bih_f + bhh_f)
    xbb = jnp.zeros((1, 512), F32).at[0, 256:512].set(bih_b + bhh_b)
    wcat = (jnp.zeros((128, 512), F32)
            .at[0:64, 0:256].set(Whh_f.T)
            .at[64:128, 256:512].set(Whh_b.T))
    fcwt = jnp.zeros((128, 8), F32).at[:, :2].set(fcW.T)
    fcbp = jnp.zeros((1, 8), F32).at[0, :2].set(fcb)

    sbr1 = jnp.kron(jnp.eye(21, 22, dtype=F32), jnp.ones((1, 32), F32))
    tbr1 = jnp.kron(jnp.ones((1, 22), F32), jnp.eye(32, dtype=F32))
    obr1 = jnp.zeros((1, 22 * 32), F32).at[0, 21 * 32:].set(1.0)
    sbr2 = jnp.kron(jnp.eye(21, 22, dtype=F32), jnp.ones((1, 64), F32))
    tbr2 = jnp.kron(jnp.ones((1, 22), F32), jnp.eye(64, dtype=F32))
    obr2 = jnp.zeros((1, 22 * 64), F32).at[0, 21 * 64:].set(1.0)

    hsrc1 = _sc_gather(x_p, src2d, 128)
    msg1 = _tc_msg(ea_p, hsrc1, waug1, sbr1, tbr1, obr1, 32, 64, True)
    sums1 = _sc_scatter_add(msg1, dst2d, zeros128, 128)
    h1, cnt8 = _tc_combine1(sums1[0], sums1[1], x_p, root1p,
                            bias1[None, :], ln1_g[None, :], ln1_b[None, :])

    hsrc2 = _sc_gather(h1, src2d, 128)
    msg2 = _tc_msg(ea_p, hsrc2, waug2, sbr2, tbr2, obr2, 64, 30, False)
    sums2 = _sc_scatter_add(msg2, dst2d, zeros128, 128)

    h2 = _tc_combine2(sums2[0][:, :32], sums2[1][:, :32], cnt8,
                      h1[:, :64], root2p, bias2p, g2p, b2p)
    prev = jnp.eye(512, dtype=F32)[::-1]
    out = _tc_lstm_head(h2, wihft, wihbt, xbf, xbb, wcat,
                        ln3_g[None, :], ln3_b[None, :], fcwt, fcbp, prev)
    return out[:N, :2]

# --- scband reference (transcript-rebuilt; emitter-appended) ---
"""Pipeline reference for scband-gcn-bi-lstmk-91156385890780 (READ-ONLY COPY).

The authoritative reference and input builder live on the scoring server;
editing this copy changes nothing except your own understanding.
"""

import jax, jax.numpy as jnp
import numpy as np

N = 10000
E = 160000
F_NODE = 26
F_EDGE = 21
H1 = 64
H2 = 30
LH = 64


def _init(key, shape, scale=0.1):
    return scale * jax.random.normal(key, shape, dtype=jnp.float32)


def setup_inputs(seed: int = 0):
    key = jax.random.key(seed)
    ks = jax.random.split(key, 16)
    inp = {}
    inp['x'] = jax.random.normal(ks[0], (N, F_NODE), dtype=jnp.float32)
    inp['edge_attr'] = jax.random.normal(ks[1], (E, F_EDGE), dtype=jnp.float32)
    inp['edge_index'] = jax.random.randint(ks[2], (2, E), 0, N, dtype=jnp.int32)
    # NNConv layer 1: edge-MLP Linear(21 -> 26*64), root weight, bias
    inp['W1e'] = _init(ks[3], (F_EDGE, F_NODE * H1))
    inp['b1e'] = jnp.zeros((F_NODE * H1,), jnp.float32)
    inp['root1'] = _init(ks[4], (F_NODE, H1))
    inp['bias1'] = jnp.zeros((H1,), jnp.float32)
    inp['ln1_g'] = jnp.ones((H1,), jnp.float32)
    inp['ln1_b'] = jnp.zeros((H1,), jnp.float32)
    # NNConv layer 2: edge-MLP Linear(21 -> 64*30), root weight, bias
    inp['W2e'] = _init(ks[5], (F_EDGE, H1 * H2))
    inp['b2e'] = jnp.zeros((H1 * H2,), jnp.float32)
    inp['root2'] = _init(ks[6], (H1, H2))
    inp['bias2'] = jnp.zeros((H2,), jnp.float32)
    inp['ln2_g'] = jnp.ones((H2,), jnp.float32)
    inp['ln2_b'] = jnp.zeros((H2,), jnp.float32)
    # Bidirectional LSTM (1 layer), torch gate order i,f,g,o
    inp['Wih_f'] = _init(ks[7], (4 * LH, H2))
    inp['Whh_f'] = _init(ks[8], (4 * LH, LH))
    inp['bih_f'] = jnp.zeros((4 * LH,), jnp.float32)
    inp['bhh_f'] = jnp.zeros((4 * LH,), jnp.float32)
    inp['Wih_b'] = _init(ks[9], (4 * LH, H2))
    inp['Whh_b'] = _init(ks[10], (4 * LH, LH))
    inp['bih_b'] = jnp.zeros((4 * LH,), jnp.float32)
    inp['bhh_b'] = jnp.zeros((4 * LH,), jnp.float32)
    inp['ln3_g'] = jnp.ones((2 * LH,), jnp.float32)
    inp['ln3_b'] = jnp.zeros((2 * LH,), jnp.float32)
    inp['fcW'] = _init(ks[11], (2, 2 * LH))
    inp['fcb'] = jnp.zeros((2,), jnp.float32)
    return inp


def _layer_norm(h, g, b):
    m = jnp.mean(h, axis=-1, keepdims=True)
    v = jnp.mean((h - m) ** 2, axis=-1, keepdims=True)
    return (h - m) / jnp.sqrt(v + 1e-5) * g + b


def _leaky(h):
    return jnp.where(h >= 0, h, 0.01 * h)


def _nnconv(h, edge_index, edge_attr, We, be, root, bias, in_c, out_c):
    src = edge_index[0]
    dst = edge_index[1]
    # per-edge weight matrices from the edge MLP (as in PyG NNConv)
    w = (edge_attr @ We + be).reshape(-1, in_c, out_c)
    msg = jnp.einsum('ec,eco->eo', h[src], w)
    s = jax.ops.segment_sum(msg, dst, num_segments=h.shape[0])
    cnt = jax.ops.segment_sum(jnp.ones((msg.shape[0], 1), msg.dtype), dst, num_segments=h.shape[0])
    agg = s / jnp.maximum(cnt, 1.0)  # aggr='mean'
    return agg + h @ root + bias


def _lstm_dir(xs, Wih, Whh, bih, bhh):
    H = Whh.shape[1]

    def step(carry, xt):
        hprev, cprev = carry
        g = xt @ Wih.T + bih + hprev @ Whh.T + bhh
        i, f, gg, o = jnp.split(g, 4)
        c = jax.nn.sigmoid(f) * cprev + jax.nn.sigmoid(i) * jnp.tanh(gg)
        hnew = jax.nn.sigmoid(o) * jnp.tanh(c)
        return (hnew, c), hnew

    init = (jnp.zeros((H,), xs.dtype), jnp.zeros((H,), xs.dtype))
    _, hs = jax.lax.scan(step, init, xs)
    return hs


def reference(x, edge_attr, edge_index, W1e, b1e, root1, bias1, ln1_g, ln1_b,
              W2e, b2e, root2, bias2, ln2_g, ln2_b,
              Wih_f, Whh_f, bih_f, bhh_f, Wih_b, Whh_b, bih_b, bhh_b,
              ln3_g, ln3_b, fcW, fcb):
    h = _nnconv(x, edge_index, edge_attr, W1e, b1e, root1, bias1, F_NODE, H1)
    h = _leaky(_layer_norm(h, ln1_g, ln1_b))  # dropout is identity in eval mode
    h = _nnconv(h, edge_index, edge_attr, W2e, b2e, root2, bias2, H1, H2)
    h = _leaky(_layer_norm(h, ln2_g, ln2_b))
    # LSTM over all N nodes as one sequence (batch=1, batch_first), bidirectional
    hf = _lstm_dir(h, Wih_f, Whh_f, bih_f, bhh_f)
    hb = _lstm_dir(h[::-1], Wih_b, Whh_b, bih_b, bhh_b)[::-1]
    h = jnp.concatenate([hf, hb], axis=-1)
    h = _layer_norm(h, ln3_g, ln3_b)
    return h @ fcW.T + fcb

if __name__ == "__main__":
    import jax
    _d = setup_inputs()
    print(jax.jit(kernel)(*tuple(_d.values())))

</pallas_src>

<mosaic_0001>
#map = affine_map<(d0, d1) -> (0, 0)>
#map1 = affine_map<(d0, d1) -> (0, 0, 0)>
module attributes {stable_mosaic.version = 14 : i64} {
  func.func @k(%arg0: i32, %arg1: i32, %arg2: memref<163840x128xf32, #tpu.memory_space<hbm>>, %arg3: memref<1280x128xi32, #tpu.memory_space<hbm>>, %arg4: memref<10240x128xf32, #tpu.memory_space<hbm>>, %arg5: memref<2x10240x128xf32, #tpu.memory_space<hbm>>, %arg6: memref<40x128xi32, #tpu.memory_space<vmem>>, %arg7: memref<128x128xf32, #tpu.memory_space<vmem>>, %arg8: memref<128x128xf32, #tpu.memory_space<vmem>>, %arg9: memref<10240x128xf32, #tpu.memory_space<vmem_shared>>, %arg10: memref<!tpu.dma_semaphore, #tpu.memory_space<semaphore_mem>>, %arg11: memref<!tpu.dma_semaphore, #tpu.memory_space<semaphore_mem>>) attributes {dimension_semantics = [#tpu.dimension_semantics<core_parallel>, #tpu.dimension_semantics<subcore_parallel>], iteration_bounds = array<i64: 2, 16>, scalar_prefetch = 0 : i64, scratch_operands = 6 : i64, tpu.core_type = #tpu.core_type<sc_vector_subcore>, window_params = [{transform_indices = #map}, {transform_indices = #map}, {transform_indices = #map}, {transform_indices = #map1}]} {
    %mul3A = arith.constant 2 : i32
    %mul3A_0 = arith.muli %arg1, %mul3A : i32
    %add3A = arith.addi %mul3A_0, %arg0 : i32
    %mul3A_1 = arith.constant 5120 : i32
    %mul3A_2 = arith.muli %add3A, %mul3A_1 : i32
    %mul3A_3 = arith.constant 640 : i32
    %mul3A_4 = arith.muli %arg1, %mul3A_3 : i32
    %mul3A_5 = arith.constant 640 : i32
    %mul3A_6 = arith.muli %arg1, %mul3A_5 : i32
    "tpu.region"() ({
      %run_scoped3A = tpu.sem_alloc : memref<!tpu.dma_semaphore, #tpu.memory_space<semaphore_mem>>
      %dma_start3A = arith.constant 0 : i32
      %dma_start3A_19 = tpu.memref_slice %arg9[%mul3A_6, %dma_start3A] : memref<10240x128xf32, #tpu.memory_space<vmem_shared>> -> memref<640x128xf32, #tpu.memory_space<vmem_shared>>
      %dma_start3A_20 = arith.constant 0 : i32
      %dma_start3A_21 = tpu.memref_slice %arg4[%mul3A_4, %dma_start3A_20] : memref<10240x128xf32, #tpu.memory_space<hbm>> -> memref<640x128xf32, #tpu.memory_space<hbm>>
      tpu.enqueue_dma source(%dma_start3A_21 : memref<640x128xf32, #tpu.memory_space<hbm>>) target(%dma_start3A_19 : memref<640x128xf32, #tpu.memory_space<vmem_shared>>) target_semaphore(%run_scoped3A : memref<!tpu.dma_semaphore, #tpu.memory_space<semaphore_mem>>)
      %dma_wait3A = arith.constant 0 : i32
      %dma_wait3A_22 = tpu.memref_slice %arg9[%mul3A_6, %dma_wait3A] : memref<10240x128xf32, #tpu.memory_space<vmem_shared>> -> memref<640x128xf32, #tpu.memory_space<vmem_shared>>
      %dma_wait3A_23 = arith.constant 0 : i32
      %dma_wait3A_24 = tpu.memref_slice %arg4[%mul3A_4, %dma_wait3A_23] : memref<10240x128xf32, #tpu.memory_space<hbm>> -> memref<640x128xf32, #tpu.memory_space<hbm>>
      tpu.wait_dma2 semaphore(%run_scoped3A : memref<!tpu.dma_semaphore, #tpu.memory_space<semaphore_mem>>) src(%dma_wait3A_24 : memref<640x128xf32, #tpu.memory_space<hbm>>) dst(%dma_wait3A_22 : memref<640x128xf32, #tpu.memory_space<vmem_shared>>)
      tpu.yield
    }) : () -> ()
    %mul3A_7 = arith.constant 40 : i32
    %mul3A_8 = arith.muli %add3A, %mul3A_7 : i32
    "tpu.region"() ({
      %run_scoped3A = tpu.sem_alloc : memref<!tpu.dma_semaphore, #tpu.memory_space<semaphore_mem>>
      %dma_start3A = arith.constant 0 : i32
      %dma_start3A_19 = tpu.memref_slice %arg3[%mul3A_8, %dma_start3A] : memref<1280x128xi32, #tpu.memory_space<hbm>> -> memref<40x128xi32, #tpu.memory_space<hbm>>
      %dma_start3A_20 = arith.constant 0 : i32
      %dma_start3A_21 = tpu.memref_slice %arg3[%mul3A_8, %dma_start3A_20] : memref<1280x128xi32, #tpu.memory_space<hbm>> -> memref<40x128xi32, #tpu.memory_space<hbm>>
      tpu.enqueue_dma source(%dma_start3A_21 : memref<40x128xi32, #tpu.memory_space<hbm>>) target(%arg6 : memref<40x128xi32, #tpu.memory_space<vmem>>) target_semaphore(%run_scoped3A : memref<!tpu.dma_semaphore, #tpu.memory_space<semaphore_mem>>)
      %dma_wait3A = arith.constant 0 : i32
      %dma_wait3A_22 = tpu.memref_slice %arg3[%mul3A_8, %dma_wait3A] : memref<1280x128xi32, #tpu.memory_space<hbm>> -> memref<40x128xi32, #tpu.memory_space<hbm>>
      %dma_wait3A_23 = arith.constant 0 : i32
      %dma_wait3A_24 = tpu.memref_slice %arg3[%mul3A_8, %dma_wait3A_23] : memref<1280x128xi32, #tpu.memory_space<hbm>> -> memref<40x128xi32, #tpu.memory_space<hbm>>
      tpu.wait_dma2 semaphore(%run_scoped3A : memref<!tpu.dma_semaphore, #tpu.memory_space<semaphore_mem>>) src(%dma_wait3A_24 : memref<40x128xi32, #tpu.memory_space<hbm>>) dst(%arg6 : memref<40x128xi32, #tpu.memory_space<vmem>>)
      tpu.yield
    }) : () -> ()
    %barrier3A = arith.constant 0 : index
    tpu.barrier barrier_id(%barrier3A)
    %scan3A = arith.constant 0 : i32
    %scan3A_9 = arith.constant 0 : i32
    %scan3A_10 = arith.constant 40 : i32
    %scan3A_11 = arith.addi %scan3A_9, %scan3A_10 : i32
    %scan3A_12 = arith.constant 1 : i32
    scf.for %scan3A_19 = %scan3A_9 to %scan3A_11 step %scan3A_12  : i32 {
      %mul3A_20 = arith.constant 128 : i32
      %mul3A_21 = arith.muli %scan3A_19, %mul3A_20 : i32
      %add3A_22 = arith.addi %mul3A_2, %mul3A_21 : i32
      "tpu.region"() ({
        %run_scoped3A = tpu.sem_alloc : memref<!tpu.dma_semaphore, #tpu.memory_space<semaphore_mem>>
        %dma_start3A = arith.constant 0 : i32
        %dma_start3A_23 = tpu.memref_slice %arg2[%add3A_22, %dma_start3A] : memref<163840x128xf32, #tpu.memory_space<hbm>> -> memref<128x128xf32, #tpu.memory_space<hbm>>
        %dma_start3A_24 = arith.constant 0 : i32
        %dma_start3A_25 = tpu.memref_slice %arg2[%add3A_22, %dma_start3A_24] : memref<163840x128xf32, #tpu.memory_space<hbm>> -> memref<128x128xf32, #tpu.memory_space<hbm>>
        tpu.enqueue_dma source(%dma_start3A_25 : memref<128x128xf32, #tpu.memory_space<hbm>>) target(%arg7 : memref<128x128xf32, #tpu.memory_space<vmem>>) target_semaphore(%run_scoped3A : memref<!tpu.dma_semaphore, #tpu.memory_space<semaphore_mem>>)
        %dma_wait3A = arith.constant 0 : i32
        %dma_wait3A_26 = tpu.memref_slice %arg2[%add3A_22, %dma_wait3A] : memref<163840x128xf32, #tpu.memory_space<hbm>> -> memref<128x128xf32, #tpu.memory_space<hbm>>
        %dma_wait3A_27 = arith.constant 0 : i32
        %dma_wait3A_28 = tpu.memref_slice %arg2[%add3A_22, %dma_wait3A_27] : memref<163840x128xf32, #tpu.memory_space<hbm>> -> memref<128x128xf32, #tpu.memory_space<hbm>>
        tpu.wait_dma2 semaphore(%run_scoped3A : memref<!tpu.dma_semaphore, #tpu.memory_space<semaphore_mem>>) src(%dma_wait3A_28 : memref<128x128xf32, #tpu.memory_space<hbm>>) dst(%arg7 : memref<128x128xf32, #tpu.memory_space<vmem>>)
        tpu.yield
      }) : () -> ()
      "tpu.region"() ({
        %run_scoped3A = tpu.sem_alloc : memref<!tpu.dma_semaphore, #tpu.memory_space<semaphore_mem>>
        %dma_start3A = arith.constant 0 : i32
        %dma_start3A_23 = tpu.memref_slice %arg6[%scan3A_19, %dma_start3A] : memref<40x128xi32, #tpu.memory_space<vmem>> -> memref<1x128xi32, #tpu.memory_space<vmem>>
        %dma_start3A_24 = tpu.memref_squeeze %dma_start3A_23 : memref<1x128xi32, #tpu.memory_space<vmem>> -> memref<128xi32, #tpu.memory_space<vmem>>
        %dma_start3A_25 = arith.constant 0 : i32
        %dma_start3A_26 = arith.constant 0 : i32
        %dma_start3A_27 = tpu.memref_slice %arg9[%dma_start3A_25, %dma_start3A_26] : memref<10240x128xf32, #tpu.memory_space<vmem_shared>> -> memref<10240x128xf32, #tpu.memory_space<vmem_shared>>
        tpu.enqueue_indirect_dma source(%arg7 : memref<128x128xf32, #tpu.memory_space<vmem>>) target(%dma_start3A_27 : memref<10240x128xf32, #tpu.memory_space<vmem_shared>>) offsets(%dma_start3A_24 : memref<128xi32, #tpu.memory_space<vmem>>) semaphore(%run_scoped3A : memref<!tpu.dma_semaphore, #tpu.memory_space<semaphore_mem>>) {add = true}
        %dma_wait3A = arith.constant 0 : i32
        %dma_wait3A_28 = tpu.memref_slice %arg6[%scan3A_19, %dma_wait3A] : memref<40x128xi32, #tpu.memory_space<vmem>> -> memref<1x128xi32, #tpu.memory_space<vmem>>
        %dma_wait3A_29 = tpu.memref_squeeze %dma_wait3A_28 : memref<1x128xi32, #tpu.memory_space<vmem>> -> memref<128xi32, #tpu.memory_space<vmem>>
        %dma_wait3A_30 = arith.constant 0 : i32
        %dma_wait3A_31 = arith.constant 0 : i32
        %dma_wait3A_32 = tpu.memref_slice %arg9[%dma_wait3A_30, %dma_wait3A_31] : memref<10240x128xf32, #tpu.memory_space<vmem_shared>> -> memref<10240x128xf32, #tpu.memory_space<vmem_shared>>
        tpu.wait_indirect_dma semaphore(%run_scoped3A : memref<!tpu.dma_semaphore, #tpu.memory_space<semaphore_mem>>) src(%arg7 : memref<128x128xf32, #tpu.memory_space<vmem>>) dst(%dma_wait3A_32 : memref<10240x128xf32, #tpu.memory_space<vmem_shared>>)
        tpu.yield
      }) : () -> ()
    }
    %scan3A_13 = arith.constant 40 : i32
    %barrier3A_14 = arith.constant 0 : index
    tpu.barrier barrier_id(%barrier3A_14)
    %mul3A_15 = arith.constant 640 : i32
    %mul3A_16 = arith.muli %arg1, %mul3A_15 : i32
    %mul3A_17 = arith.constant 640 : i32
    %mul3A_18 = arith.muli %arg1, %mul3A_17 : i32
    "tpu.region"() ({
      %run_scoped3A = tpu.sem_alloc : memref<!tpu.dma_semaphore, #tpu.memory_space<semaphore_mem>>
      %dma_start3A = arith.constant 0 : i32
      %dma_start3A_19 = tpu.memref_slice %arg5[%arg0, %mul3A_18, %dma_start3A] : memref<2x10240x128xf32, #tpu.memory_space<hbm>> -> memref<1x640x128xf32, #tpu.memory_space<hbm>>
      %dma_start3A_20 = tpu.memref_squeeze %dma_start3A_19 : memref<1x640x128xf32, #tpu.memory_space<hbm>> -> memref<640x128xf32, #tpu.memory_space<hbm>>
      %dma_start3A_21 = arith.constant 0 : i32
      %dma_start3A_22 = tpu.memref_slice %arg9[%mul3A_16, %dma_start3A_21] : memref<10240x128xf32, #tpu.memory_space<vmem_shared>> -> memref<640x128xf32, #tpu.memory_space<vmem_shared>>
      tpu.enqueue_dma source(%dma_start3A_22 : memref<640x128xf32, #tpu.memory_space<vmem_shared>>) target(%dma_start3A_20 : memref<640x128xf32, #tpu.memory_space<hbm>>) target_semaphore(%run_scoped3A : memref<!tpu.dma_semaphore, #tpu.memory_space<semaphore_mem>>)
      %dma_wait3A = arith.constant 0 : i32
      %dma_wait3A_23 = tpu.memref_slice %arg5[%arg0, %mul3A_18, %dma_wait3A] : memref<2x10240x128xf32, #tpu.memory_space<hbm>> -> memref<1x640x128xf32, #tpu.memory_space<hbm>>
      %dma_wait3A_24 = tpu.memref_squeeze %dma_wait3A_23 : memref<1x640x128xf32, #tpu.memory_space<hbm>> -> memref<640x128xf32, #tpu.memory_space<hbm>>
      %dma_wait3A_25 = arith.constant 0 : i32
      %dma_wait3A_26 = tpu.memref_slice %arg9[%mul3A_16, %dma_wait3A_25] : memref<10240x128xf32, #tpu.memory_space<vmem_shared>> -> memref<640x128xf32, #tpu.memory_space<vmem_shared>>
      tpu.wait_dma2 semaphore(%run_scoped3A : memref<!tpu.dma_semaphore, #tpu.memory_space<semaphore_mem>>) src(%dma_wait3A_26 : memref<640x128xf32, #tpu.memory_space<vmem_shared>>) dst(%dma_wait3A_24 : memref<640x128xf32, #tpu.memory_space<hbm>>)
      tpu.yield
    }) : () -> ()
    return
  }
}

#map = affine_map<(d0, d1) -> (0, 0)>
module attributes {stable_mosaic.version = 14 : i64} {
  func.func @k(%arg0: i32, %arg1: i32, %arg2: memref<10240x128xf32, #tpu.memory_space<hbm>>, %arg3: memref<1280x128xi32, #tpu.memory_space<hbm>>, %arg4: memref<163840x128xf32, #tpu.memory_space<hbm>>, %arg5: memref<40x128xi32, #tpu.memory_space<vmem>>, %arg6: memref<128x128xf32, #tpu.memory_space<vmem>>, %arg7: memref<128x128xf32, #tpu.memory_space<vmem>>, %arg8: memref<128x128xf32, #tpu.memory_space<vmem>>, %arg9: memref<128x128xf32, #tpu.memory_space<vmem>>, %arg10: memref<!tpu.dma_semaphore, #tpu.memory_space<semaphore_mem>>, %arg11: memref<!tpu.dma_semaphore, #tpu.memory_space<semaphore_mem>>) attributes {dimension_semantics = [#tpu.dimension_semantics<core_parallel>, #tpu.dimension_semantics<subcore_parallel>], iteration_bounds = array<i64: 2, 16>, scalar_prefetch = 0 : i64, scratch_operands = 7 : i64, tpu.core_type = #tpu.core_type<sc_vector_subcore>, window_params = [{transform_indices = #map}, {transform_indices = #map}, {transform_indices = #map}]} {
    %mul3A = arith.constant 2 : i32
    %mul3A_0 = arith.muli %arg1, %mul3A : i32
    %add3A = arith.addi %mul3A_0, %arg0 : i32
    %mul3A_1 = arith.constant 5120 : i32
    %mul3A_2 = arith.muli %add3A, %mul3A_1 : i32
    %mul3A_3 = arith.constant 40 : i32
    %mul3A_4 = arith.muli %add3A, %mul3A_3 : i32
    "tpu.region"() ({
      %run_scoped3A = tpu.sem_alloc : memref<!tpu.dma_semaphore, #tpu.memory_space<semaphore_mem>>
      %dma_start3A = arith.constant 0 : i32
      %dma_start3A_10 = tpu.memref_slice %arg3[%mul3A_4, %dma_start3A] : memref<1280x128xi32, #tpu.memory_space<hbm>> -> memref<40x128xi32, #tpu.memory_space<hbm>>
      %dma_start3A_11 = arith.constant 0 : i32
      %dma_start3A_12 = tpu.memref_slice %arg3[%mul3A_4, %dma_start3A_11] : memref<1280x128xi32, #tpu.memory_space<hbm>> -> memref<40x128xi32, #tpu.memory_space<hbm>>
      tpu.enqueue_dma source(%dma_start3A_12 : memref<40x128xi32, #tpu.memory_space<hbm>>) target(%arg5 : memref<40x128xi32, #tpu.memory_space<vmem>>) target_semaphore(%run_scoped3A : memref<!tpu.dma_semaphore, #tpu.memory_space<semaphore_mem>>)
      %dma_wait3A = arith.constant 0 : i32
      %dma_wait3A_13 = tpu.memref_slice %arg3[%mul3A_4, %dma_wait3A] : memref<1280x128xi32, #tpu.memory_space<hbm>> -> memref<40x128xi32, #tpu.memory_space<hbm>>
      %dma_wait3A_14 = arith.constant 0 : i32
      %dma_wait3A_15 = tpu.memref_slice %arg3[%mul3A_4, %dma_wait3A_14] : memref<1280x128xi32, #tpu.memory_space<hbm>> -> memref<40x128xi32, #tpu.memory_space<hbm>>
      tpu.wait_dma2 semaphore(%run_scoped3A : memref<!tpu.dma_semaphore, #tpu.memory_space<semaphore_mem>>) src(%dma_wait3A_15 : memref<40x128xi32, #tpu.memory_space<hbm>>) dst(%arg5 : memref<40x128xi32, #tpu.memory_space<vmem>>)
      tpu.yield
    }) : () -> ()
    %scan3A = arith.constant 0 : i32
    %scan3A_5 = arith.constant 0 : i32
    %scan3A_6 = arith.constant 10 : i32
    %scan3A_7 = arith.addi %scan3A_5, %scan3A_6 : i32
    %scan3A_8 = arith.constant 1 : i32
    scf.for %scan3A_10 = %scan3A_5 to %scan3A_7 step %scan3A_8  : i32 {
      %mul3A_11 = arith.constant 4 : i32
      %mul3A_12 = arith.muli %scan3A_10, %mul3A_11 : i32
      %add3A_13 = arith.constant 0 : i32
      %add3A_14 = arith.addi %mul3A_12, %add3A_13 : i32
      %dma_start3A = arith.constant 0 : i32
      %dma_start3A_15 = tpu.memref_slice %arg5[%add3A_14, %dma_start3A] : memref<40x128xi32, #tpu.memory_space<vmem>> -> memref<1x128xi32, #tpu.memory_space<vmem>>
      %dma_start3A_16 = tpu.memref_squeeze %dma_start3A_15 : memref<1x128xi32, #tpu.memory_space<vmem>> -> memref<128xi32, #tpu.memory_space<vmem>>
      %dma_start3A_17 = arith.constant 0 : i32
      %dma_start3A_18 = arith.constant 0 : i32
      %dma_start3A_19 = tpu.memref_slice %arg2[%dma_start3A_17, %dma_start3A_18] : memref<10240x128xf32, #tpu.memory_space<hbm>> -> memref<10240x128xf32, #tpu.memory_space<hbm>>
      tpu.enqueue_indirect_dma source(%dma_start3A_19 : memref<10240x128xf32, #tpu.memory_space<hbm>>) target(%arg6 : memref<128x128xf32, #tpu.memory_space<vmem>>) offsets(%dma_start3A_16 : memref<128xi32, #tpu.memory_space<vmem>>) semaphore(%arg10 : memref<!tpu.dma_semaphore, #tpu.memory_space<semaphore_mem>>)
      %mul3A_20 = arith.constant 4 : i32
      %mul3A_21 = arith.muli %scan3A_10, %mul3A_20 : i32
      %add3A_22 = arith.constant 1 : i32
      %add3A_23 = arith.addi %mul3A_21, %add3A_22 : i32
      %dma_start3A_24 = arith.constant 0 : i32
      %dma_start3A_25 = tpu.memref_slice %arg5[%add3A_23, %dma_start3A_24] : memref<40x128xi32, #tpu.memory_space<vmem>> -> memref<1x128xi32, #tpu.memory_space<vmem>>
      %dma_start3A_26 = tpu.memref_squeeze %dma_start3A_25 : memref<1x128xi32, #tpu.memory_space<vmem>> -> memref<128xi32, #tpu.memory_space<vmem>>
      %dma_start3A_27 = arith.constant 0 : i32
      %dma_start3A_28 = arith.constant 0 : i32
      %dma_start3A_29 = tpu.memref_slice %arg2[%dma_start3A_27, %dma_start3A_28] : memref<10240x128xf32, #tpu.memory_space<hbm>> -> memref<10240x128xf32, #tpu.memory_space<hbm>>
      tpu.enqueue_indirect_dma source(%dma_start3A_29 : memref<10240x128xf32, #tpu.memory_space<hbm>>) target(%arg7 : memref<128x128xf32, #tpu.memory_space<vmem>>) offsets(%dma_start3A_26 : memref<128xi32, #tpu.memory_space<vmem>>) semaphore(%arg10 : memref<!tpu.dma_semaphore, #tpu.memory_space<semaphore_mem>>)
      %mul3A_30 = arith.constant 4 : i32
      %mul3A_31 = arith.muli %scan3A_10, %mul3A_30 : i32
      %add3A_32 = arith.constant 2 : i32
      %add3A_33 = arith.addi %mul3A_31, %add3A_32 : i32
      %dma_start3A_34 = arith.constant 0 : i32
      %dma_start3A_35 = tpu.memref_slice %arg5[%add3A_33, %dma_start3A_34] : memref<40x128xi32, #tpu.memory_space<vmem>> -> memref<1x128xi32, #tpu.memory_space<vmem>>
      %dma_start3A_36 = tpu.memref_squeeze %dma_start3A_35 : memref<1x128xi32, #tpu.memory_space<vmem>> -> memref<128xi32, #tpu.memory_space<vmem>>
      %dma_start3A_37 = arith.constant 0 : i32
      %dma_start3A_38 = arith.constant 0 : i32
      %dma_start3A_39 = tpu.memref_slice %arg2[%dma_start3A_37, %dma_start3A_38] : memref<10240x128xf32, #tpu.memory_space<hbm>> -> memref<10240x128xf32, #tpu.memory_space<hbm>>
      tpu.enqueue_indirect_dma source(%dma_start3A_39 : memref<10240x128xf32, #tpu.memory_space<hbm>>) target(%arg8 : memref<128x128xf32, #tpu.memory_space<vmem>>) offsets(%dma_start3A_36 : memref<128xi32, #tpu.memory_space<vmem>>) semaphore(%arg10 : memref<!tpu.dma_semaphore, #tpu.memory_space<semaphore_mem>>)
      %mul3A_40 = arith.constant 4 : i32
      %mul3A_41 = arith.muli %scan3A_10, %mul3A_40 : i32
      %add3A_42 = arith.constant 3 : i32
      %add3A_43 = arith.addi %mul3A_41, %add3A_42 : i32
      %dma_start3A_44 = arith.constant 0 : i32
      %dma_start3A_45 = tpu.memref_slice %arg5[%add3A_43, %dma_start3A_44] : memref<40x128xi32, #tpu.memory_space<vmem>> -> memref<1x128xi32, #tpu.memory_space<vmem>>
      %dma_start3A_46 = tpu.memref_squeeze %dma_start3A_45 : memref<1x128xi32, #tpu.memory_space<vmem>> -> memref<128xi32, #tpu.memory_space<vmem>>
      %dma_start3A_47 = arith.constant 0 : i32
      %dma_start3A_48 = arith.constant 0 : i32
      %dma_start3A_49 = tpu.memref_slice %arg2[%dma_start3A_47, %dma_start3A_48] : memref<10240x128xf32, #tpu.memory_space<hbm>> -> memref<10240x128xf32, #tpu.memory_space<hbm>>
      tpu.enqueue_indirect_dma source(%dma_start3A_49 : memref<10240x128xf32, #tpu.memory_space<hbm>>) target(%arg9 : memref<128x128xf32, #tpu.memory_space<vmem>>) offsets(%dma_start3A_46 : memref<128xi32, #tpu.memory_space<vmem>>) semaphore(%arg10 : memref<!tpu.dma_semaphore, #tpu.memory_space<semaphore_mem>>)
      %dma_wait3A = arith.constant 0 : i32
      %dma_wait3A_50 = tpu.memref_slice %arg5[%add3A_14, %dma_wait3A] : memref<40x128xi32, #tpu.memory_space<vmem>> -> memref<1x128xi32, #tpu.memory_space<vmem>>
      %dma_wait3A_51 = tpu.memref_squeeze %dma_wait3A_50 : memref<1x128xi32, #tpu.memory_space<vmem>> -> memref<128xi32, #tpu.memory_space<vmem>>
      %dma_wait3A_52 = arith.constant 0 : i32
      %dma_wait3A_53 = arith.constant 0 : i32
      %dma_wait3A_54 = tpu.memref_slice %arg2[%dma_wait3A_52, %dma_wait3A_53] : memref<10240x128xf32, #tpu.memory_space<hbm>> -> memref<10240x128xf32, #tpu.memory_space<hbm>>
      tpu.wait_indirect_dma semaphore(%arg10 : memref<!tpu.dma_semaphore, #tpu.memory_space<semaphore_mem>>) src(%dma_wait3A_54 : memref<10240x128xf32, #tpu.memory_space<hbm>>) dst(%arg6 : memref<128x128xf32, #tpu.memory_space<vmem>>)
      %dma_wait3A_55 = arith.constant 0 : i32
      %dma_wait3A_56 = tpu.memref_slice %arg5[%add3A_23, %dma_wait3A_55] : memref<40x128xi32, #tpu.memory_space<vmem>> -> memref<1x128xi32, #tpu.memory_space<vmem>>
      %dma_wait3A_57 = tpu.memref_squeeze %dma_wait3A_56 : memref<1x128xi32, #tpu.memory_space<vmem>> -> memref<128xi32, #tpu.memory_space<vmem>>
      %dma_wait3A_58 = arith.constant 0 : i32
      %dma_wait3A_59 = arith.constant 0 : i32
      %dma_wait3A_60 = tpu.memref_slice %arg2[%dma_wait3A_58, %dma_wait3A_59] : memref<10240x128xf32, #tpu.memory_space<hbm>> -> memref<10240x128xf32, #tpu.memory_space<hbm>>
      tpu.wait_indirect_dma semaphore(%arg10 : memref<!tpu.dma_semaphore, #tpu.memory_space<semaphore_mem>>) src(%dma_wait3A_60 : memref<10240x128xf32, #tpu.memory_space<hbm>>) dst(%arg7 : memref<128x128xf32, #tpu.memory_space<vmem>>)
      %dma_wait3A_61 = arith.constant 0 : i32
      %dma_wait3A_62 = tpu.memref_slice %arg5[%add3A_33, %dma_wait3A_61] : memref<40x128xi32, #tpu.memory_space<vmem>> -> memref<1x128xi32, #tpu.memory_space<vmem>>
      %dma_wait3A_63 = tpu.memref_squeeze %dma_wait3A_62 : memref<1x128xi32, #tpu.memory_space<vmem>> -> memref<128xi32, #tpu.memory_space<vmem>>
      %dma_wait3A_64 = arith.constant 0 : i32
      %dma_wait3A_65 = arith.constant 0 : i32
      %dma_wait3A_66 = tpu.memref_slice %arg2[%dma_wait3A_64, %dma_wait3A_65] : memref<10240x128xf32, #tpu.memory_space<hbm>> -> memref<10240x128xf32, #tpu.memory_space<hbm>>
      tpu.wait_indirect_dma semaphore(%arg10 : memref<!tpu.dma_semaphore, #tpu.memory_space<semaphore_mem>>) src(%dma_wait3A_66 : memref<10240x128xf32, #tpu.memory_space<hbm>>) dst(%arg8 : memref<128x128xf32, #tpu.memory_space<vmem>>)
      %dma_wait3A_67 = arith.constant 0 : i32
      %dma_wait3A_68 = tpu.memref_slice %arg5[%add3A_43, %dma_wait3A_67] : memref<40x128xi32, #tpu.memory_space<vmem>> -> memref<1x128xi32, #tpu.memory_space<vmem>>
      %dma_wait3A_69 = tpu.memref_squeeze %dma_wait3A_68 : memref<1x128xi32, #tpu.memory_space<vmem>> -> memref<128xi32, #tpu.memory_space<vmem>>
      %dma_wait3A_70 = arith.constant 0 : i32
      %dma_wait3A_71 = arith.constant 0 : i32
      %dma_wait3A_72 = tpu.memref_slice %arg2[%dma_wait3A_70, %dma_wait3A_71] : memref<10240x128xf32, #tpu.memory_space<hbm>> -> memref<10240x128xf32, #tpu.memory_space<hbm>>
      tpu.wait_indirect_dma semaphore(%arg10 : memref<!tpu.dma_semaphore, #tpu.memory_space<semaphore_mem>>) src(%dma_wait3A_72 : memref<10240x128xf32, #tpu.memory_space<hbm>>) dst(%arg9 : memref<128x128xf32, #tpu.memory_space<vmem>>)
      %mul3A_73 = arith.constant 4 : i32
      %mul3A_74 = arith.muli %scan3A_10, %mul3A_73 : i32
      %add3A_75 = arith.constant 0 : i32
      %add3A_76 = arith.addi %mul3A_74, %add3A_75 : i32
      %mul3A_77 = arith.constant 128 : i32
      %mul3A_78 = arith.muli %add3A_76, %mul3A_77 : i32
      %add3A_79 = arith.addi %mul3A_2, %mul3A_78 : i32
      %dma_start3A_80 = arith.constant 0 : i32
      %dma_start3A_81 = tpu.memref_slice %arg4[%add3A_79, %dma_start3A_80] : memref<163840x128xf32, #tpu.memory_space<hbm>> -> memref<128x128xf32, #tpu.memory_space<hbm>>
      %dma_start3A_82 = arith.constant 0 : i32
      %dma_start3A_83 = tpu.memref_slice %arg4[%add3A_79, %dma_start3A_82] : memref<163840x128xf32, #tpu.memory_space<hbm>> -> memref<128x128xf32, #tpu.memory_space<hbm>>
      tpu.enqueue_dma source(%arg6 : memref<128x128xf32, #tpu.memory_space<vmem>>) target(%dma_start3A_83 : memref<128x128xf32, #tpu.memory_space<hbm>>) target_semaphore(%arg11 : memref<!tpu.dma_semaphore, #tpu.memory_space<semaphore_mem>>)
      %mul3A_84 = arith.constant 4 : i32
      %mul3A_85 = arith.muli %scan3A_10, %mul3A_84 : i32
      %add3A_86 = arith.constant 1 : i32
      %add3A_87 = arith.addi %mul3A_85, %add3A_86 : i32
      %mul3A_88 = arith.constant 128 : i32
      %mul3A_89 = arith.muli %add3A_87, %mul3A_88 : i32
      %add3A_90 = arith.addi %mul3A_2, %mul3A_89 : i32
      %dma_start3A_91 = arith.constant 0 : i32
      %dma_start3A_92 = tpu.memref_slice %arg4[%add3A_90, %dma_start3A_91] : memref<163840x128xf32, #tpu.memory_space<hbm>> -> memref<128x128xf32, #tpu.memory_space<hbm>>
      %dma_start3A_93 = arith.constant 0 : i32
      %dma_start3A_94 = tpu.memref_slice %arg4[%add3A_90, %dma_start3A_93] : memref<163840x128xf32, #tpu.memory_space<hbm>> -> memref<128x128xf32, #tpu.memory_space<hbm>>
      tpu.enqueue_dma source(%arg7 : memref<128x128xf32, #tpu.memory_space<vmem>>) target(%dma_start3A_94 : memref<128x128xf32, #tpu.memory_space<hbm>>) target_semaphore(%arg11 : memref<!tpu.dma_semaphore, #tpu.memory_space<semaphore_mem>>)
      %mul3A_95 = arith.constant 4 : i32
      %mul3A_96 = arith.muli %scan3A_10, %mul3A_95 : i32
      %add3A_97 = arith.constant 2 : i32
      %add3A_98 = arith.addi %mul3A_96, %add3A_97 : i32
      %mul3A_99 = arith.constant 128 : i32
      %mul3A_100 = arith.muli %add3A_98, %mul3A_99 : i32
      %add3A_101 = arith.addi %mul3A_2, %mul3A_100 : i32
      %dma_start3A_102 = arith.constant 0 : i32
      %dma_start3A_103 = tpu.memref_slice %arg4[%add3A_101, %dma_start3A_102] : memref<163840x128xf32, #tpu.memory_space<hbm>> -> memref<128x128xf32, #tpu.memory_space<hbm>>
      %dma_start3A_104 = arith.constant 0 : i32
      %dma_start3A_105 = tpu.memref_slice %arg4[%add3A_101, %dma_start3A_104] : memref<163840x128xf32, #tpu.memory_space<hbm>> -> memref<128x128xf32, #tpu.memory_space<hbm>>
      tpu.enqueue_dma source(%arg8 : memref<128x128xf32, #tpu.memory_space<vmem>>) target(%dma_start3A_105 : memref<128x128xf32, #tpu.memory_space<hbm>>) target_semaphore(%arg11 : memref<!tpu.dma_semaphore, #tpu.memory_space<semaphore_mem>>)
      %mul3A_106 = arith.constant 4 : i32
      %mul3A_107 = arith.muli %scan3A_10, %mul3A_106 : i32
      %add3A_108 = arith.constant 3 : i32
      %add3A_109 = arith.addi %mul3A_107, %add3A_108 : i32
      %mul3A_110 = arith.constant 128 : i32
      %mul3A_111 = arith.muli %add3A_109, %mul3A_110 : i32
      %add3A_112 = arith.addi %mul3A_2, %mul3A_111 : i32
      %dma_start3A_113 = arith.constant 0 : i32
      %dma_start3A_114 = tpu.memref_slice %arg4[%add3A_112, %dma_start3A_113] : memref<163840x128xf32, #tpu.memory_space<hbm>> -> memref<128x128xf32, #tpu.memory_space<hbm>>
      %dma_start3A_115 = arith.constant 0 : i32
      %dma_start3A_116 = tpu.memref_slice %arg4[%add3A_112, %dma_start3A_115] : memref<163840x128xf32, #tpu.memory_space<hbm>> -> memref<128x128xf32, #tpu.memory_space<hbm>>
      tpu.enqueue_dma source(%arg9 : memref<128x128xf32, #tpu.memory_space<vmem>>) target(%dma_start3A_116 : memref<128x128xf32, #tpu.memory_space<hbm>>) target_semaphore(%arg11 : memref<!tpu.dma_semaphore, #tpu.memory_space<semaphore_mem>>)
      %dma_wait3A_117 = arith.constant 0 : i32
      %dma_wait3A_118 = tpu.memref_slice %arg4[%add3A_79, %dma_wait3A_117] : memref<163840x128xf32, #tpu.memory_space<hbm>> -> memref<128x128xf32, #tpu.memory_space<hbm>>
      %dma_wait3A_119 = arith.constant 0 : i32
      %dma_wait3A_120 = tpu.memref_slice %arg4[%add3A_79, %dma_wait3A_119] : memref<163840x128xf32, #tpu.memory_space<hbm>> -> memref<128x128xf32, #tpu.memory_space<hbm>>
      tpu.wait_dma2 semaphore(%arg11 : memref<!tpu.dma_semaphore, #tpu.memory_space<semaphore_mem>>) src(%arg6 : memref<128x128xf32, #tpu.memory_space<vmem>>) dst(%dma_wait3A_120 : memref<128x128xf32, #tpu.memory_space<hbm>>)
      %dma_wait3A_121 = arith.constant 0 : i32
      %dma_wait3A_122 = tpu.memref_slice %arg4[%add3A_90, %dma_wait3A_121] : memref<163840x128xf32, #tpu.memory_space<hbm>> -> memref<128x128xf32, #tpu.memory_space<hbm>>
      %dma_wait3A_123 = arith.constant 0 : i32
      %dma_wait3A_124 = tpu.memref_slice %arg4[%add3A_90, %dma_wait3A_123] : memref<163840x128xf32, #tpu.memory_space<hbm>> -> memref<128x128xf32, #tpu.memory_space<hbm>>
      tpu.wait_dma2 semaphore(%arg11 : memref<!tpu.dma_semaphore, #tpu.memory_space<semaphore_mem>>) src(%arg7 : memref<128x128xf32, #tpu.memory_space<vmem>>) dst(%dma_wait3A_124 : memref<128x128xf32, #tpu.memory_space<hbm>>)
      %dma_wait3A_125 = arith.constant 0 : i32
      %dma_wait3A_126 = tpu.memref_slice %arg4[%add3A_101, %dma_wait3A_125] : memref<163840x128xf32, #tpu.memory_space<hbm>> -> memref<128x128xf32, #tpu.memory_space<hbm>>
      %dma_wait3A_127 = arith.constant 0 : i32
      %dma_wait3A_128 = tpu.memref_slice %arg4[%add3A_101, %dma_wait3A_127] : memref<163840x128xf32, #tpu.memory_space<hbm>> -> memref<128x128xf32, #tpu.memory_space<hbm>>
      tpu.wait_dma2 semaphore(%arg11 : memref<!tpu.dma_semaphore, #tpu.memory_space<semaphore_mem>>) src(%arg8 : memref<128x128xf32, #tpu.memory_space<vmem>>) dst(%dma_wait3A_128 : memref<128x128xf32, #tpu.memory_space<hbm>>)
      %dma_wait3A_129 = arith.constant 0 : i32
      %dma_wait3A_130 = tpu.memref_slice %arg4[%add3A_112, %dma_wait3A_129] : memref<163840x128xf32, #tpu.memory_space<hbm>> -> memref<128x128xf32, #tpu.memory_space<hbm>>
      %dma_wait3A_131 = arith.constant 0 : i32
      %dma_wait3A_132 = tpu.memref_slice %arg4[%add3A_112, %dma_wait3A_131] : memref<163840x128xf32, #tpu.memory_space<hbm>> -> memref<128x128xf32, #tpu.memory_space<hbm>>
      tpu.wait_dma2 semaphore(%arg11 : memref<!tpu.dma_semaphore, #tpu.memory_space<semaphore_mem>>) src(%arg9 : memref<128x128xf32, #tpu.memory_space<vmem>>) dst(%dma_wait3A_132 : memref<128x128xf32, #tpu.memory_space<hbm>>)
    }
    %scan3A_9 = arith.constant 10 : i32
    return
  }
}

#map = affine_map<(d0, d1) -> (0, 0)>
module attributes {stable_mosaic.version = 14 : i64} {
  func.func @k(%arg0: i32, %arg1: i32, %arg2: memref<10240x128xf32, #tpu.memory_space<hbm>>, %arg3: memref<1280x128xi32, #tpu.memory_space<hbm>>, %arg4: memref<163840x128xf32, #tpu.memory_space<hbm>>, %arg5: memref<40x128xi32, #tpu.memory_space<vmem>>, %arg6: memref<128x128xf32, #tpu.memory_space<vmem>>, %arg7: memref<128x128xf32, #tpu.memory_space<vmem>>, %arg8: memref<128x128xf32, #tpu.memory_space<vmem>>, %arg9: memref<128x128xf32, #tpu.memory_space<vmem>>, %arg10: memref<!tpu.dma_semaphore, #tpu.memory_space<semaphore_mem>>, %arg11: memref<!tpu.dma_semaphore, #tpu.memory_space<semaphore_mem>>) attributes {dimension_semantics = [#tpu.dimension_semantics<core_parallel>, #tpu.dimension_semantics<subcore_parallel>], iteration_bounds = array<i64: 2, 16>, scalar_prefetch = 0 : i64, scratch_operands = 7 : i64, tpu.core_type = #tpu.core_type<sc_vector_subcore>, window_params = [{transform_indices = #map}, {transform_indices = #map}, {transform_indices = #map}]} {
    %mul3A = arith.constant 2 : i32
    %mul3A_0 = arith.muli %arg1, %mul3A : i32
    %add3A = arith.addi %mul3A_0, %arg0 : i32
    %mul3A_1 = arith.constant 5120 : i32
    %mul3A_2 = arith.muli %add3A, %mul3A_1 : i32
    %mul3A_3 = arith.constant 40 : i32
    %mul3A_4 = arith.muli %add3A, %mul3A_3 : i32
    "tpu.region"() ({
      %run_scoped3A = tpu.sem_alloc : memref<!tpu.dma_semaphore, #tpu.memory_space<semaphore_mem>>
      %dma_start3A = arith.constant 0 : i32
      %dma_start3A_10 = tpu.memref_slice %arg3[%mul3A_4, %dma_start3A] : memref<1280x128xi32, #tpu.memory_space<hbm>> -> memref<40x128xi32, #tpu.memory_space<hbm>>
      %dma_start3A_11 = arith.constant 0 : i32
      %dma_start3A_12 = tpu.memref_slice %arg3[%mul3A_4, %dma_start3A_11] : memref<1280x128xi32, #tpu.memory_space<hbm>> -> memref<40x128xi32, #tpu.memory_space<hbm>>
      tpu.enqueue_dma source(%dma_start3A_12 : memref<40x128xi32, #tpu.memory_space<hbm>>) target(%arg5 : memref<40x128xi32, #tpu.memory_space<vmem>>) target_semaphore(%run_scoped3A : memref<!tpu.dma_semaphore, #tpu.memory_space<semaphore_mem>>)
      %dma_wait3A = arith.constant 0 : i32
      %dma_wait3A_13 = tpu.memref_slice %arg3[%mul3A_4, %dma_wait3A] : memref<1280x128xi32, #tpu.memory_space<hbm>> -> memref<40x128xi32, #tpu.memory_space<hbm>>
      %dma_wait3A_14 = arith.constant 0 : i32
      %dma_wait3A_15 = tpu.memref_slice %arg3[%mul3A_4, %dma_wait3A_14] : memref<1280x128xi32, #tpu.memory_space<hbm>> -> memref<40x128xi32, #tpu.memory_space<hbm>>
      tpu.wait_dma2 semaphore(%run_scoped3A : memref<!tpu.dma_semaphore, #tpu.memory_space<semaphore_mem>>) src(%dma_wait3A_15 : memref<40x128xi32, #tpu.memory_space<hbm>>) dst(%arg5 : memref<40x128xi32, #tpu.memory_space<vmem>>)
      tpu.yield
    }) : () -> ()
    %scan3A = arith.constant 0 : i32
    %scan3A_5 = arith.constant 0 : i32
    %scan3A_6 = arith.constant 10 : i32
    %scan3A_7 = arith.addi %scan3A_5, %scan3A_6 : i32
    %scan3A_8 = arith.constant 1 : i32
    scf.for %scan3A_10 = %scan3A_5 to %scan3A_7 step %scan3A_8  : i32 {
      %mul3A_11 = arith.constant 4 : i32
      %mul3A_12 = arith.muli %scan3A_10, %mul3A_11 : i32
      %add3A_13 = arith.constant 0 : i32
      %add3A_14 = arith.addi %mul3A_12, %add3A_13 : i32
      %dma_start3A = arith.constant 0 : i32
      %dma_start3A_15 = tpu.memref_slice %arg5[%add3A_14, %dma_start3A] : memref<40x128xi32, #tpu.memory_space<vmem>> -> memref<1x128xi32, #tpu.memory_space<vmem>>
      %dma_start3A_16 = tpu.memref_squeeze %dma_start3A_15 : memref<1x128xi32, #tpu.memory_space<vmem>> -> memref<128xi32, #tpu.memory_space<vmem>>
      %dma_start3A_17 = arith.constant 0 : i32
      %dma_start3A_18 = arith.constant 0 : i32
      %dma_start3A_19 = tpu.memref_slice %arg2[%dma_start3A_17, %dma_start3A_18] : memref<10240x128xf32, #tpu.memory_space<hbm>> -> memref<10240x128xf32, #tpu.memory_space<hbm>>
      tpu.enqueue_indirect_dma source(%dma_start3A_19 : memref<10240x128xf32, #tpu.memory_space<hbm>>) target(%arg6 : memref<128x128xf32, #tpu.memory_space<vmem>>) offsets(%dma_start3A_16 : memref<128xi32, #tpu.memory_space<vmem>>) semaphore(%arg10 : memref<!tpu.dma_semaphore, #tpu.memory_space<semaphore_mem>>)
      %mul3A_20 = arith.constant 4 : i32
      %mul3A_21 = arith.muli %scan3A_10, %mul3A_20 : i32
      %add3A_22 = arith.constant 1 : i32
      %add3A_23 = arith.addi %mul3A_21, %add3A_22 : i32
      %dma_start3A_24 = arith.constant 0 : i32
      %dma_start3A_25 = tpu.memref_slice %arg5[%add3A_23, %dma_start3A_24] : memref<40x128xi32, #tpu.memory_space<vmem>> -> memref<1x128xi32, #tpu.memory_space<vmem>>
      %dma_start3A_26 = tpu.memref_squeeze %dma_start3A_25 : memref<1x128xi32, #tpu.memory_space<vmem>> -> memref<128xi32, #tpu.memory_space<vmem>>
      %dma_start3A_27 = arith.constant 0 : i32
      %dma_start3A_28 = arith.constant 0 : i32
      %dma_start3A_29 = tpu.memref_slice %arg2[%dma_start3A_27, %dma_start3A_28] : memref<10240x128xf32, #tpu.memory_space<hbm>> -> memref<10240x128xf32, #tpu.memory_space<hbm>>
      tpu.enqueue_indirect_dma source(%dma_start3A_29 : memref<10240x128xf32, #tpu.memory_space<hbm>>) target(%arg7 : memref<128x128xf32, #tpu.memory_space<vmem>>) offsets(%dma_start3A_26 : memref<128xi32, #tpu.memory_space<vmem>>) semaphore(%arg10 : memref<!tpu.dma_semaphore, #tpu.memory_space<semaphore_mem>>)
      %mul3A_30 = arith.constant 4 : i32
      %mul3A_31 = arith.muli %scan3A_10, %mul3A_30 : i32
      %add3A_32 = arith.constant 2 : i32
      %add3A_33 = arith.addi %mul3A_31, %add3A_32 : i32
      %dma_start3A_34 = arith.constant 0 : i32
      %dma_start3A_35 = tpu.memref_slice %arg5[%add3A_33, %dma_start3A_34] : memref<40x128xi32, #tpu.memory_space<vmem>> -> memref<1x128xi32, #tpu.memory_space<vmem>>
      %dma_start3A_36 = tpu.memref_squeeze %dma_start3A_35 : memref<1x128xi32, #tpu.memory_space<vmem>> -> memref<128xi32, #tpu.memory_space<vmem>>
      %dma_start3A_37 = arith.constant 0 : i32
      %dma_start3A_38 = arith.constant 0 : i32
      %dma_start3A_39 = tpu.memref_slice %arg2[%dma_start3A_37, %dma_start3A_38] : memref<10240x128xf32, #tpu.memory_space<hbm>> -> memref<10240x128xf32, #tpu.memory_space<hbm>>
      tpu.enqueue_indirect_dma source(%dma_start3A_39 : memref<10240x128xf32, #tpu.memory_space<hbm>>) target(%arg8 : memref<128x128xf32, #tpu.memory_space<vmem>>) offsets(%dma_start3A_36 : memref<128xi32, #tpu.memory_space<vmem>>) semaphore(%arg10 : memref<!tpu.dma_semaphore, #tpu.memory_space<semaphore_mem>>)
      %mul3A_40 = arith.constant 4 : i32
      %mul3A_41 = arith.muli %scan3A_10, %mul3A_40 : i32
      %add3A_42 = arith.constant 3 : i32
      %add3A_43 = arith.addi %mul3A_41, %add3A_42 : i32
      %dma_start3A_44 = arith.constant 0 : i32
      %dma_start3A_45 = tpu.memref_slice %arg5[%add3A_43, %dma_start3A_44] : memref<40x128xi32, #tpu.memory_space<vmem>> -> memref<1x128xi32, #tpu.memory_space<vmem>>
      %dma_start3A_46 = tpu.memref_squeeze %dma_start3A_45 : memref<1x128xi32, #tpu.memory_space<vmem>> -> memref<128xi32, #tpu.memory_space<vmem>>
      %dma_start3A_47 = arith.constant 0 : i32
      %dma_start3A_48 = arith.constant 0 : i32
      %dma_start3A_49 = tpu.memref_slice %arg2[%dma_start3A_47, %dma_start3A_48] : memref<10240x128xf32, #tpu.memory_space<hbm>> -> memref<10240x128xf32, #tpu.memory_space<hbm>>
      tpu.enqueue_indirect_dma source(%dma_start3A_49 : memref<10240x128xf32, #tpu.memory_space<hbm>>) target(%arg9 : memref<128x128xf32, #tpu.memory_space<vmem>>) offsets(%dma_start3A_46 : memref<128xi32, #tpu.memory_space<vmem>>) semaphore(%arg10 : memref<!tpu.dma_semaphore, #tpu.memory_space<semaphore_mem>>)
      %dma_wait3A = arith.constant 0 : i32
      %dma_wait3A_50 = tpu.memref_slice %arg5[%add3A_14, %dma_wait3A] : memref<40x128xi32, #tpu.memory_space<vmem>> -> memref<1x128xi32, #tpu.memory_space<vmem>>
      %dma_wait3A_51 = tpu.memref_squeeze %dma_wait3A_50 : memref<1x128xi32, #tpu.memory_space<vmem>> -> memref<128xi32, #tpu.memory_space<vmem>>
      %dma_wait3A_52 = arith.constant 0 : i32
      %dma_wait3A_53 = arith.constant 0 : i32
      %dma_wait3A_54 = tpu.memref_slice %arg2[%dma_wait3A_52, %dma_wait3A_53] : memref<10240x128xf32, #tpu.memory_space<hbm>> -> memref<10240x128xf32, #tpu.memory_space<hbm>>
      tpu.wait_indirect_dma semaphore(%arg10 : memref<!tpu.dma_semaphore, #tpu.memory_space<semaphore_mem>>) src(%dma_wait3A_54 : memref<10240x128xf32, #tpu.memory_space<hbm>>) dst(%arg6 : memref<128x128xf32, #tpu.memory_space<vmem>>)
      %dma_wait3A_55 = arith.constant 0 : i32
      %dma_wait3A_56 = tpu.memref_slice %arg5[%add3A_23, %dma_wait3A_55] : memref<40x128xi32, #tpu.memory_space<vmem>> -> memref<1x128xi32, #tpu.memory_space<vmem>>
      %dma_wait3A_57 = tpu.memref_squeeze %dma_wait3A_56 : memref<1x128xi32, #tpu.memory_space<vmem>> -> memref<128xi32, #tpu.memory_space<vmem>>
      %dma_wait3A_58 = arith.constant 0 : i32
      %dma_wait3A_59 = arith.constant 0 : i32
      %dma_wait3A_60 = tpu.memref_slice %arg2[%dma_wait3A_58, %dma_wait3A_59] : memref<10240x128xf32, #tpu.memory_space<hbm>> -> memref<10240x128xf32, #tpu.memory_space<hbm>>
      tpu.wait_indirect_dma semaphore(%arg10 : memref<!tpu.dma_semaphore, #tpu.memory_space<semaphore_mem>>) src(%dma_wait3A_60 : memref<10240x128xf32, #tpu.memory_space<hbm>>) dst(%arg7 : memref<128x128xf32, #tpu.memory_space<vmem>>)
      %dma_wait3A_61 = arith.constant 0 : i32
      %dma_wait3A_62 = tpu.memref_slice %arg5[%add3A_33, %dma_wait3A_61] : memref<40x128xi32, #tpu.memory_space<vmem>> -> memref<1x128xi32, #tpu.memory_space<vmem>>
      %dma_wait3A_63 = tpu.memref_squeeze %dma_wait3A_62 : memref<1x128xi32, #tpu.memory_space<vmem>> -> memref<128xi32, #tpu.memory_space<vmem>>
      %dma_wait3A_64 = arith.constant 0 : i32
      %dma_wait3A_65 = arith.constant 0 : i32
      %dma_wait3A_66 = tpu.memref_slice %arg2[%dma_wait3A_64, %dma_wait3A_65] : memref<10240x128xf32, #tpu.memory_space<hbm>> -> memref<10240x128xf32, #tpu.memory_space<hbm>>
      tpu.wait_indirect_dma semaphore(%arg10 : memref<!tpu.dma_semaphore, #tpu.memory_space<semaphore_mem>>) src(%dma_wait3A_66 : memref<10240x128xf32, #tpu.memory_space<hbm>>) dst(%arg8 : memref<128x128xf32, #tpu.memory_space<vmem>>)
      %dma_wait3A_67 = arith.constant 0 : i32
      %dma_wait3A_68 = tpu.memref_slice %arg5[%add3A_43, %dma_wait3A_67] : memref<40x128xi32, #tpu.memory_space<vmem>> -> memref<1x128xi32, #tpu.memory_space<vmem>>
      %dma_wait3A_69 = tpu.memref_squeeze %dma_wait3A_68 : memref<1x128xi32, #tpu.memory_space<vmem>> -> memref<128xi32, #tpu.memory_space<vmem>>
      %dma_wait3A_70 = arith.constant 0 : i32
      %dma_wait3A_71 = arith.constant 0 : i32
      %dma_wait3A_72 = tpu.memref_slice %arg2[%dma_wait3A_70, %dma_wait3A_71] : memref<10240x128xf32, #tpu.memory_space<hbm>> -> memref<10240x128xf32, #tpu.memory_space<hbm>>
      tpu.wait_indirect_dma semaphore(%arg10 : memref<!tpu.dma_semaphore, #tpu.memory_space<semaphore_mem>>) src(%dma_wait3A_72 : memref<10240x128xf32, #tpu.memory_space<hbm>>) dst(%arg9 : memref<128x128xf32, #tpu.memory_space<vmem>>)
      %mul3A_73 = arith.constant 4 : i32
      %mul3A_74 = arith.muli %scan3A_10, %mul3A_73 : i32
      %add3A_75 = arith.constant 0 : i32
      %add3A_76 = arith.addi %mul3A_74, %add3A_75 : i32
      %mul3A_77 = arith.constant 128 : i32
      %mul3A_78 = arith.muli %add3A_76, %mul3A_77 : i32
      %add3A_79 = arith.addi %mul3A_2, %mul3A_78 : i32
      %dma_start3A_80 = arith.constant 0 : i32
      %dma_start3A_81 = tpu.memref_slice %arg4[%add3A_79, %dma_start3A_80] : memref<163840x128xf32, #tpu.memory_space<hbm>> -> memref<128x128xf32, #tpu.memory_space<hbm>>
      %dma_start3A_82 = arith.constant 0 : i32
      %dma_start3A_83 = tpu.memref_slice %arg4[%add3A_79, %dma_start3A_82] : memref<163840x128xf32, #tpu.memory_space<hbm>> -> memref<128x128xf32, #tpu.memory_space<hbm>>
      tpu.enqueue_dma source(%arg6 : memref<128x128xf32, #tpu.memory_space<vmem>>) target(%dma_start3A_83 : memref<128x128xf32, #tpu.memory_space<hbm>>) target_semaphore(%arg11 : memref<!tpu.dma_semaphore, #tpu.memory_space<semaphore_mem>>)
      %mul3A_84 = arith.constant 4 : i32
      %mul3A_85 = arith.muli %scan3A_10, %mul3A_84 : i32
      %add3A_86 = arith.constant 1 : i32
      %add3A_87 = arith.addi %mul3A_85, %add3A_86 : i32
      %mul3A_88 = arith.constant 128 : i32
      %mul3A_89 = arith.muli %add3A_87, %mul3A_88 : i32
      %add3A_90 = arith.addi %mul3A_2, %mul3A_89 : i32
      %dma_start3A_91 = arith.constant 0 : i32
      %dma_start3A_92 = tpu.memref_slice %arg4[%add3A_90, %dma_start3A_91] : memref<163840x128xf32, #tpu.memory_space<hbm>> -> memref<128x128xf32, #tpu.memory_space<hbm>>
      %dma_start3A_93 = arith.constant 0 : i32
      %dma_start3A_94 = tpu.memref_slice %arg4[%add3A_90, %dma_start3A_93] : memref<163840x128xf32, #tpu.memory_space<hbm>> -> memref<128x128xf32, #tpu.memory_space<hbm>>
      tpu.enqueue_dma source(%arg7 : memref<128x128xf32, #tpu.memory_space<vmem>>) target(%dma_start3A_94 : memref<128x128xf32, #tpu.memory_space<hbm>>) target_semaphore(%arg11 : memref<!tpu.dma_semaphore, #tpu.memory_space<semaphore_mem>>)
      %mul3A_95 = arith.constant 4 : i32
      %mul3A_96 = arith.muli %scan3A_10, %mul3A_95 : i32
      %add3A_97 = arith.constant 2 : i32
      %add3A_98 = arith.addi %mul3A_96, %add3A_97 : i32
      %mul3A_99 = arith.constant 128 : i32
      %mul3A_100 = arith.muli %add3A_98, %mul3A_99 : i32
      %add3A_101 = arith.addi %mul3A_2, %mul3A_100 : i32
      %dma_start3A_102 = arith.constant 0 : i32
      %dma_start3A_103 = tpu.memref_slice %arg4[%add3A_101, %dma_start3A_102] : memref<163840x128xf32, #tpu.memory_space<hbm>> -> memref<128x128xf32, #tpu.memory_space<hbm>>
      %dma_start3A_104 = arith.constant 0 : i32
      %dma_start3A_105 = tpu.memref_slice %arg4[%add3A_101, %dma_start3A_104] : memref<163840x128xf32, #tpu.memory_space<hbm>> -> memref<128x128xf32, #tpu.memory_space<hbm>>
      tpu.enqueue_dma source(%arg8 : memref<128x128xf32, #tpu.memory_space<vmem>>) target(%dma_start3A_105 : memref<128x128xf32, #tpu.memory_space<hbm>>) target_semaphore(%arg11 : memref<!tpu.dma_semaphore, #tpu.memory_space<semaphore_mem>>)
      %mul3A_106 = arith.constant 4 : i32
      %mul3A_107 = arith.muli %scan3A_10, %mul3A_106 : i32
      %add3A_108 = arith.constant 3 : i32
      %add3A_109 = arith.addi %mul3A_107, %add3A_108 : i32
      %mul3A_110 = arith.constant 128 : i32
      %mul3A_111 = arith.muli %add3A_109, %mul3A_110 : i32
      %add3A_112 = arith.addi %mul3A_2, %mul3A_111 : i32
      %dma_start3A_113 = arith.constant 0 : i32
      %dma_start3A_114 = tpu.memref_slice %arg4[%add3A_112, %dma_start3A_113] : memref<163840x128xf32, #tpu.memory_space<hbm>> -> memref<128x128xf32, #tpu.memory_space<hbm>>
      %dma_start3A_115 = arith.constant 0 : i32
      %dma_start3A_116 = tpu.memref_slice %arg4[%add3A_112, %dma_start3A_115] : memref<163840x128xf32, #tpu.memory_space<hbm>> -> memref<128x128xf32, #tpu.memory_space<hbm>>
      tpu.enqueue_dma source(%arg9 : memref<128x128xf32, #tpu.memory_space<vmem>>) target(%dma_start3A_116 : memref<128x128xf32, #tpu.memory_space<hbm>>) target_semaphore(%arg11 : memref<!tpu.dma_semaphore, #tpu.memory_space<semaphore_mem>>)
      %dma_wait3A_117 = arith.constant 0 : i32
      %dma_wait3A_118 = tpu.memref_slice %arg4[%add3A_79, %dma_wait3A_117] : memref<163840x128xf32, #tpu.memory_space<hbm>> -> memref<128x128xf32, #tpu.memory_space<hbm>>
      %dma_wait3A_119 = arith.constant 0 : i32
      %dma_wait3A_120 = tpu.memref_slice %arg4[%add3A_79, %dma_wait3A_119] : memref<163840x128xf32, #tpu.memory_space<hbm>> -> memref<128x128xf32, #tpu.memory_space<hbm>>
      tpu.wait_dma2 semaphore(%arg11 : memref<!tpu.dma_semaphore, #tpu.memory_space<semaphore_mem>>) src(%arg6 : memref<128x128xf32, #tpu.memory_space<vmem>>) dst(%dma_wait3A_120 : memref<128x128xf32, #tpu.memory_space<hbm>>)
      %dma_wait3A_121 = arith.constant 0 : i32
      %dma_wait3A_122 = tpu.memref_slice %arg4[%add3A_90, %dma_wait3A_121] : memref<163840x128xf32, #tpu.memory_space<hbm>> -> memref<128x128xf32, #tpu.memory_space<hbm>>
      %dma_wait3A_123 = arith.constant 0 : i32
      %dma_wait3A_124 = tpu.memref_slice %arg4[%add3A_90, %dma_wait3A_123] : memref<163840x128xf32, #tpu.memory_space<hbm>> -> memref<128x128xf32, #tpu.memory_space<hbm>>
      tpu.wait_dma2 semaphore(%arg11 : memref<!tpu.dma_semaphore, #tpu.memory_space<semaphore_mem>>) src(%arg7 : memref<128x128xf32, #tpu.memory_space<vmem>>) dst(%dma_wait3A_124 : memref<128x128xf32, #tpu.memory_space<hbm>>)
      %dma_wait3A_125 = arith.constant 0 : i32
      %dma_wait3A_126 = tpu.memref_slice %arg4[%add3A_101, %dma_wait3A_125] : memref<163840x128xf32, #tpu.memory_space<hbm>> -> memref<128x128xf32, #tpu.memory_space<hbm>>
      %dma_wait3A_127 = arith.constant 0 : i32
      %dma_wait3A_128 = tpu.memref_slice %arg4[%add3A_101, %dma_wait3A_127] : memref<163840x128xf32, #tpu.memory_space<hbm>> -> memref<128x128xf32, #tpu.memory_space<hbm>>
      tpu.wait_dma2 semaphore(%arg11 : memref<!tpu.dma_semaphore, #tpu.memory_space<semaphore_mem>>) src(%arg8 : memref<128x128xf32, #tpu.memory_space<vmem>>) dst(%dma_wait3A_128 : memref<128x128xf32, #tpu.memory_space<hbm>>)
      %dma_wait3A_129 = arith.constant 0 : i32
      %dma_wait3A_130 = tpu.memref_slice %arg4[%add3A_112, %dma_wait3A_129] : memref<163840x128xf32, #tpu.memory_space<hbm>> -> memref<128x128xf32, #tpu.memory_space<hbm>>
      %dma_wait3A_131 = arith.constant 0 : i32
      %dma_wait3A_132 = tpu.memref_slice %arg4[%add3A_112, %dma_wait3A_131] : memref<163840x128xf32, #tpu.memory_space<hbm>> -> memref<128x128xf32, #tpu.memory_space<hbm>>
      tpu.wait_dma2 semaphore(%arg11 : memref<!tpu.dma_semaphore, #tpu.memory_space<semaphore_mem>>) src(%arg9 : memref<128x128xf32, #tpu.memory_space<vmem>>) dst(%dma_wait3A_132 : memref<128x128xf32, #tpu.memory_space<hbm>>)
    }
    %scan3A_9 = arith.constant 10 : i32
    return
  }
}

#map = affine_map<(d0, d1) -> (0, 0)>
#map1 = affine_map<(d0, d1) -> (0, 0, 0)>
module attributes {stable_mosaic.version = 14 : i64} {
  func.func @k(%arg0: i32, %arg1: i32, %arg2: memref<163840x128xf32, #tpu.memory_space<hbm>>, %arg3: memref<1280x128xi32, #tpu.memory_space<hbm>>, %arg4: memref<10240x128xf32, #tpu.memory_space<hbm>>, %arg5: memref<2x10240x128xf32, #tpu.memory_space<hbm>>, %arg6: memref<40x128xi32, #tpu.memory_space<vmem>>, %arg7: memref<128x128xf32, #tpu.memory_space<vmem>>, %arg8: memref<128x128xf32, #tpu.memory_space<vmem>>, %arg9: memref<10240x128xf32, #tpu.memory_space<vmem_shared>>, %arg10: memref<!tpu.dma_semaphore, #tpu.memory_space<semaphore_mem>>, %arg11: memref<!tpu.dma_semaphore, #tpu.memory_space<semaphore_mem>>) attributes {dimension_semantics = [#tpu.dimension_semantics<core_parallel>, #tpu.dimension_semantics<subcore_parallel>], iteration_bounds = array<i64: 2, 16>, scalar_prefetch = 0 : i64, scratch_operands = 6 : i64, tpu.core_type = #tpu.core_type<sc_vector_subcore>, window_params = [{transform_indices = #map}, {transform_indices = #map}, {transform_indices = #map}, {transform_indices = #map1}]} {
    %mul3A = arith.constant 2 : i32
    %mul3A_0 = arith.muli %arg1, %mul3A : i32
    %add3A = arith.addi %mul3A_0, %arg0 : i32
    %mul3A_1 = arith.constant 5120 : i32
    %mul3A_2 = arith.muli %add3A, %mul3A_1 : i32
    %mul3A_3 = arith.constant 640 : i32
    %mul3A_4 = arith.muli %arg1, %mul3A_3 : i32
    %mul3A_5 = arith.constant 640 : i32
    %mul3A_6 = arith.muli %arg1, %mul3A_5 : i32
    "tpu.region"() ({
      %run_scoped3A = tpu.sem_alloc : memref<!tpu.dma_semaphore, #tpu.memory_space<semaphore_mem>>
      %dma_start3A = arith.constant 0 : i32
      %dma_start3A_19 = tpu.memref_slice %arg9[%mul3A_6, %dma_start3A] : memref<10240x128xf32, #tpu.memory_space<vmem_shared>> -> memref<640x128xf32, #tpu.memory_space<vmem_shared>>
      %dma_start3A_20 = arith.constant 0 : i32
      %dma_start3A_21 = tpu.memref_slice %arg4[%mul3A_4, %dma_start3A_20] : memref<10240x128xf32, #tpu.memory_space<hbm>> -> memref<640x128xf32, #tpu.memory_space<hbm>>
      tpu.enqueue_dma source(%dma_start3A_21 : memref<640x128xf32, #tpu.memory_space<hbm>>) target(%dma_start3A_19 : memref<640x128xf32, #tpu.memory_space<vmem_shared>>) target_semaphore(%run_scoped3A : memref<!tpu.dma_semaphore, #tpu.memory_space<semaphore_mem>>)
      %dma_wait3A = arith.constant 0 : i32
      %dma_wait3A_22 = tpu.memref_slice %arg9[%mul3A_6, %dma_wait3A] : memref<10240x128xf32, #tpu.memory_space<vmem_shared>> -> memref<640x128xf32, #tpu.memory_space<vmem_shared>>
      %dma_wait3A_23 = arith.constant 0 : i32
      %dma_wait3A_24 = tpu.memref_slice %arg4[%mul3A_4, %dma_wait3A_23] : memref<10240x128xf32, #tpu.memory_space<hbm>> -> memref<640x128xf32, #tpu.memory_space<hbm>>
      tpu.wait_dma2 semaphore(%run_scoped3A : memref<!tpu.dma_semaphore, #tpu.memory_space<semaphore_mem>>) src(%dma_wait3A_24 : memref<640x128xf32, #tpu.memory_space<hbm>>) dst(%dma_wait3A_22 : memref<640x128xf32, #tpu.memory_space<vmem_shared>>)
      tpu.yield
    }) : () -> ()
    %mul3A_7 = arith.constant 40 : i32
    %mul3A_8 = arith.muli %add3A, %mul3A_7 : i32
    "tpu.region"() ({
      %run_scoped3A = tpu.sem_alloc : memref<!tpu.dma_semaphore, #tpu.memory_space<semaphore_mem>>
      %dma_start3A = arith.constant 0 : i32
      %dma_start3A_19 = tpu.memref_slice %arg3[%mul3A_8, %dma_start3A] : memref<1280x128xi32, #tpu.memory_space<hbm>> -> memref<40x128xi32, #tpu.memory_space<hbm>>
      %dma_start3A_20 = arith.constant 0 : i32
      %dma_start3A_21 = tpu.memref_slice %arg3[%mul3A_8, %dma_start3A_20] : memref<1280x128xi32, #tpu.memory_space<hbm>> -> memref<40x128xi32, #tpu.memory_space<hbm>>
      tpu.enqueue_dma source(%dma_start3A_21 : memref<40x128xi32, #tpu.memory_space<hbm>>) target(%arg6 : memref<40x128xi32, #tpu.memory_space<vmem>>) target_semaphore(%run_scoped3A : memref<!tpu.dma_semaphore, #tpu.memory_space<semaphore_mem>>)
      %dma_wait3A = arith.constant 0 : i32
      %dma_wait3A_22 = tpu.memref_slice %arg3[%mul3A_8, %dma_wait3A] : memref<1280x128xi32, #tpu.memory_space<hbm>> -> memref<40x128xi32, #tpu.memory_space<hbm>>
      %dma_wait3A_23 = arith.constant 0 : i32
      %dma_wait3A_24 = tpu.memref_slice %arg3[%mul3A_8, %dma_wait3A_23] : memref<1280x128xi32, #tpu.memory_space<hbm>> -> memref<40x128xi32, #tpu.memory_space<hbm>>
      tpu.wait_dma2 semaphore(%run_scoped3A : memref<!tpu.dma_semaphore, #tpu.memory_space<semaphore_mem>>) src(%dma_wait3A_24 : memref<40x128xi32, #tpu.memory_space<hbm>>) dst(%arg6 : memref<40x128xi32, #tpu.memory_space<vmem>>)
      tpu.yield
    }) : () -> ()
    %barrier3A = arith.constant 0 : index
    tpu.barrier barrier_id(%barrier3A)
    %scan3A = arith.constant 0 : i32
    %scan3A_9 = arith.constant 0 : i32
    %scan3A_10 = arith.constant 40 : i32
    %scan3A_11 = arith.addi %scan3A_9, %scan3A_10 : i32
    %scan3A_12 = arith.constant 1 : i32
    scf.for %scan3A_19 = %scan3A_9 to %scan3A_11 step %scan3A_12  : i32 {
      %mul3A_20 = arith.constant 128 : i32
      %mul3A_21 = arith.muli %scan3A_19, %mul3A_20 : i32
      %add3A_22 = arith.addi %mul3A_2, %mul3A_21 : i32
      "tpu.region"() ({
        %run_scoped3A = tpu.sem_alloc : memref<!tpu.dma_semaphore, #tpu.memory_space<semaphore_mem>>
        %dma_start3A = arith.constant 0 : i32
        %dma_start3A_23 = tpu.memref_slice %arg2[%add3A_22, %dma_start3A] : memref<163840x128xf32, #tpu.memory_space<hbm>> -> memref<128x128xf32, #tpu.memory_space<hbm>>
        %dma_start3A_24 = arith.constant 0 : i32
        %dma_start3A_25 = tpu.memref_slice %arg2[%add3A_22, %dma_start3A_24] : memref<163840x128xf32, #tpu.memory_space<hbm>> -> memref<128x128xf32, #tpu.memory_space<hbm>>
        tpu.enqueue_dma source(%dma_start3A_25 : memref<128x128xf32, #tpu.memory_space<hbm>>) target(%arg7 : memref<128x128xf32, #tpu.memory_space<vmem>>) target_semaphore(%run_scoped3A : memref<!tpu.dma_semaphore, #tpu.memory_space<semaphore_mem>>)
        %dma_wait3A = arith.constant 0 : i32
        %dma_wait3A_26 = tpu.memref_slice %arg2[%add3A_22, %dma_wait3A] : memref<163840x128xf32, #tpu.memory_space<hbm>> -> memref<128x128xf32, #tpu.memory_space<hbm>>
        %dma_wait3A_27 = arith.constant 0 : i32
        %dma_wait3A_28 = tpu.memref_slice %arg2[%add3A_22, %dma_wait3A_27] : memref<163840x128xf32, #tpu.memory_space<hbm>> -> memref<128x128xf32, #tpu.memory_space<hbm>>
        tpu.wait_dma2 semaphore(%run_scoped3A : memref<!tpu.dma_semaphore, #tpu.memory_space<semaphore_mem>>) src(%dma_wait3A_28 : memref<128x128xf32, #tpu.memory_space<hbm>>) dst(%arg7 : memref<128x128xf32, #tpu.memory_space<vmem>>)
        tpu.yield
      }) : () -> ()
      "tpu.region"() ({
        %run_scoped3A = tpu.sem_alloc : memref<!tpu.dma_semaphore, #tpu.memory_space<semaphore_mem>>
        %dma_start3A = arith.constant 0 : i32
        %dma_start3A_23 = tpu.memref_slice %arg6[%scan3A_19, %dma_start3A] : memref<40x128xi32, #tpu.memory_space<vmem>> -> memref<1x128xi32, #tpu.memory_space<vmem>>
        %dma_start3A_24 = tpu.memref_squeeze %dma_start3A_23 : memref<1x128xi32, #tpu.memory_space<vmem>> -> memref<128xi32, #tpu.memory_space<vmem>>
        %dma_start3A_25 = arith.constant 0 : i32
        %dma_start3A_26 = arith.constant 0 : i32
        %dma_start3A_27 = tpu.memref_slice %arg9[%dma_start3A_25, %dma_start3A_26] : memref<10240x128xf32, #tpu.memory_space<vmem_shared>> -> memref<10240x128xf32, #tpu.memory_space<vmem_shared>>
        tpu.enqueue_indirect_dma source(%arg7 : memref<128x128xf32, #tpu.memory_space<vmem>>) target(%dma_start3A_27 : memref<10240x128xf32, #tpu.memory_space<vmem_shared>>) offsets(%dma_start3A_24 : memref<128xi32, #tpu.memory_space<vmem>>) semaphore(%run_scoped3A : memref<!tpu.dma_semaphore, #tpu.memory_space<semaphore_mem>>) {add = true}
        %dma_wait3A = arith.constant 0 : i32
        %dma_wait3A_28 = tpu.memref_slice %arg6[%scan3A_19, %dma_wait3A] : memref<40x128xi32, #tpu.memory_space<vmem>> -> memref<1x128xi32, #tpu.memory_space<vmem>>
        %dma_wait3A_29 = tpu.memref_squeeze %dma_wait3A_28 : memref<1x128xi32, #tpu.memory_space<vmem>> -> memref<128xi32, #tpu.memory_space<vmem>>
        %dma_wait3A_30 = arith.constant 0 : i32
        %dma_wait3A_31 = arith.constant 0 : i32
        %dma_wait3A_32 = tpu.memref_slice %arg9[%dma_wait3A_30, %dma_wait3A_31] : memref<10240x128xf32, #tpu.memory_space<vmem_shared>> -> memref<10240x128xf32, #tpu.memory_space<vmem_shared>>
        tpu.wait_indirect_dma semaphore(%run_scoped3A : memref<!tpu.dma_semaphore, #tpu.memory_space<semaphore_mem>>) src(%arg7 : memref<128x128xf32, #tpu.memory_space<vmem>>) dst(%dma_wait3A_32 : memref<10240x128xf32, #tpu.memory_space<vmem_shared>>)
        tpu.yield
      }) : () -> ()
    }
    %scan3A_13 = arith.constant 40 : i32
    %barrier3A_14 = arith.constant 0 : index
    tpu.barrier barrier_id(%barrier3A_14)
    %mul3A_15 = arith.constant 640 : i32
    %mul3A_16 = arith.muli %arg1, %mul3A_15 : i32
    %mul3A_17 = arith.constant 640 : i32
    %mul3A_18 = arith.muli %arg1, %mul3A_17 : i32
    "tpu.region"() ({
      %run_scoped3A = tpu.sem_alloc : memref<!tpu.dma_semaphore, #tpu.memory_space<semaphore_mem>>
      %dma_start3A = arith.constant 0 : i32
      %dma_start3A_19 = tpu.memref_slice %arg5[%arg0, %mul3A_18, %dma_start3A] : memref<2x10240x128xf32, #tpu.memory_space<hbm>> -> memref<1x640x128xf32, #tpu.memory_space<hbm>>
      %dma_start3A_20 = tpu.memref_squeeze %dma_start3A_19 : memref<1x640x128xf32, #tpu.memory_space<hbm>> -> memref<640x128xf32, #tpu.memory_space<hbm>>
      %dma_start3A_21 = arith.constant 0 : i32
      %dma_start3A_22 = tpu.memref_slice %arg9[%mul3A_16, %dma_start3A_21] : memref<10240x128xf32, #tpu.memory_space<vmem_shared>> -> memref<640x128xf32, #tpu.memory_space<vmem_shared>>
      tpu.enqueue_dma source(%dma_start3A_22 : memref<640x128xf32, #tpu.memory_space<vmem_shared>>) target(%dma_start3A_20 : memref<640x128xf32, #tpu.memory_space<hbm>>) target_semaphore(%run_scoped3A : memref<!tpu.dma_semaphore, #tpu.memory_space<semaphore_mem>>)
      %dma_wait3A = arith.constant 0 : i32
      %dma_wait3A_23 = tpu.memref_slice %arg5[%arg0, %mul3A_18, %dma_wait3A] : memref<2x10240x128xf32, #tpu.memory_space<hbm>> -> memref<1x640x128xf32, #tpu.memory_space<hbm>>
      %dma_wait3A_24 = tpu.memref_squeeze %dma_wait3A_23 : memref<1x640x128xf32, #tpu.memory_space<hbm>> -> memref<640x128xf32, #tpu.memory_space<hbm>>
      %dma_wait3A_25 = arith.constant 0 : i32
      %dma_wait3A_26 = tpu.memref_slice %arg9[%mul3A_16, %dma_wait3A_25] : memref<10240x128xf32, #tpu.memory_space<vmem_shared>> -> memref<640x128xf32, #tpu.memory_space<vmem_shared>>
      tpu.wait_dma2 semaphore(%run_scoped3A : memref<!tpu.dma_semaphore, #tpu.memory_space<semaphore_mem>>) src(%dma_wait3A_26 : memref<640x128xf32, #tpu.memory_space<vmem_shared>>) dst(%dma_wait3A_24 : memref<640x128xf32, #tpu.memory_space<hbm>>)
      tpu.yield
    }) : () -> ()
    return
  }
}

module attributes {stable_mosaic.version = 14 : i64} {
  func.func @body(%arg0: i32, %arg1: memref<1024x21xf32, #tpu.memory_space<vmem>>, %arg2: memref<1024x128xf32, #tpu.memory_space<vmem>>, %arg3: memref<704x64xf32, #tpu.memory_space<vmem>>, %arg4: memref<21x704xf32, #tpu.memory_space<vmem>>, %arg5: memref<32x704xf32, #tpu.memory_space<vmem>>, %arg6: memref<1x704xf32, #tpu.memory_space<vmem>>, %arg7: memref<1024x128xf32, #tpu.memory_space<vmem>>) attributes {dimension_semantics = [#tpu.dimension_semantics<arbitrary>], iteration_bounds = array<i64: 160>, scalar_prefetch = 0 : i64, scratch_operands = 0 : i64, tpu.core_type = #tpu.core_type<tc>, window_params = [{transform_indices = @transform_0, window_bounds = array<i64: 1024, 21>}, {transform_indices = @transform_1, window_bounds = array<i64: 1024, 128>}, {pipeline_mode = #tpu.pipeline_mode<synchronous>, transform_indices = @transform_2, window_bounds = array<i64: 704, 64>}, {pipeline_mode = #tpu.pipeline_mode<synchronous>, transform_indices = @transform_3, window_bounds = array<i64: 21, 704>}, {pipeline_mode = #tpu.pipeline_mode<synchronous>, transform_indices = @transform_4, window_bounds = array<i64: 32, 704>}, {pipeline_mode = #tpu.pipeline_mode<synchronous>, transform_indices = @transform_5, window_bounds = array<i64: 1, 704>}, {transform_indices = @transform_6, window_bounds = array<i64: 1024, 128>}]} {
    %get3A = arith.constant 0 : index
    %get3A_0 = arith.constant 0 : index
    %get3A_1 = vector.load %arg1[%get3A, %get3A_0] : memref<1024x21xf32, #tpu.memory_space<vmem>>, vector<1024x21xf32>
    %get3A_2 = arith.constant 0 : index
    %get3A_3 = arith.constant 0 : index
    %get3A_4 = vector.load %arg2[%get3A_2, %get3A_3] : memref<1024x128xf32, #tpu.memory_space<vmem>>, vector<1024x128xf32>
    %slice3A = vector.extract_strided_slice %get3A_4 {offsets = [0, 0], sizes = [1024, 32], strides = [1, 1]} : vector<1024x128xf32> to vector<1024x32xf32>
    %get3A_5 = arith.constant 0 : index
    %get3A_6 = arith.constant 0 : index
    %get3A_7 = vector.load %arg4[%get3A_5, %get3A_6] : memref<21x704xf32, #tpu.memory_space<vmem>>, vector<21x704xf32>
    %dot_general3A = arith.constant dense<0.000000e+00> : vector<1024x704xf32>
    %dot_general3A_8 = tpu.matmul %get3A_1, %get3A_7, %dot_general3A {dimension_numbers = #tpu.dot_dimension_numbers<[1], [0], [0], [1], [0, 0, 1, 1], [], []>, transpose_lhs_hint = false} : vector<1024x21xf32>, vector<21x704xf32>, vector<1024x704xf32> -> vector<1024x704xf32>
    %get3A_9 = arith.constant 0 : index
    %get3A_10 = arith.constant 0 : index
    %get3A_11 = vector.load %arg6[%get3A_9, %get3A_10] : memref<1x704xf32, #tpu.memory_space<vmem>>, vector<1x704xf32>
    %add3A = vector.broadcast %get3A_11 : vector<1x704xf32> to vector<1024x704xf32>
    %add3A_12 = arith.addf %dot_general3A_8, %add3A : vector<1024x704xf32>
    %get3A_13 = arith.constant 0 : index
    %get3A_14 = arith.constant 0 : index
    %get3A_15 = vector.load %arg5[%get3A_13, %get3A_14] : memref<32x704xf32, #tpu.memory_space<vmem>>, vector<32x704xf32>
    %dot_general3A_16 = arith.constant dense<0.000000e+00> : vector<1024x704xf32>
    %dot_general3A_17 = tpu.matmul %slice3A, %get3A_15, %dot_general3A_16 {dimension_numbers = #tpu.dot_dimension_numbers<[1], [0], [0], [1], [0, 0, 1, 1], [], []>, transpose_lhs_hint = false} : vector<1024x32xf32>, vector<32x704xf32>, vector<1024x704xf32> -> vector<1024x704xf32>
    %mul3A = arith.mulf %add3A_12, %dot_general3A_17 : vector<1024x704xf32>
    %get3A_18 = arith.constant 0 : index
    %get3A_19 = arith.constant 0 : index
    %get3A_20 = vector.load %arg3[%get3A_18, %get3A_19] : memref<704x64xf32, #tpu.memory_space<vmem>>, vector<704x64xf32>
    %dot_general3A_21 = arith.constant dense<0.000000e+00> : vector<1024x64xf32>
    %dot_general3A_22 = tpu.matmul %mul3A, %get3A_20, %dot_general3A_21 {dimension_numbers = #tpu.dot_dimension_numbers<[1], [0], [0], [1], [0, 0, 1, 1], [], []>, transpose_lhs_hint = false} : vector<1024x704xf32>, vector<704x64xf32>, vector<1024x64xf32> -> vector<1024x64xf32>
    %iota3A = tpu.iota {dimensions = array<i32: 1>} : vector<1024x64xi32>
    %eq3A = arith.constant 0 : i32
    %eq3A_23 = vector.broadcast %eq3A : i32 to vector<1024x64xi32>
    %eq3A_24 = arith.cmpi eq, %iota3A, %eq3A_23 : vector<1024x64xi32>
    %jit3A = arith.constant 1.000000e+00 : f32
    %jit3A_25 = arith.constant 0.000000e+00 : f32
    %broadcast_in_dim3A = vector.broadcast %jit3A : f32 to vector<1024x64xf32>
    %broadcast_in_dim3A_26 = vector.broadcast %jit3A_25 : f32 to vector<1024x64xf32>
    %select_n3A = arith.select %eq3A_24, %broadcast_in_dim3A, %broadcast_in_dim3A_26 : vector<1024x64xi1>, vector<1024x64xf32>
    %concatenate3A = tpu.concatenate %dot_general3A_22, %select_n3A in 1 : vector<1024x64xf32>, vector<1024x64xf32> -> vector<1024x128xf32>
    %swap3A = arith.constant 0 : index
    %swap3A_27 = arith.constant 0 : index
    %swap3A_28 = vector.load %arg7[%swap3A, %swap3A_27] : memref<1024x128xf32, #tpu.memory_space<vmem>>, vector<1024x128xf32>
    tpu.vector_store %arg7[%swap3A, %swap3A_27], %concatenate3A {strides = array<i32>} : memref<1024x128xf32, #tpu.memory_space<vmem>>, vector<1024x128xf32>,
    return
  }
  func.func @transform_0(%arg0: i32) -> (i32, i32) {
    %c0_i32 = arith.constant 0 : i32
    %c0_i32_0 = arith.constant 0 : i32
    return %arg0, %c0_i32 : i32, i32
  }
  func.func @transform_1(%arg0: i32) -> (i32, i32) {
    %c0_i32 = arith.constant 0 : i32
    %c0_i32_0 = arith.constant 0 : i32
    return %arg0, %c0_i32 : i32, i32
  }
  func.func @transform_2(%arg0: i32) -> (i32, i32) {
    %c0_i32 = arith.constant 0 : i32
    %c0_i32_0 = arith.constant 0 : i32
    %c0_i32_1 = arith.constant 0 : i32
    return %c0_i32, %c0_i32_0 : i32, i32
  }
  func.func @transform_3(%arg0: i32) -> (i32, i32) {
    %c0_i32 = arith.constant 0 : i32
    %c0_i32_0 = arith.constant 0 : i32
    %c0_i32_1 = arith.constant 0 : i32
    return %c0_i32, %c0_i32_0 : i32, i32
  }
  func.func @transform_4(%arg0: i32) -> (i32, i32) {
    %c0_i32 = arith.constant 0 : i32
    %c0_i32_0 = arith.constant 0 : i32
    %c0_i32_1 = arith.constant 0 : i32
    return %c0_i32, %c0_i32_0 : i32, i32
  }
  func.func @transform_5(%arg0: i32) -> (i32, i32) {
    %c0_i32 = arith.constant 0 : i32
    %c0_i32_0 = arith.constant 0 : i32
    %c0_i32_1 = arith.constant 0 : i32
    return %c0_i32, %c0_i32_0 : i32, i32
  }
  func.func @transform_6(%arg0: i32) -> (i32, i32) {
    %c0_i32 = arith.constant 0 : i32
    %c0_i32_0 = arith.constant 0 : i32
    return %arg0, %c0_i32 : i32, i32
  }
}

module attributes {stable_mosaic.version = 14 : i64} {
  func.func @body(%arg0: i32, %arg1: memref<512x128xf32, #tpu.memory_space<vmem>>, %arg2: memref<512x128xf32, #tpu.memory_space<vmem>>, %arg3: memref<512x128xf32, #tpu.memory_space<vmem>>, %arg4: memref<32x64xf32, #tpu.memory_space<vmem>>, %arg5: memref<1x64xf32, #tpu.memory_space<vmem>>, %arg6: memref<1x64xf32, #tpu.memory_space<vmem>>, %arg7: memref<1x64xf32, #tpu.memory_space<vmem>>, %arg8: memref<512x128xf32, #tpu.memory_space<vmem>>, %arg9: memref<512x8xf32, #tpu.memory_space<vmem>>) attributes {dimension_semantics = [#tpu.dimension_semantics<arbitrary>], iteration_bounds = array<i64: 20>, scalar_prefetch = 0 : i64, scratch_operands = 0 : i64, tpu.core_type = #tpu.core_type<tc>, window_params = [{transform_indices = @transform_0, window_bounds = array<i64: 512, 128>}, {transform_indices = @transform_1, window_bounds = array<i64: 512, 128>}, {transform_indices = @transform_2, window_bounds = array<i64: 512, 128>}, {pipeline_mode = #tpu.pipeline_mode<synchronous>, transform_indices = @transform_3, window_bounds = array<i64: 32, 64>}, {pipeline_mode = #tpu.pipeline_mode<synchronous>, transform_indices = @transform_4, window_bounds = array<i64: 1, 64>}, {pipeline_mode = #tpu.pipeline_mode<synchronous>, transform_indices = @transform_5, window_bounds = array<i64: 1, 64>}, {pipeline_mode = #tpu.pipeline_mode<synchronous>, transform_indices = @transform_6, window_bounds = array<i64: 1, 64>}, {transform_indices = @transform_7, window_bounds = array<i64: 512, 128>}, {transform_indices = @transform_8, window_bounds = array<i64: 512, 8>}]} {
    %get3A = arith.constant 0 : index
    %get3A_0 = arith.constant 0 : index
    %get3A_1 = vector.load %arg1[%get3A, %get3A_0] : memref<512x128xf32, #tpu.memory_space<vmem>>, vector<512x128xf32>
    %get3A_2 = arith.constant 0 : index
    %get3A_3 = arith.constant 0 : index
    %get3A_4 = vector.load %arg2[%get3A_2, %get3A_3] : memref<512x128xf32, #tpu.memory_space<vmem>>, vector<512x128xf32>
    %add3A = arith.addf %get3A_1, %get3A_4 : vector<512x128xf32>
    %slice3A = vector.extract_strided_slice %add3A {offsets = [0, 64], sizes = [512, 1], strides = [1, 1]} : vector<512x128xf32> to vector<512x1xf32>
    %slice3A_5 = vector.extract_strided_slice %add3A {offsets = [0, 0], sizes = [512, 64], strides = [1, 1]} : vector<512x128xf32> to vector<512x64xf32>
    %max3A = arith.constant 1.000000e+00 : f32
    %max3A_6 = vector.broadcast %max3A : f32 to vector<512x1xf32>
    %max3A_7 = arith.maximumf %slice3A, %max3A_6 : vector<512x1xf32>
    %div3A = vector.broadcast %max3A_7 : vector<512x1xf32> to vector<512x64xf32>
    %div3A_8 = arith.divf %slice3A_5, %div3A : vector<512x64xf32>
    %get3A_9 = arith.constant 0 : index
    %get3A_10 = arith.constant 0 : index
    %get3A_11 = vector.load %arg3[%get3A_9, %get3A_10] : memref<512x128xf32, #tpu.memory_space<vmem>>, vector<512x128xf32>
    %slice3A_12 = vector.extract_strided_slice %get3A_11 {offsets = [0, 0], sizes = [512, 32], strides = [1, 1]} : vector<512x128xf32> to vector<512x32xf32>
    %get3A_13 = arith.constant 0 : index
    %get3A_14 = arith.constant 0 : index
    %get3A_15 = vector.load %arg4[%get3A_13, %get3A_14] : memref<32x64xf32, #tpu.memory_space<vmem>>, vector<32x64xf32>
    %dot_general3A = arith.constant dense<0.000000e+00> : vector<512x64xf32>
    %dot_general3A_16 = tpu.matmul %slice3A_12, %get3A_15, %dot_general3A {dimension_numbers = #tpu.dot_dimension_numbers<[1], [0], [0], [1], [0, 0, 1, 1], [], []>, transpose_lhs_hint = false} : vector<512x32xf32>, vector<32x64xf32>, vector<512x64xf32> -> vector<512x64xf32>
    %add3A_17 = arith.addf %div3A_8, %dot_general3A_16 : vector<512x64xf32>
    %get3A_18 = arith.constant 0 : index
    %get3A_19 = arith.constant 0 : index
    %get3A_20 = vector.load %arg5[%get3A_18, %get3A_19] : memref<1x64xf32, #tpu.memory_space<vmem>>, vector<1x64xf32>
    %add3A_21 = vector.broadcast %get3A_20 : vector<1x64xf32> to vector<512x64xf32>
    %add3A_22 = arith.addf %add3A_17, %add3A_21 : vector<512x64xf32>
    %reduce_sum3A = arith.constant dense<0.000000e+00> : vector<512xf32>
    %reduce_sum3A_23 = vector.multi_reduction <add>, %add3A_22, %reduce_sum3A [1] : vector<512x64xf32> to vector<512xf32>
    %broadcast_in_dim3A = vector.shape_cast %reduce_sum3A_23 : vector<512xf32> to vector<512x1xf32>
    %div3A_24 = arith.constant 6.400000e+01 : f32
    %div3A_25 = vector.broadcast %div3A_24 : f32 to vector<512x1xf32>
    %div3A_26 = arith.divf %broadcast_in_dim3A, %div3A_25 : vector<512x1xf32>
    %sub3A = vector.broadcast %div3A_26 : vector<512x1xf32> to vector<512x64xf32>
    %sub3A_27 = arith.subf %add3A_22, %sub3A : vector<512x64xf32>
    %integer_pow3A = arith.mulf %sub3A_27, %sub3A_27 : vector<512x64xf32>
    %reduce_sum3A_28 = arith.constant dense<0.000000e+00> : vector<512xf32>
    %reduce_sum3A_29 = vector.multi_reduction <add>, %integer_pow3A, %reduce_sum3A_28 [1] : vector<512x64xf32> to vector<512xf32>
    %broadcast_in_dim3A_30 = vector.shape_cast %reduce_sum3A_29 : vector<512xf32> to vector<512x1xf32>
    %div3A_31 = arith.constant 6.400000e+01 : f32
    %div3A_32 = vector.broadcast %div3A_31 : f32 to vector<512x1xf32>
    %div3A_33 = arith.divf %broadcast_in_dim3A_30, %div3A_32 : vector<512x1xf32>
    %sub3A_34 = vector.broadcast %div3A_26 : vector<512x1xf32> to vector<512x64xf32>
    %sub3A_35 = arith.subf %add3A_22, %sub3A_34 : vector<512x64xf32>
    %add3A_36 = arith.constant 9.99999974E-6 : f32
    %add3A_37 = vector.broadcast %add3A_36 : f32 to vector<512x1xf32>
    %add3A_38 = arith.addf %div3A_33, %add3A_37 : vector<512x1xf32>
    %sqrt3A = math.sqrt %add3A_38 : vector<512x1xf32>
    %div3A_39 = vector.broadcast %sqrt3A : vector<512x1xf32> to vector<512x64xf32>
    %div3A_40 = arith.divf %sub3A_35, %div3A_39 : vector<512x64xf32>
    %get3A_41 = arith.constant 0 : index
    %get3A_42 = arith.constant 0 : index
    %get3A_43 = vector.load %arg6[%get3A_41, %get3A_42] : memref<1x64xf32, #tpu.memory_space<vmem>>, vector<1x64xf32>
    %mul3A = vector.broadcast %get3A_43 : vector<1x64xf32> to vector<512x64xf32>
    %mul3A_44 = arith.mulf %div3A_40, %mul3A : vector<512x64xf32>
    %get3A_45 = arith.constant 0 : index
    %get3A_46 = arith.constant 0 : index
    %get3A_47 = vector.load %arg7[%get3A_45, %get3A_46] : memref<1x64xf32, #tpu.memory_space<vmem>>, vector<1x64xf32>
    %add3A_48 = vector.broadcast %get3A_47 : vector<1x64xf32> to vector<512x64xf32>
    %add3A_49 = arith.addf %mul3A_44, %add3A_48 : vector<512x64xf32>
    %ge3A = arith.constant 0.000000e+00 : f32
    %ge3A_50 = vector.broadcast %ge3A : f32 to vector<512x64xf32>
    %ge3A_51 = arith.cmpf oge, %add3A_49, %ge3A_50 : vector<512x64xf32>
    %mul3A_52 = arith.constant 0.00999999977 : f32
    %mul3A_53 = vector.broadcast %mul3A_52 : f32 to vector<512x64xf32>
    %mul3A_54 = arith.mulf %mul3A_53, %add3A_49 : vector<512x64xf32>
    %select_n3A = arith.select %ge3A_51, %add3A_49, %mul3A_54 : vector<512x64xi1>, vector<512x64xf32>
    %broadcast_in_dim3A_55 = arith.constant 0.000000e+00 : f32
    %broadcast_in_dim3A_56 = vector.broadcast %broadcast_in_dim3A_55 : f32 to vector<512x64xf32>
    %concatenate3A = tpu.concatenate %select_n3A, %broadcast_in_dim3A_56 in 1 : vector<512x64xf32>, vector<512x64xf32> -> vector<512x128xf32>
    %swap3A = arith.constant 0 : index
    %swap3A_57 = arith.constant 0 : index
    %swap3A_58 = vector.load %arg8[%swap3A, %swap3A_57] : memref<512x128xf32, #tpu.memory_space<vmem>>, vector<512x128xf32>
    tpu.vector_store %arg8[%swap3A, %swap3A_57], %concatenate3A {strides = array<i32>} : memref<512x128xf32, #tpu.memory_space<vmem>>, vector<512x128xf32>,
    %broadcast_in_dim3A_59 = vector.shape_cast %slice3A : vector<512x1xf32> to vector<512x1xf32>
    %broadcast_in_dim3A_60 = vector.broadcast %broadcast_in_dim3A_59 : vector<512x1xf32> to vector<512x8xf32>
    %swap3A_61 = arith.constant 0 : index
    %swap3A_62 = arith.constant 0 : index
    %swap3A_63 = vector.load %arg9[%swap3A_61, %swap3A_62] : memref<512x8xf32, #tpu.memory_space<vmem>>, vector<512x8xf32>
    tpu.vector_store %arg9[%swap3A_61, %swap3A_62], %broadcast_in_dim3A_60 {strides = array<i32>} : memref<512x8xf32, #tpu.memory_space<vmem>>, vector<512x8xf32>,
    return
  }
  func.func @transform_0(%arg0: i32) -> (i32, i32) {
    %c0_i32 = arith.constant 0 : i32
    %c0_i32_0 = arith.constant 0 : i32
    return %arg0, %c0_i32 : i32, i32
  }
  func.func @transform_1(%arg0: i32) -> (i32, i32) {
    %c0_i32 = arith.constant 0 : i32
    %c0_i32_0 = arith.constant 0 : i32
    return %arg0, %c0_i32 : i32, i32
  }
  func.func @transform_2(%arg0: i32) -> (i32, i32) {
    %c0_i32 = arith.constant 0 : i32
    %c0_i32_0 = arith.constant 0 : i32
    return %arg0, %c0_i32 : i32, i32
  }
  func.func @transform_3(%arg0: i32) -> (i32, i32) {
    %c0_i32 = arith.constant 0 : i32
    %c0_i32_0 = arith.constant 0 : i32
    %c0_i32_1 = arith.constant 0 : i32
    return %c0_i32, %c0_i32_0 : i32, i32
  }
  func.func @transform_4(%arg0: i32) -> (i32, i32) {
    %c0_i32 = arith.constant 0 : i32
    %c0_i32_0 = arith.constant 0 : i32
    %c0_i32_1 = arith.constant 0 : i32
    return %c0_i32, %c0_i32_0 : i32, i32
  }
  func.func @transform_5(%arg0: i32) -> (i32, i32) {
    %c0_i32 = arith.constant 0 : i32
    %c0_i32_0 = arith.constant 0 : i32
    %c0_i32_1 = arith.constant 0 : i32
    return %c0_i32, %c0_i32_0 : i32, i32
  }
  func.func @transform_6(%arg0: i32) -> (i32, i32) {
    %c0_i32 = arith.constant 0 : i32
    %c0_i32_0 = arith.constant 0 : i32
    %c0_i32_1 = arith.constant 0 : i32
    return %c0_i32, %c0_i32_0 : i32, i32
  }
  func.func @transform_7(%arg0: i32) -> (i32, i32) {
    %c0_i32 = arith.constant 0 : i32
    %c0_i32_0 = arith.constant 0 : i32
    return %arg0, %c0_i32 : i32, i32
  }
  func.func @transform_8(%arg0: i32) -> (i32, i32) {
    %c0_i32 = arith.constant 0 : i32
    %c0_i32_0 = arith.constant 0 : i32
    return %arg0, %c0_i32 : i32, i32
  }
}

module attributes {stable_mosaic.version = 14 : i64} {
  func.func @body(%arg0: i32, %arg1: memref<1024x21xf32, #tpu.memory_space<vmem>>, %arg2: memref<1024x128xf32, #tpu.memory_space<vmem>>, %arg3: memref<1408x30xf32, #tpu.memory_space<vmem>>, %arg4: memref<21x1408xf32, #tpu.memory_space<vmem>>, %arg5: memref<64x1408xf32, #tpu.memory_space<vmem>>, %arg6: memref<1x1408xf32, #tpu.memory_space<vmem>>, %arg7: memref<1024x128xf32, #tpu.memory_space<vmem>>) attributes {dimension_semantics = [#tpu.dimension_semantics<arbitrary>], iteration_bounds = array<i64: 160>, scalar_prefetch = 0 : i64, scratch_operands = 0 : i64, tpu.core_type = #tpu.core_type<tc>, window_params = [{transform_indices = @transform_0, window_bounds = array<i64: 1024, 21>}, {transform_indices = @transform_1, window_bounds = array<i64: 1024, 128>}, {pipeline_mode = #tpu.pipeline_mode<synchronous>, transform_indices = @transform_2, window_bounds = array<i64: 1408, 30>}, {pipeline_mode = #tpu.pipeline_mode<synchronous>, transform_indices = @transform_3, window_bounds = array<i64: 21, 1408>}, {pipeline_mode = #tpu.pipeline_mode<synchronous>, transform_indices = @transform_4, window_bounds = array<i64: 64, 1408>}, {pipeline_mode = #tpu.pipeline_mode<synchronous>, transform_indices = @transform_5, window_bounds = array<i64: 1, 1408>}, {transform_indices = @transform_6, window_bounds = array<i64: 1024, 128>}]} {
    %get3A = arith.constant 0 : index
    %get3A_0 = arith.constant 0 : index
    %get3A_1 = vector.load %arg1[%get3A, %get3A_0] : memref<1024x21xf32, #tpu.memory_space<vmem>>, vector<1024x21xf32>
    %get3A_2 = arith.constant 0 : index
    %get3A_3 = arith.constant 0 : index
    %get3A_4 = vector.load %arg2[%get3A_2, %get3A_3] : memref<1024x128xf32, #tpu.memory_space<vmem>>, vector<1024x128xf32>
    %slice3A = vector.extract_strided_slice %get3A_4 {offsets = [0, 0], sizes = [1024, 64], strides = [1, 1]} : vector<1024x128xf32> to vector<1024x64xf32>
    %get3A_5 = arith.constant 0 : index
    %get3A_6 = arith.constant 0 : index
    %get3A_7 = vector.load %arg4[%get3A_5, %get3A_6] : memref<21x1408xf32, #tpu.memory_space<vmem>>, vector<21x1408xf32>
    %dot_general3A = arith.constant dense<0.000000e+00> : vector<1024x1408xf32>
    %dot_general3A_8 = tpu.matmul %get3A_1, %get3A_7, %dot_general3A {dimension_numbers = #tpu.dot_dimension_numbers<[1], [0], [0], [1], [0, 0, 1, 1], [], []>, transpose_lhs_hint = false} : vector<1024x21xf32>, vector<21x1408xf32>, vector<1024x1408xf32> -> vector<1024x1408xf32>
    %get3A_9 = arith.constant 0 : index
    %get3A_10 = arith.constant 0 : index
    %get3A_11 = vector.load %arg6[%get3A_9, %get3A_10] : memref<1x1408xf32, #tpu.memory_space<vmem>>, vector<1x1408xf32>
    %add3A = vector.broadcast %get3A_11 : vector<1x1408xf32> to vector<1024x1408xf32>
    %add3A_12 = arith.addf %dot_general3A_8, %add3A : vector<1024x1408xf32>
    %get3A_13 = arith.constant 0 : index
    %get3A_14 = arith.constant 0 : index
    %get3A_15 = vector.load %arg5[%get3A_13, %get3A_14] : memref<64x1408xf32, #tpu.memory_space<vmem>>, vector<64x1408xf32>
    %dot_general3A_16 = arith.constant dense<0.000000e+00> : vector<1024x1408xf32>
    %dot_general3A_17 = tpu.matmul %slice3A, %get3A_15, %dot_general3A_16 {dimension_numbers = #tpu.dot_dimension_numbers<[1], [0], [0], [1], [0, 0, 1, 1], [], []>, transpose_lhs_hint = false} : vector<1024x64xf32>, vector<64x1408xf32>, vector<1024x1408xf32> -> vector<1024x1408xf32>
    %mul3A = arith.mulf %add3A_12, %dot_general3A_17 : vector<1024x1408xf32>
    %get3A_18 = arith.constant 0 : index
    %get3A_19 = arith.constant 0 : index
    %get3A_20 = vector.load %arg3[%get3A_18, %get3A_19] : memref<1408x30xf32, #tpu.memory_space<vmem>>, vector<1408x30xf32>
    %dot_general3A_21 = arith.constant dense<0.000000e+00> : vector<1024x30xf32>
    %dot_general3A_22 = tpu.matmul %mul3A, %get3A_20, %dot_general3A_21 {dimension_numbers = #tpu.dot_dimension_numbers<[1], [0], [0], [1], [0, 0, 1, 1], [], []>, transpose_lhs_hint = false} : vector<1024x1408xf32>, vector<1408x30xf32>, vector<1024x30xf32> -> vector<1024x30xf32>
    %iota3A = tpu.iota {dimensions = array<i32: 1>} : vector<1024x98xi32>
    %eq3A = arith.constant 0 : i32
    %eq3A_23 = vector.broadcast %eq3A : i32 to vector<1024x98xi32>
    %eq3A_24 = arith.cmpi eq, %iota3A, %eq3A_23 : vector<1024x98xi32>
    %jit3A = arith.constant 0.000000e+00 : f32
    %jit3A_25 = arith.constant 0.000000e+00 : f32
    %broadcast_in_dim3A = vector.broadcast %jit3A : f32 to vector<1024x98xf32>
    %broadcast_in_dim3A_26 = vector.broadcast %jit3A_25 : f32 to vector<1024x98xf32>
    %select_n3A = arith.select %eq3A_24, %broadcast_in_dim3A, %broadcast_in_dim3A_26 : vector<1024x98xi1>, vector<1024x98xf32>
    %concatenate3A = tpu.concatenate %dot_general3A_22, %select_n3A in 1 : vector<1024x30xf32>, vector<1024x98xf32> -> vector<1024x128xf32>
    %swap3A = arith.constant 0 : index
    %swap3A_27 = arith.constant 0 : index
    %swap3A_28 = vector.load %arg7[%swap3A, %swap3A_27] : memref<1024x128xf32, #tpu.memory_space<vmem>>, vector<1024x128xf32>
    tpu.vector_store %arg7[%swap3A, %swap3A_27], %concatenate3A {strides = array<i32>} : memref<1024x128xf32, #tpu.memory_space<vmem>>, vector<1024x128xf32>,
    return
  }
  func.func @transform_0(%arg0: i32) -> (i32, i32) {
    %c0_i32 = arith.constant 0 : i32
    %c0_i32_0 = arith.constant 0 : i32
    return %arg0, %c0_i32 : i32, i32
  }
  func.func @transform_1(%arg0: i32) -> (i32, i32) {
    %c0_i32 = arith.constant 0 : i32
    %c0_i32_0 = arith.constant 0 : i32
    return %arg0, %c0_i32 : i32, i32
  }
  func.func @transform_2(%arg0: i32) -> (i32, i32) {
    %c0_i32 = arith.constant 0 : i32
    %c0_i32_0 = arith.constant 0 : i32
    %c0_i32_1 = arith.constant 0 : i32
    return %c0_i32, %c0_i32_0 : i32, i32
  }
  func.func @transform_3(%arg0: i32) -> (i32, i32) {
    %c0_i32 = arith.constant 0 : i32
    %c0_i32_0 = arith.constant 0 : i32
    %c0_i32_1 = arith.constant 0 : i32
    return %c0_i32, %c0_i32_0 : i32, i32
  }
  func.func @transform_4(%arg0: i32) -> (i32, i32) {
    %c0_i32 = arith.constant 0 : i32
    %c0_i32_0 = arith.constant 0 : i32
    %c0_i32_1 = arith.constant 0 : i32
    return %c0_i32, %c0_i32_0 : i32, i32
  }
  func.func @transform_5(%arg0: i32) -> (i32, i32) {
    %c0_i32 = arith.constant 0 : i32
    %c0_i32_0 = arith.constant 0 : i32
    %c0_i32_1 = arith.constant 0 : i32
    return %c0_i32, %c0_i32_0 : i32, i32
  }
  func.func @transform_6(%arg0: i32) -> (i32, i32) {
    %c0_i32 = arith.constant 0 : i32
    %c0_i32_0 = arith.constant 0 : i32
    return %arg0, %c0_i32 : i32, i32
  }
}

module attributes {stable_mosaic.version = 14 : i64} {
  func.func @body(%arg0: i32, %arg1: memref<512x32xf32, #tpu.memory_space<vmem>>, %arg2: memref<512x32xf32, #tpu.memory_space<vmem>>, %arg3: memref<512x8xf32, #tpu.memory_space<vmem>>, %arg4: memref<512x64xf32, #tpu.memory_space<vmem>>, %arg5: memref<64x32xf32, #tpu.memory_space<vmem>>, %arg6: memref<1x32xf32, #tpu.memory_space<vmem>>, %arg7: memref<1x32xf32, #tpu.memory_space<vmem>>, %arg8: memref<1x32xf32, #tpu.memory_space<vmem>>, %arg9: memref<512x32xf32, #tpu.memory_space<vmem>>) attributes {dimension_semantics = [#tpu.dimension_semantics<arbitrary>], iteration_bounds = array<i64: 20>, scalar_prefetch = 0 : i64, scratch_operands = 0 : i64, tpu.core_type = #tpu.core_type<tc>, window_params = [{transform_indices = @transform_0, window_bounds = array<i64: 512, 32>}, {transform_indices = @transform_1, window_bounds = array<i64: 512, 32>}, {transform_indices = @transform_2, window_bounds = array<i64: 512, 8>}, {transform_indices = @transform_3, window_bounds = array<i64: 512, 64>}, {pipeline_mode = #tpu.pipeline_mode<synchronous>, transform_indices = @transform_4, window_bounds = array<i64: 64, 32>}, {pipeline_mode = #tpu.pipeline_mode<synchronous>, transform_indices = @transform_5, window_bounds = array<i64: 1, 32>}, {pipeline_mode = #tpu.pipeline_mode<synchronous>, transform_indices = @transform_6, window_bounds = array<i64: 1, 32>}, {pipeline_mode = #tpu.pipeline_mode<synchronous>, transform_indices = @transform_7, window_bounds = array<i64: 1, 32>}, {transform_indices = @transform_8, window_bounds = array<i64: 512, 32>}]} {
    %get3A = arith.constant 0 : index
    %get3A_0 = arith.constant 0 : index
    %get3A_1 = vector.load %arg1[%get3A, %get3A_0] : memref<512x32xf32, #tpu.memory_space<vmem>>, vector<512x32xf32>
    %get3A_2 = arith.constant 0 : index
    %get3A_3 = arith.constant 0 : index
    %get3A_4 = vector.load %arg2[%get3A_2, %get3A_3] : memref<512x32xf32, #tpu.memory_space<vmem>>, vector<512x32xf32>
    %add3A = arith.addf %get3A_1, %get3A_4 : vector<512x32xf32>
    %get3A_5 = arith.constant 0 : index
    %get3A_6 = arith.constant 0 : index
    %get3A_7 = vector.load %arg3[%get3A_5, %get3A_6] : memref<512x8xf32, #tpu.memory_space<vmem>>, vector<512x8xf32>
    %slice3A = vector.extract_strided_slice %get3A_7 {offsets = [0, 0], sizes = [512, 1], strides = [1, 1]} : vector<512x8xf32> to vector<512x1xf32>
    %max3A = arith.constant 1.000000e+00 : f32
    %max3A_8 = vector.broadcast %max3A : f32 to vector<512x1xf32>
    %max3A_9 = arith.maximumf %slice3A, %max3A_8 : vector<512x1xf32>
    %div3A = vector.broadcast %max3A_9 : vector<512x1xf32> to vector<512x32xf32>
    %div3A_10 = arith.divf %add3A, %div3A : vector<512x32xf32>
    %get3A_11 = arith.constant 0 : index
    %get3A_12 = arith.constant 0 : index
    %get3A_13 = vector.load %arg4[%get3A_11, %get3A_12] : memref<512x64xf32, #tpu.memory_space<vmem>>, vector<512x64xf32>
    %get3A_14 = arith.constant 0 : index
    %get3A_15 = arith.constant 0 : index
    %get3A_16 = vector.load %arg5[%get3A_14, %get3A_15] : memref<64x32xf32, #tpu.memory_space<vmem>>, vector<64x32xf32>
    %dot_general3A = arith.constant dense<0.000000e+00> : vector<512x32xf32>
    %dot_general3A_17 = tpu.matmul %get3A_13, %get3A_16, %dot_general3A {dimension_numbers = #tpu.dot_dimension_numbers<[1], [0], [0], [1], [0, 0, 1, 1], [], []>, transpose_lhs_hint = false} : vector<512x64xf32>, vector<64x32xf32>, vector<512x32xf32> -> vector<512x32xf32>
    %add3A_18 = arith.addf %div3A_10, %dot_general3A_17 : vector<512x32xf32>
    %get3A_19 = arith.constant 0 : index
    %get3A_20 = arith.constant 0 : index
    %get3A_21 = vector.load %arg6[%get3A_19, %get3A_20] : memref<1x32xf32, #tpu.memory_space<vmem>>, vector<1x32xf32>
    %add3A_22 = vector.broadcast %get3A_21 : vector<1x32xf32> to vector<512x32xf32>
    %add3A_23 = arith.addf %add3A_18, %add3A_22 : vector<512x32xf32>
    %reduce_sum3A = arith.constant dense<0.000000e+00> : vector<512xf32>
    %reduce_sum3A_24 = vector.multi_reduction <add>, %add3A_23, %reduce_sum3A [1] : vector<512x32xf32> to vector<512xf32>
    %broadcast_in_dim3A = vector.shape_cast %reduce_sum3A_24 : vector<512xf32> to vector<512x1xf32>
    %mul3A = arith.constant 0.0333333351 : f32
    %mul3A_25 = vector.broadcast %mul3A : f32 to vector<512x1xf32>
    %mul3A_26 = arith.mulf %broadcast_in_dim3A, %mul3A_25 : vector<512x1xf32>
    %slice3A_27 = vector.extract_strided_slice %add3A_23 {offsets = [0, 0], sizes = [512, 30], strides = [1, 1]} : vector<512x32xf32> to vector<512x30xf32>
    %sub3A = vector.broadcast %mul3A_26 : vector<512x1xf32> to vector<512x30xf32>
    %sub3A_28 = arith.subf %slice3A_27, %sub3A : vector<512x30xf32>
    %mul3A_29 = arith.mulf %sub3A_28, %sub3A_28 : vector<512x30xf32>
    %reduce_sum3A_30 = arith.constant dense<0.000000e+00> : vector<512xf32>
    %reduce_sum3A_31 = vector.multi_reduction <add>, %mul3A_29, %reduce_sum3A_30 [1] : vector<512x30xf32> to vector<512xf32>
    %broadcast_in_dim3A_32 = vector.shape_cast %reduce_sum3A_31 : vector<512xf32> to vector<512x1xf32>
    %mul3A_33 = arith.constant 0.0333333351 : f32
    %mul3A_34 = vector.broadcast %mul3A_33 : f32 to vector<512x1xf32>
    %mul3A_35 = arith.mulf %broadcast_in_dim3A_32, %mul3A_34 : vector<512x1xf32>
    %sub3A_36 = vector.broadcast %mul3A_26 : vector<512x1xf32> to vector<512x32xf32>
    %sub3A_37 = arith.subf %add3A_23, %sub3A_36 : vector<512x32xf32>
    %add3A_38 = arith.constant 9.99999974E-6 : f32
    %add3A_39 = vector.broadcast %add3A_38 : f32 to vector<512x1xf32>
    %add3A_40 = arith.addf %mul3A_35, %add3A_39 : vector<512x1xf32>
    %sqrt3A = math.sqrt %add3A_40 : vector<512x1xf32>
    %div3A_41 = vector.broadcast %sqrt3A : vector<512x1xf32> to vector<512x32xf32>
    %div3A_42 = arith.divf %sub3A_37, %div3A_41 : vector<512x32xf32>
    %get3A_43 = arith.constant 0 : index
    %get3A_44 = arith.constant 0 : index
    %get3A_45 = vector.load %arg7[%get3A_43, %get3A_44] : memref<1x32xf32, #tpu.memory_space<vmem>>, vector<1x32xf32>
    %mul3A_46 = vector.broadcast %get3A_45 : vector<1x32xf32> to vector<512x32xf32>
    %mul3A_47 = arith.mulf %div3A_42, %mul3A_46 : vector<512x32xf32>
    %get3A_48 = arith.constant 0 : index
    %get3A_49 = arith.constant 0 : index
    %get3A_50 = vector.load %arg8[%get3A_48, %get3A_49] : memref<1x32xf32, #tpu.memory_space<vmem>>, vector<1x32xf32>
    %add3A_51 = vector.broadcast %get3A_50 : vector<1x32xf32> to vector<512x32xf32>
    %add3A_52 = arith.addf %mul3A_47, %add3A_51 : vector<512x32xf32>
    %ge3A = arith.constant 0.000000e+00 : f32
    %ge3A_53 = vector.broadcast %ge3A : f32 to vector<512x32xf32>
    %ge3A_54 = arith.cmpf oge, %add3A_52, %ge3A_53 : vector<512x32xf32>
    %mul3A_55 = arith.constant 0.00999999977 : f32
    %mul3A_56 = vector.broadcast %mul3A_55 : f32 to vector<512x32xf32>
    %mul3A_57 = arith.mulf %mul3A_56, %add3A_52 : vector<512x32xf32>
    %select_n3A = arith.select %ge3A_54, %add3A_52, %mul3A_57 : vector<512x32xi1>, vector<512x32xf32>
    %swap3A = arith.constant 0 : index
    %swap3A_58 = arith.constant 0 : index
    %swap3A_59 = vector.load %arg9[%swap3A, %swap3A_58] : memref<512x32xf32, #tpu.memory_space<vmem>>, vector<512x32xf32>
    tpu.vector_store %arg9[%swap3A, %swap3A_58], %select_n3A {strides = array<i32>} : memref<512x32xf32, #tpu.memory_space<vmem>>, vector<512x32xf32>,
    return
  }
  func.func @transform_0(%arg0: i32) -> (i32, i32) {
    %c0_i32 = arith.constant 0 : i32
    %c0_i32_0 = arith.constant 0 : i32
    return %arg0, %c0_i32 : i32, i32
  }
  func.func @transform_1(%arg0: i32) -> (i32, i32) {
    %c0_i32 = arith.constant 0 : i32
    %c0_i32_0 = arith.constant 0 : i32
    return %arg0, %c0_i32 : i32, i32
  }
  func.func @transform_2(%arg0: i32) -> (i32, i32) {
    %c0_i32 = arith.constant 0 : i32
    %c0_i32_0 = arith.constant 0 : i32
    return %arg0, %c0_i32 : i32, i32
  }
  func.func @transform_3(%arg0: i32) -> (i32, i32) {
    %c0_i32 = arith.constant 0 : i32
    %c0_i32_0 = arith.constant 0 : i32
    return %arg0, %c0_i32 : i32, i32
  }
  func.func @transform_4(%arg0: i32) -> (i32, i32) {
    %c0_i32 = arith.constant 0 : i32
    %c0_i32_0 = arith.constant 0 : i32
    %c0_i32_1 = arith.constant 0 : i32
    return %c0_i32, %c0_i32_0 : i32, i32
  }
  func.func @transform_5(%arg0: i32) -> (i32, i32) {
    %c0_i32 = arith.constant 0 : i32
    %c0_i32_0 = arith.constant 0 : i32
    %c0_i32_1 = arith.constant 0 : i32
    return %c0_i32, %c0_i32_0 : i32, i32
  }
  func.func @transform_6(%arg0: i32) -> (i32, i32) {
    %c0_i32 = arith.constant 0 : i32
    %c0_i32_0 = arith.constant 0 : i32
    %c0_i32_1 = arith.constant 0 : i32
    return %c0_i32, %c0_i32_0 : i32, i32
  }
  func.func @transform_7(%arg0: i32) -> (i32, i32) {
    %c0_i32 = arith.constant 0 : i32
    %c0_i32_0 = arith.constant 0 : i32
    %c0_i32_1 = arith.constant 0 : i32
    return %c0_i32, %c0_i32_0 : i32, i32
  }
  func.func @transform_8(%arg0: i32) -> (i32, i32) {
    %c0_i32 = arith.constant 0 : i32
    %c0_i32_0 = arith.constant 0 : i32
    return %arg0, %c0_i32 : i32, i32
  }
}

module attributes {stable_mosaic.version = 14 : i64} {
  func.func @body(%arg0: memref<10240x32xf32, #tpu.memory_space<vmem>>, %arg1: memref<32x512xf32, #tpu.memory_space<vmem>>, %arg2: memref<32x512xf32, #tpu.memory_space<vmem>>, %arg3: memref<1x512xf32, #tpu.memory_space<vmem>>, %arg4: memref<1x512xf32, #tpu.memory_space<vmem>>, %arg5: memref<128x512xf32, #tpu.memory_space<vmem>>, %arg6: memref<1x128xf32, #tpu.memory_space<vmem>>, %arg7: memref<1x128xf32, #tpu.memory_space<vmem>>, %arg8: memref<128x8xf32, #tpu.memory_space<vmem>>, %arg9: memref<1x8xf32, #tpu.memory_space<vmem>>, %arg10: memref<512x512xf32, #tpu.memory_space<vmem>>, %arg11: memref<10240x8xf32, #tpu.memory_space<vmem>>, %arg12: memref<10240x512xf32, #tpu.memory_space<vmem>>, %arg13: memref<10240x128xf32, #tpu.memory_space<vmem>>) attributes {dimension_semantics = [], scalar_prefetch = 0 : i64, scratch_operands = 2 : i64, tpu.core_type = #tpu.core_type<tc>} {
    %scan3A = arith.constant 0 : i32
    %scan3A_0 = arith.constant 19 : i32
    %scan3A_1 = arith.addi %scan3A, %scan3A_0 : i32
    %scan3A_2 = arith.constant 1 : i32
    scf.for %scan3A_46 = %scan3A to %scan3A_1 step %scan3A_2  : i32 {
      %mul3A = arith.constant 512 : i32
      %mul3A_47 = arith.muli %scan3A_46, %mul3A : i32
      %get3A_48 = arith.index_cast %mul3A_47 : i32 to index
      %get3A_49 = arith.constant 0 : index
      %get3A_50 = vector.load %arg0[%get3A_48, %get3A_49] : memref<10240x32xf32, #tpu.memory_space<vmem>>, vector<512x32xf32>
      %get3A_51 = arith.constant 0 : index
      %get3A_52 = arith.constant 0 : index
      %get3A_53 = vector.load %arg2[%get3A_51, %get3A_52] : memref<32x512xf32, #tpu.memory_space<vmem>>, vector<32x512xf32>
      %dot_general3A_54 = arith.constant dense<0.000000e+00> : vector<512x512xf32>
      %dot_general3A_55 = tpu.matmul %get3A_50, %get3A_53, %dot_general3A_54 {dimension_numbers = #tpu.dot_dimension_numbers<[1], [0], [0], [1], [0, 0, 1, 1], [], []>, transpose_lhs_hint = false} : vector<512x32xf32>, vector<32x512xf32>, vector<512x512xf32> -> vector<512x512xf32>
      %get3A_56 = arith.constant 0 : index
      %get3A_57 = arith.constant 0 : index
      %get3A_58 = vector.load %arg4[%get3A_56, %get3A_57] : memref<1x512xf32, #tpu.memory_space<vmem>>, vector<1x512xf32>
      %add3A_59 = vector.broadcast %get3A_58 : vector<1x512xf32> to vector<512x512xf32>
      %add3A_60 = arith.addf %dot_general3A_55, %add3A_59 : vector<512x512xf32>
      %get3A_61 = arith.constant 0 : index
      %get3A_62 = arith.constant 0 : index
      %get3A_63 = vector.load %arg10[%get3A_61, %get3A_62] : memref<512x512xf32, #tpu.memory_space<vmem>>, vector<512x512xf32>
      %dot_general3A_64 = arith.constant dense<0.000000e+00> : vector<512x512xf32>
      %dot_general3A_65 = tpu.matmul %get3A_63, %add3A_60, %dot_general3A_64 {dimension_numbers = #tpu.dot_dimension_numbers<[1], [0], [0], [1], [0, 0, 1, 1], [], []>, precision = #tpu.contract_precision<fp32>, transpose_lhs_hint = false} : vector<512x512xf32>, vector<512x512xf32>, vector<512x512xf32> -> vector<512x512xf32>
      %mul3A_66 = arith.constant 512 : i32
      %mul3A_67 = arith.muli %mul3A_66, %scan3A_46 : i32
      %sub3A = arith.constant 9488 : i32
      %sub3A_68 = arith.subi %sub3A, %mul3A_67 : i32
      %swap3A_69 = arith.index_cast %sub3A_68 : i32 to index
      %swap3A_70 = arith.constant 0 : index
      %swap3A_71 = vector.load %arg12[%swap3A_69, %swap3A_70] : memref<10240x512xf32, #tpu.memory_space<vmem>>, vector<512x512xf32>
      tpu.vector_store %arg12[%swap3A_69, %swap3A_70], %dot_general3A_65 {strides = array<i32>} : memref<10240x512xf32, #tpu.memory_space<vmem>>, vector<512x512xf32>,
    }
    %scan3A_3 = arith.constant 19 : i32
    %get3A = arith.constant 9728 : index
    %get3A_4 = arith.constant 0 : index
    %get3A_5 = vector.load %arg0[%get3A, %get3A_4] : memref<10240x32xf32, #tpu.memory_space<vmem>>, vector<512x32xf32>
    %get3A_6 = arith.constant 0 : index
    %get3A_7 = arith.constant 0 : index
    %get3A_8 = vector.load %arg2[%get3A_6, %get3A_7] : memref<32x512xf32, #tpu.memory_space<vmem>>, vector<32x512xf32>
    %dot_general3A = arith.constant dense<0.000000e+00> : vector<512x512xf32>
    %dot_general3A_9 = tpu.matmul %get3A_5, %get3A_8, %dot_general3A {dimension_numbers = #tpu.dot_dimension_numbers<[1], [0], [0], [1], [0, 0, 1, 1], [], []>, transpose_lhs_hint = false} : vector<512x32xf32>, vector<32x512xf32>, vector<512x512xf32> -> vector<512x512xf32>
    %get3A_10 = arith.constant 0 : index
    %get3A_11 = arith.constant 0 : index
    %get3A_12 = vector.load %arg4[%get3A_10, %get3A_11] : memref<1x512xf32, #tpu.memory_space<vmem>>, vector<1x512xf32>
    %add3A = vector.broadcast %get3A_12 : vector<1x512xf32> to vector<512x512xf32>
    %add3A_13 = arith.addf %dot_general3A_9, %add3A : vector<512x512xf32>
    %get3A_14 = arith.constant 0 : index
    %get3A_15 = arith.constant 0 : index
    %get3A_16 = vector.load %arg10[%get3A_14, %get3A_15] : memref<512x512xf32, #tpu.memory_space<vmem>>, vector<512x512xf32>
    %dot_general3A_17 = arith.constant dense<0.000000e+00> : vector<512x512xf32>
    %dot_general3A_18 = tpu.matmul %get3A_16, %add3A_13, %dot_general3A_17 {dimension_numbers = #tpu.dot_dimension_numbers<[1], [0], [0], [1], [0, 0, 1, 1], [], []>, precision = #tpu.contract_precision<fp32>, transpose_lhs_hint = false} : vector<512x512xf32>, vector<512x512xf32>, vector<512x512xf32> -> vector<512x512xf32>
    %slice3A = vector.extract_strided_slice %dot_general3A_18 {offsets = [240, 0], sizes = [272, 512], strides = [1, 1]} : vector<512x512xf32> to vector<272x512xf32>
    %swap3A = arith.constant 0 : index
    %swap3A_19 = arith.constant 0 : index
    %swap3A_20 = vector.load %arg12[%swap3A, %swap3A_19] : memref<10240x512xf32, #tpu.memory_space<vmem>>, vector<272x512xf32>
    tpu.vector_store %arg12[%swap3A, %swap3A_19], %slice3A {strides = array<i32>} : memref<10240x512xf32, #tpu.memory_space<vmem>>, vector<272x512xf32>,
    %scan3A_21 = arith.constant 0 : i32
    %scan3A_22 = arith.constant 20 : i32
    %scan3A_23 = arith.addi %scan3A_21, %scan3A_22 : i32
    %scan3A_24 = arith.constant 1 : i32
    scf.for %scan3A_46 = %scan3A_21 to %scan3A_23 step %scan3A_24  : i32 {
      %mul3A = arith.constant 512 : i32
      %mul3A_47 = arith.muli %scan3A_46, %mul3A : i32
      %get3A_48 = arith.index_cast %mul3A_47 : i32 to index
      %get3A_49 = arith.constant 0 : index
      %get3A_50 = vector.load %arg12[%get3A_48, %get3A_49] : memref<10240x512xf32, #tpu.memory_space<vmem>>, vector<512x512xf32>
      %get3A_51 = arith.index_cast %mul3A_47 : i32 to index
      %get3A_52 = arith.constant 0 : index
      %get3A_53 = vector.load %arg0[%get3A_51, %get3A_52] : memref<10240x32xf32, #tpu.memory_space<vmem>>, vector<512x32xf32>
      %get3A_54 = arith.constant 0 : index
      %get3A_55 = arith.constant 0 : index
      %get3A_56 = vector.load %arg1[%get3A_54, %get3A_55] : memref<32x512xf32, #tpu.memory_space<vmem>>, vector<32x512xf32>
      %dot_general3A_57 = arith.constant dense<0.000000e+00> : vector<512x512xf32>
      %dot_general3A_58 = tpu.matmul %get3A_53, %get3A_56, %dot_general3A_57 {dimension_numbers = #tpu.dot_dimension_numbers<[1], [0], [0], [1], [0, 0, 1, 1], [], []>, transpose_lhs_hint = false} : vector<512x32xf32>, vector<32x512xf32>, vector<512x512xf32> -> vector<512x512xf32>
      %add3A_59 = arith.addf %get3A_50, %dot_general3A_58 : vector<512x512xf32>
      %get3A_60 = arith.constant 0 : index
      %get3A_61 = arith.constant 0 : index
      %get3A_62 = vector.load %arg3[%get3A_60, %get3A_61] : memref<1x512xf32, #tpu.memory_space<vmem>>, vector<1x512xf32>
      %add3A_63 = vector.broadcast %get3A_62 : vector<1x512xf32> to vector<512x512xf32>
      %add3A_64 = arith.addf %add3A_59, %add3A_63 : vector<512x512xf32>
      %swap3A_65 = arith.index_cast %mul3A_47 : i32 to index
      %swap3A_66 = arith.constant 0 : index
      %swap3A_67 = vector.load %arg12[%swap3A_65, %swap3A_66] : memref<10240x512xf32, #tpu.memory_space<vmem>>, vector<512x512xf32>
      tpu.vector_store %arg12[%swap3A_65, %swap3A_66], %add3A_64 {strides = array<i32>} : memref<10240x512xf32, #tpu.memory_space<vmem>>, vector<512x512xf32>,
    }
    %scan3A_25 = arith.constant 20 : i32
    %get3A_26 = arith.constant 0 : index
    %get3A_27 = arith.constant 0 : index
    %get3A_28 = vector.load %arg5[%get3A_26, %get3A_27] : memref<128x512xf32, #tpu.memory_space<vmem>>, vector<128x512xf32>
    %slice3A_29 = vector.extract_strided_slice %get3A_28 {offsets = [0, 0], sizes = [64, 256], strides = [1, 1]} : vector<128x512xf32> to vector<64x256xf32>
    %get3A_30 = arith.constant 0 : index
    %get3A_31 = arith.constant 0 : index
    %get3A_32 = vector.load %arg5[%get3A_30, %get3A_31] : memref<128x512xf32, #tpu.memory_space<vmem>>, vector<128x512xf32>
    %slice3A_33 = vector.extract_strided_slice %get3A_32 {offsets = [64, 256], sizes = [64, 256], strides = [1, 1]} : vector<128x512xf32> to vector<64x256xf32>
    %broadcast_in_dim3A = arith.constant 0.000000e+00 : f32
    %broadcast_in_dim3A_34 = vector.broadcast %broadcast_in_dim3A : f32 to vector<1x64xf32>
    %scan3A_35 = arith.constant 0 : i32
    %scan3A_36 = arith.constant 10000 : i32
    %scan3A_37 = arith.addi %scan3A_35, %scan3A_36 : i32
    %scan3A_38 = arith.constant 4 : i32
    %scan3A_39:4 = scf.for %scan3A_46 = %scan3A_35 to %scan3A_37 step %scan3A_38 iter_args(%scan3A_47 = %broadcast_in_dim3A_34, %scan3A_48 = %broadcast_in_dim3A_34, %scan3A_49 = %broadcast_in_dim3A_34, %scan3A_50 = %broadcast_in_dim3A_34) -> (vector<1x64xf32>, vector<1x64xf32>, vector<1x64xf32>, vector<1x64xf32>)  : i32 {
      %sub3A = arith.constant 9999 : i32
      %sub3A_51 = arith.subi %sub3A, %scan3A_46 : i32
      %dot_general3A_52 = arith.constant dense<0.000000e+00> : vector<1x256xf32>
      %dot_general3A_53 = tpu.matmul %scan3A_47, %slice3A_29, %dot_general3A_52 {dimension_numbers = #tpu.dot_dimension_numbers<[1], [0], [0], [1], [0, 0, 1, 1], [], []>, transpose_lhs_hint = false} : vector<1x64xf32>, vector<64x256xf32>, vector<1x256xf32> -> vector<1x256xf32>
      %dot_general3A_54 = arith.constant dense<0.000000e+00> : vector<1x256xf32>
      %dot_general3A_55 = tpu.matmul %scan3A_49, %slice3A_33, %dot_general3A_54 {dimension_numbers = #tpu.dot_dimension_numbers<[1], [0], [0], [1], [0, 0, 1, 1], [], []>, transpose_lhs_hint = false} : vector<1x64xf32>, vector<64x256xf32>, vector<1x256xf32> -> vector<1x256xf32>
      %get3A_56 = arith.index_cast %scan3A_46 : i32 to index
      %get3A_57 = arith.constant 0 : index
      %get3A_58 = vector.load %arg12[%get3A_56, %get3A_57] : memref<10240x512xf32, #tpu.memory_space<vmem>>, vector<1x512xf32>
      %slice3A_59 = vector.extract_strided_slice %get3A_58 {offsets = [0, 0], sizes = [1, 256], strides = [1, 1]} : vector<1x512xf32> to vector<1x256xf32>
      %add3A_60 = arith.addf %dot_general3A_53, %slice3A_59 : vector<1x256xf32>
      %slice3A_61 = vector.extract_strided_slice %get3A_58 {offsets = [0, 256], sizes = [1, 256], strides = [1, 1]} : vector<1x512xf32> to vector<1x256xf32>
      %add3A_62 = arith.addf %dot_general3A_55, %slice3A_61 : vector<1x256xf32>
      %slice3A_63 = vector.extract_strided_slice %add3A_60 {offsets = [0, 0], sizes = [1, 64], strides = [1, 1]} : vector<1x256xf32> to vector<1x64xf32>
      %logistic3A = arith.negf %slice3A_63 : vector<1x64xf32>
      %logistic3A_64 = math.exp %logistic3A : vector<1x64xf32>
      %logistic3A_65 = arith.constant 1.000000e+00 : f32
      %logistic3A_66 = vector.broadcast %logistic3A_65 : f32 to vector<1x64xf32>
      %logistic3A_67 = arith.addf %logistic3A_66, %logistic3A_64 : vector<1x64xf32>
      %logistic3A_68 = arith.divf %logistic3A_66, %logistic3A_67 : vector<1x64xf32>
      %slice3A_69 = vector.extract_strided_slice %add3A_60 {offsets = [0, 64], sizes = [1, 64], strides = [1, 1]} : vector<1x256xf32> to vector<1x64xf32>
      %logistic3A_70 = arith.negf %slice3A_69 : vector<1x64xf32>
      %logistic3A_71 = math.exp %logistic3A_70 : vector<1x64xf32>
      %logistic3A_72 = arith.constant 1.000000e+00 : f32
      %logistic3A_73 = vector.broadcast %logistic3A_72 : f32 to vector<1x64xf32>
      %logistic3A_74 = arith.addf %logistic3A_73, %logistic3A_71 : vector<1x64xf32>
      %logistic3A_75 = arith.divf %logistic3A_73, %logistic3A_74 : vector<1x64xf32>
      %slice3A_76 = vector.extract_strided_slice %add3A_60 {offsets = [0, 128], sizes = [1, 64], strides = [1, 1]} : vector<1x256xf32> to vector<1x64xf32>
      %tanh3A = math.tanh %slice3A_76 : vector<1x64xf32>
      %slice3A_77 = vector.extract_strided_slice %add3A_60 {offsets = [0, 192], sizes = [1, 64], strides = [1, 1]} : vector<1x256xf32> to vector<1x64xf32>
      %logistic3A_78 = arith.negf %slice3A_77 : vector<1x64xf32>
      %logistic3A_79 = math.exp %logistic3A_78 : vector<1x64xf32>
      %logistic3A_80 = arith.constant 1.000000e+00 : f32
      %logistic3A_81 = vector.broadcast %logistic3A_80 : f32 to vector<1x64xf32>
      %logistic3A_82 = arith.addf %logistic3A_81, %logistic3A_79 : vector<1x64xf32>
      %logistic3A_83 = arith.divf %logistic3A_81, %logistic3A_82 : vector<1x64xf32>
      %mul3A = arith.mulf %logistic3A_75, %scan3A_48 : vector<1x64xf32>
      %mul3A_84 = arith.mulf %logistic3A_68, %tanh3A : vector<1x64xf32>
      %add3A_85 = arith.addf %mul3A, %mul3A_84 : vector<1x64xf32>
      %tanh3A_86 = math.tanh %add3A_85 : vector<1x64xf32>
      %mul3A_87 = arith.mulf %logistic3A_83, %tanh3A_86 : vector<1x64xf32>
      %slice3A_88 = vector.extract_strided_slice %add3A_62 {offsets = [0, 0], sizes = [1, 64], strides = [1, 1]} : vector<1x256xf32> to vector<1x64xf32>
      %logistic3A_89 = arith.negf %slice3A_88 : vector<1x64xf32>
      %logistic3A_90 = math.exp %logistic3A_89 : vector<1x64xf32>
      %logistic3A_91 = arith.constant 1.000000e+00 : f32
      %logistic3A_92 = vector.broadcast %logistic3A_91 : f32 to vector<1x64xf32>
      %logistic3A_93 = arith.addf %logistic3A_92, %logistic3A_90 : vector<1x64xf32>
      %logistic3A_94 = arith.divf %logistic3A_92, %logistic3A_93 : vector<1x64xf32>
      %slice3A_95 = vector.extract_strided_slice %add3A_62 {offsets = [0, 64], sizes = [1, 64], strides = [1, 1]} : vector<1x256xf32> to vector<1x64xf32>
      %logistic3A_96 = arith.negf %slice3A_95 : vector<1x64xf32>
      %logistic3A_97 = math.exp %logistic3A_96 : vector<1x64xf32>
      %logistic3A_98 = arith.constant 1.000000e+00 : f32
      %logistic3A_99 = vector.broadcast %logistic3A_98 : f32 to vector<1x64xf32>
      %logistic3A_100 = arith.addf %logistic3A_99, %logistic3A_97 : vector<1x64xf32>
      %logistic3A_101 = arith.divf %logistic3A_99, %logistic3A_100 : vector<1x64xf32>
      %slice3A_102 = vector.extract_strided_slice %add3A_62 {offsets = [0, 128], sizes = [1, 64], strides = [1, 1]} : vector<1x256xf32> to vector<1x64xf32>
      %tanh3A_103 = math.tanh %slice3A_102 : vector<1x64xf32>
      %slice3A_104 = vector.extract_strided_slice %add3A_62 {offsets = [0, 192], sizes = [1, 64], strides = [1, 1]} : vector<1x256xf32> to vector<1x64xf32>
      %logistic3A_105 = arith.negf %slice3A_104 : vector<1x64xf32>
      %logistic3A_106 = math.exp %logistic3A_105 : vector<1x64xf32>
      %logistic3A_107 = arith.constant 1.000000e+00 : f32
      %logistic3A_108 = vector.broadcast %logistic3A_107 : f32 to vector<1x64xf32>
      %logistic3A_109 = arith.addf %logistic3A_108, %logistic3A_106 : vector<1x64xf32>
      %logistic3A_110 = arith.divf %logistic3A_108, %logistic3A_109 : vector<1x64xf32>
      %mul3A_111 = arith.mulf %logistic3A_101, %scan3A_50 : vector<1x64xf32>
      %mul3A_112 = arith.mulf %logistic3A_94, %tanh3A_103 : vector<1x64xf32>
      %add3A_113 = arith.addf %mul3A_111, %mul3A_112 : vector<1x64xf32>
      %tanh3A_114 = math.tanh %add3A_113 : vector<1x64xf32>
      %mul3A_115 = arith.mulf %logistic3A_110, %tanh3A_114 : vector<1x64xf32>
      %swap3A_116 = arith.index_cast %scan3A_46 : i32 to index
      %swap3A_117 = arith.constant 0 : index
      %swap3A_118 = vector.load %arg13[%swap3A_116, %swap3A_117] : memref<10240x128xf32, #tpu.memory_space<vmem>>, vector<1x64xf32>
      tpu.vector_store %arg13[%swap3A_116, %swap3A_117], %mul3A_87 {strides = array<i32>} : memref<10240x128xf32, #tpu.memory_space<vmem>>, vector<1x64xf32>,
      %swap3A_119 = arith.index_cast %sub3A_51 : i32 to index
      %swap3A_120 = arith.constant 64 : index
      %swap3A_121 = vector.load %arg13[%swap3A_119, %swap3A_120] : memref<10240x128xf32, #tpu.memory_space<vmem>>, vector<1x64xf32>
      tpu.vector_store %arg13[%swap3A_119, %swap3A_120], %mul3A_115 {strides = array<i32>} : memref<10240x128xf32, #tpu.memory_space<vmem>>, vector<1x64xf32>,
      %scan3A_122 = arith.constant 1 : i32
      %scan3A_123 = arith.addi %scan3A_46, %scan3A_122 : i32
      %sub3A_124 = arith.constant 9999 : i32
      %sub3A_125 = arith.subi %sub3A_124, %scan3A_123 : i32
      %dot_general3A_126 = arith.constant dense<0.000000e+00> : vector<1x256xf32>
      %dot_general3A_127 = tpu.matmul %mul3A_87, %slice3A_29, %dot_general3A_126 {dimension_numbers = #tpu.dot_dimension_numbers<[1], [0], [0], [1], [0, 0, 1, 1], [], []>, transpose_lhs_hint = false} : vector<1x64xf32>, vector<64x256xf32>, vector<1x256xf32> -> vector<1x256xf32>
      %dot_general3A_128 = arith.constant dense<0.000000e+00> : vector<1x256xf32>
      %dot_general3A_129 = tpu.matmul %mul3A_115, %slice3A_33, %dot_general3A_128 {dimension_numbers = #tpu.dot_dimension_numbers<[1], [0], [0], [1], [0, 0, 1, 1], [], []>, transpose_lhs_hint = false} : vector<1x64xf32>, vector<64x256xf32>, vector<1x256xf32> -> vector<1x256xf32>
      %get3A_130 = arith.index_cast %scan3A_123 : i32 to index
      %get3A_131 = arith.constant 0 : index
      %get3A_132 = vector.load %arg12[%get3A_130, %get3A_131] : memref<10240x512xf32, #tpu.memory_space<vmem>>, vector<1x512xf32>
      %slice3A_133 = vector.extract_strided_slice %get3A_132 {offsets = [0, 0], sizes = [1, 256], strides = [1, 1]} : vector<1x512xf32> to vector<1x256xf32>
      %add3A_134 = arith.addf %dot_general3A_127, %slice3A_133 : vector<1x256xf32>
      %slice3A_135 = vector.extract_strided_slice %get3A_132 {offsets = [0, 256], sizes = [1, 256], strides = [1, 1]} : vector<1x512xf32> to vector<1x256xf32>
      %add3A_136 = arith.addf %dot_general3A_129, %slice3A_135 : vector<1x256xf32>
      %slice3A_137 = vector.extract_strided_slice %add3A_134 {offsets = [0, 0], sizes = [1, 64], strides = [1, 1]} : vector<1x256xf32> to vector<1x64xf32>
      %logistic3A_138 = arith.negf %slice3A_137 : vector<1x64xf32>
      %logistic3A_139 = math.exp %logistic3A_138 : vector<1x64xf32>
      %logistic3A_140 = arith.constant 1.000000e+00 : f32
      %logistic3A_141 = vector.broadcast %logistic3A_140 : f32 to vector<1x64xf32>
      %logistic3A_142 = arith.addf %logistic3A_141, %logistic3A_139 : vector<1x64xf32>
      %logistic3A_143 = arith.divf %logistic3A_141, %logistic3A_142 : vector<1x64xf32>
      %slice3A_144 = vector.extract_strided_slice %add3A_134 {offsets = [0, 64], sizes = [1, 64], strides = [1, 1]} : vector<1x256xf32> to vector<1x64xf32>
      %logistic3A_145 = arith.negf %slice3A_144 : vector<1x64xf32>
      %logistic3A_146 = math.exp %logistic3A_145 : vector<1x64xf32>
      %logistic3A_147 = arith.constant 1.000000e+00 : f32
      %logistic3A_148 = vector.broadcast %logistic3A_147 : f32 to vector<1x64xf32>
      %logistic3A_149 = arith.addf %logistic3A_148, %logistic3A_146 : vector<1x64xf32>
      %logistic3A_150 = arith.divf %logistic3A_148, %logistic3A_149 : vector<1x64xf32>
      %slice3A_151 = vector.extract_strided_slice %add3A_134 {offsets = [0, 128], sizes = [1, 64], strides = [1, 1]} : vector<1x256xf32> to vector<1x64xf32>
      %tanh3A_152 = math.tanh %slice3A_151 : vector<1x64xf32>
      %slice3A_153 = vector.extract_strided_slice %add3A_134 {offsets = [0, 192], sizes = [1, 64], strides = [1, 1]} : vector<1x256xf32> to vector<1x64xf32>
      %logistic3A_154 = arith.negf %slice3A_153 : vector<1x64xf32>
      %logistic3A_155 = math.exp %logistic3A_154 : vector<1x64xf32>
      %logistic3A_156 = arith.constant 1.000000e+00 : f32
      %logistic3A_157 = vector.broadcast %logistic3A_156 : f32 to vector<1x64xf32>
      %logistic3A_158 = arith.addf %logistic3A_157, %logistic3A_155 : vector<1x64xf32>
      %logistic3A_159 = arith.divf %logistic3A_157, %logistic3A_158 : vector<1x64xf32>
      %mul3A_160 = arith.mulf %logistic3A_150, %add3A_85 : vector<1x64xf32>
      %mul3A_161 = arith.mulf %logistic3A_143, %tanh3A_152 : vector<1x64xf32>
      %add3A_162 = arith.addf %mul3A_160, %mul3A_161 : vector<1x64xf32>
      %tanh3A_163 = math.tanh %add3A_162 : vector<1x64xf32>
      %mul3A_164 = arith.mulf %logistic3A_159, %tanh3A_163 : vector<1x64xf32>
      %slice3A_165 = vector.extract_strided_slice %add3A_136 {offsets = [0, 0], sizes = [1, 64], strides = [1, 1]} : vector<1x256xf32> to vector<1x64xf32>
      %logistic3A_166 = arith.negf %slice3A_165 : vector<1x64xf32>
      %logistic3A_167 = math.exp %logistic3A_166 : vector<1x64xf32>
      %logistic3A_168 = arith.constant 1.000000e+00 : f32
      %logistic3A_169 = vector.broadcast %logistic3A_168 : f32 to vector<1x64xf32>
      %logistic3A_170 = arith.addf %logistic3A_169, %logistic3A_167 : vector<1x64xf32>
      %logistic3A_171 = arith.divf %logistic3A_169, %logistic3A_170 : vector<1x64xf32>
      %slice3A_172 = vector.extract_strided_slice %add3A_136 {offsets = [0, 64], sizes = [1, 64], strides = [1, 1]} : vector<1x256xf32> to vector<1x64xf32>
      %logistic3A_173 = arith.negf %slice3A_172 : vector<1x64xf32>
      %logistic3A_174 = math.exp %logistic3A_173 : vector<1x64xf32>
      %logistic3A_175 = arith.constant 1.000000e+00 : f32
      %logistic3A_176 = vector.broadcast %logistic3A_175 : f32 to vector<1x64xf32>
      %logistic3A_177 = arith.addf %logistic3A_176, %logistic3A_174 : vector<1x64xf32>
      %logistic3A_178 = arith.divf %logistic3A_176, %logistic3A_177 : vector<1x64xf32>
      %slice3A_179 = vector.extract_strided_slice %add3A_136 {offsets = [0, 128], sizes = [1, 64], strides = [1, 1]} : vector<1x256xf32> to vector<1x64xf32>
      %tanh3A_180 = math.tanh %slice3A_179 : vector<1x64xf32>
      %slice3A_181 = vector.extract_strided_slice %add3A_136 {offsets = [0, 192], sizes = [1, 64], strides = [1, 1]} : vector<1x256xf32> to vector<1x64xf32>
      %logistic3A_182 = arith.negf %slice3A_181 : vector<1x64xf32>
      %logistic3A_183 = math.exp %logistic3A_182 : vector<1x64xf32>
      %logistic3A_184 = arith.constant 1.000000e+00 : f32
      %logistic3A_185 = vector.broadcast %logistic3A_184 : f32 to vector<1x64xf32>
      %logistic3A_186 = arith.addf %logistic3A_185, %logistic3A_183 : vector<1x64xf32>
      %logistic3A_187 = arith.divf %logistic3A_185, %logistic3A_186 : vector<1x64xf32>
      %mul3A_188 = arith.mulf %logistic3A_178, %add3A_113 : vector<1x64xf32>
      %mul3A_189 = arith.mulf %logistic3A_171, %tanh3A_180 : vector<1x64xf32>
      %add3A_190 = arith.addf %mul3A_188, %mul3A_189 : vector<1x64xf32>
      %tanh3A_191 = math.tanh %add3A_190 : vector<1x64xf32>
      %mul3A_192 = arith.mulf %logistic3A_187, %tanh3A_191 : vector<1x64xf32>
      %swap3A_193 = arith.index_cast %scan3A_123 : i32 to index
      %swap3A_194 = arith.constant 0 : index
      %swap3A_195 = vector.load %arg13[%swap3A_193, %swap3A_194] : memref<10240x128xf32, #tpu.memory_space<vmem>>, vector<1x64xf32>
      tpu.vector_store %arg13[%swap3A_193, %swap3A_194], %mul3A_164 {strides = array<i32>} : memref<10240x128xf32, #tpu.memory_space<vmem>>, vector<1x64xf32>,
      %swap3A_196 = arith.index_cast %sub3A_125 : i32 to index
      %swap3A_197 = arith.constant 64 : index
      %swap3A_198 = vector.load %arg13[%swap3A_196, %swap3A_197] : memref<10240x128xf32, #tpu.memory_space<vmem>>, vector<1x64xf32>
      tpu.vector_store %arg13[%swap3A_196, %swap3A_197], %mul3A_192 {strides = array<i32>} : memref<10240x128xf32, #tpu.memory_space<vmem>>, vector<1x64xf32>,
      %scan3A_199 = arith.constant 2 : i32
      %scan3A_200 = arith.addi %scan3A_46, %scan3A_199 : i32
      %sub3A_201 = arith.constant 9999 : i32
      %sub3A_202 = arith.subi %sub3A_201, %scan3A_200 : i32
      %dot_general3A_203 = arith.constant dense<0.000000e+00> : vector<1x256xf32>
      %dot_general3A_204 = tpu.matmul %mul3A_164, %slice3A_29, %dot_general3A_203 {dimension_numbers = #tpu.dot_dimension_numbers<[1], [0], [0], [1], [0, 0, 1, 1], [], []>, transpose_lhs_hint = false} : vector<1x64xf32>, vector<64x256xf32>, vector<1x256xf32> -> vector<1x256xf32>
      %dot_general3A_205 = arith.constant dense<0.000000e+00> : vector<1x256xf32>
      %dot_general3A_206 = tpu.matmul %mul3A_192, %slice3A_33, %dot_general3A_205 {dimension_numbers = #tpu.dot_dimension_numbers<[1], [0], [0], [1], [0, 0, 1, 1], [], []>, transpose_lhs_hint = false} : vector<1x64xf32>, vector<64x256xf32>, vector<1x256xf32> -> vector<1x256xf32>
      %get3A_207 = arith.index_cast %scan3A_200 : i32 to index
      %get3A_208 = arith.constant 0 : index
      %get3A_209 = vector.load %arg12[%get3A_207, %get3A_208] : memref<10240x512xf32, #tpu.memory_space<vmem>>, vector<1x512xf32>
      %slice3A_210 = vector.extract_strided_slice %get3A_209 {offsets = [0, 0], sizes = [1, 256], strides = [1, 1]} : vector<1x512xf32> to vector<1x256xf32>
      %add3A_211 = arith.addf %dot_general3A_204, %slice3A_210 : vector<1x256xf32>
      %slice3A_212 = vector.extract_strided_slice %get3A_209 {offsets = [0, 256], sizes = [1, 256], strides = [1, 1]} : vector<1x512xf32> to vector<1x256xf32>
      %add3A_213 = arith.addf %dot_general3A_206, %slice3A_212 : vector<1x256xf32>
      %slice3A_214 = vector.extract_strided_slice %add3A_211 {offsets = [0, 0], sizes = [1, 64], strides = [1, 1]} : vector<1x256xf32> to vector<1x64xf32>
      %logistic3A_215 = arith.negf %slice3A_214 : vector<1x64xf32>
      %logistic3A_216 = math.exp %logistic3A_215 : vector<1x64xf32>
      %logistic3A_217 = arith.constant 1.000000e+00 : f32
      %logistic3A_218 = vector.broadcast %logistic3A_217 : f32 to vector<1x64xf32>
      %logistic3A_219 = arith.addf %logistic3A_218, %logistic3A_216 : vector<1x64xf32>
      %logistic3A_220 = arith.divf %logistic3A_218, %logistic3A_219 : vector<1x64xf32>
      %slice3A_221 = vector.extract_strided_slice %add3A_211 {offsets = [0, 64], sizes = [1, 64], strides = [1, 1]} : vector<1x256xf32> to vector<1x64xf32>
      %logistic3A_222 = arith.negf %slice3A_221 : vector<1x64xf32>
      %logistic3A_223 = math.exp %logistic3A_222 : vector<1x64xf32>
      %logistic3A_224 = arith.constant 1.000000e+00 : f32
      %logistic3A_225 = vector.broadcast %logistic3A_224 : f32 to vector<1x64xf32>
      %logistic3A_226 = arith.addf %logistic3A_225, %logistic3A_223 : vector<1x64xf32>
      %logistic3A_227 = arith.divf %logistic3A_225, %logistic3A_226 : vector<1x64xf32>
      %slice3A_228 = vector.extract_strided_slice %add3A_211 {offsets = [0, 128], sizes = [1, 64], strides = [1, 1]} : vector<1x256xf32> to vector<1x64xf32>
      %tanh3A_229 = math.tanh %slice3A_228 : vector<1x64xf32>
      %slice3A_230 = vector.extract_strided_slice %add3A_211 {offsets = [0, 192], sizes = [1, 64], strides = [1, 1]} : vector<1x256xf32> to vector<1x64xf32>
      %logistic3A_231 = arith.negf %slice3A_230 : vector<1x64xf32>
      %logistic3A_232 = math.exp %logistic3A_231 : vector<1x64xf32>
      %logistic3A_233 = arith.constant 1.000000e+00 : f32
      %logistic3A_234 = vector.broadcast %logistic3A_233 : f32 to vector<1x64xf32>
      %logistic3A_235 = arith.addf %logistic3A_234, %logistic3A_232 : vector<1x64xf32>
      %logistic3A_236 = arith.divf %logistic3A_234, %logistic3A_235 : vector<1x64xf32>
      %mul3A_237 = arith.mulf %logistic3A_227, %add3A_162 : vector<1x64xf32>
      %mul3A_238 = arith.mulf %logistic3A_220, %tanh3A_229 : vector<1x64xf32>
      %add3A_239 = arith.addf %mul3A_237, %mul3A_238 : vector<1x64xf32>
      %tanh3A_240 = math.tanh %add3A_239 : vector<1x64xf32>
      %mul3A_241 = arith.mulf %logistic3A_236, %tanh3A_240 : vector<1x64xf32>
      %slice3A_242 = vector.extract_strided_slice %add3A_213 {offsets = [0, 0], sizes = [1, 64], strides = [1, 1]} : vector<1x256xf32> to vector<1x64xf32>
      %logistic3A_243 = arith.negf %slice3A_242 : vector<1x64xf32>
      %logistic3A_244 = math.exp %logistic3A_243 : vector<1x64xf32>
      %logistic3A_245 = arith.constant 1.000000e+00 : f32
      %logistic3A_246 = vector.broadcast %logistic3A_245 : f32 to vector<1x64xf32>
      %logistic3A_247 = arith.addf %logistic3A_246, %logistic3A_244 : vector<1x64xf32>
      %logistic3A_248 = arith.divf %logistic3A_246, %logistic3A_247 : vector<1x64xf32>
      %slice3A_249 = vector.extract_strided_slice %add3A_213 {offsets = [0, 64], sizes = [1, 64], strides = [1, 1]} : vector<1x256xf32> to vector<1x64xf32>
      %logistic3A_250 = arith.negf %slice3A_249 : vector<1x64xf32>
      %logistic3A_251 = math.exp %logistic3A_250 : vector<1x64xf32>
      %logistic3A_252 = arith.constant 1.000000e+00 : f32
      %logistic3A_253 = vector.broadcast %logistic3A_252 : f32 to vector<1x64xf32>
      %logistic3A_254 = arith.addf %logistic3A_253, %logistic3A_251 : vector<1x64xf32>
      %logistic3A_255 = arith.divf %logistic3A_253, %logistic3A_254 : vector<1x64xf32>
      %slice3A_256 = vector.extract_strided_slice %add3A_213 {offsets = [0, 128], sizes = [1, 64], strides = [1, 1]} : vector<1x256xf32> to vector<1x64xf32>
      %tanh3A_257 = math.tanh %slice3A_256 : vector<1x64xf32>
      %slice3A_258 = vector.extract_strided_slice %add3A_213 {offsets = [0, 192], sizes = [1, 64], strides = [1, 1]} : vector<1x256xf32> to vector<1x64xf32>
      %logistic3A_259 = arith.negf %slice3A_258 : vector<1x64xf32>
      %logistic3A_260 = math.exp %logistic3A_259 : vector<1x64xf32>
      %logistic3A_261 = arith.constant 1.000000e+00 : f32
      %logistic3A_262 = vector.broadcast %logistic3A_261 : f32 to vector<1x64xf32>
      %logistic3A_263 = arith.addf %logistic3A_262, %logistic3A_260 : vector<1x64xf32>
      %logistic3A_264 = arith.divf %logistic3A_262, %logistic3A_263 : vector<1x64xf32>
      %mul3A_265 = arith.mulf %logistic3A_255, %add3A_190 : vector<1x64xf32>
      %mul3A_266 = arith.mulf %logistic3A_248, %tanh3A_257 : vector<1x64xf32>
      %add3A_267 = arith.addf %mul3A_265, %mul3A_266 : vector<1x64xf32>
      %tanh3A_268 = math.tanh %add3A_267 : vector<1x64xf32>
      %mul3A_269 = arith.mulf %logistic3A_264, %tanh3A_268 : vector<1x64xf32>
      %swap3A_270 = arith.index_cast %scan3A_200 : i32 to index
      %swap3A_271 = arith.constant 0 : index
      %swap3A_272 = vector.load %arg13[%swap3A_270, %swap3A_271] : memref<10240x128xf32, #tpu.memory_space<vmem>>, vector<1x64xf32>
      tpu.vector_store %arg13[%swap3A_270, %swap3A_271], %mul3A_241 {strides = array<i32>} : memref<10240x128xf32, #tpu.memory_space<vmem>>, vector<1x64xf32>,
      %swap3A_273 = arith.index_cast %sub3A_202 : i32 to index
      %swap3A_274 = arith.constant 64 : index
      %swap3A_275 = vector.load %arg13[%swap3A_273, %swap3A_274] : memref<10240x128xf32, #tpu.memory_space<vmem>>, vector<1x64xf32>
      tpu.vector_store %arg13[%swap3A_273, %swap3A_274], %mul3A_269 {strides = array<i32>} : memref<10240x128xf32, #tpu.memory_space<vmem>>, vector<1x64xf32>,
      %scan3A_276 = arith.constant 3 : i32
      %scan3A_277 = arith.addi %scan3A_46, %scan3A_276 : i32
      %sub3A_278 = arith.constant 9999 : i32
      %sub3A_279 = arith.subi %sub3A_278, %scan3A_277 : i32
      %dot_general3A_280 = arith.constant dense<0.000000e+00> : vector<1x256xf32>
      %dot_general3A_281 = tpu.matmul %mul3A_241, %slice3A_29, %dot_general3A_280 {dimension_numbers = #tpu.dot_dimension_numbers<[1], [0], [0], [1], [0, 0, 1, 1], [], []>, transpose_lhs_hint = false} : vector<1x64xf32>, vector<64x256xf32>, vector<1x256xf32> -> vector<1x256xf32>
      %dot_general3A_282 = arith.constant dense<0.000000e+00> : vector<1x256xf32>
      %dot_general3A_283 = tpu.matmul %mul3A_269, %slice3A_33, %dot_general3A_282 {dimension_numbers = #tpu.dot_dimension_numbers<[1], [0], [0], [1], [0, 0, 1, 1], [], []>, transpose_lhs_hint = false} : vector<1x64xf32>, vector<64x256xf32>, vector<1x256xf32> -> vector<1x256xf32>
      %get3A_284 = arith.index_cast %scan3A_277 : i32 to index
      %get3A_285 = arith.constant 0 : index
      %get3A_286 = vector.load %arg12[%get3A_284, %get3A_285] : memref<10240x512xf32, #tpu.memory_space<vmem>>, vector<1x512xf32>
      %slice3A_287 = vector.extract_strided_slice %get3A_286 {offsets = [0, 0], sizes = [1, 256], strides = [1, 1]} : vector<1x512xf32> to vector<1x256xf32>
      %add3A_288 = arith.addf %dot_general3A_281, %slice3A_287 : vector<1x256xf32>
      %slice3A_289 = vector.extract_strided_slice %get3A_286 {offsets = [0, 256], sizes = [1, 256], strides = [1, 1]} : vector<1x512xf32> to vector<1x256xf32>
      %add3A_290 = arith.addf %dot_general3A_283, %slice3A_289 : vector<1x256xf32>
      %slice3A_291 = vector.extract_strided_slice %add3A_288 {offsets = [0, 0], sizes = [1, 64], strides = [1, 1]} : vector<1x256xf32> to vector<1x64xf32>
      %logistic3A_292 = arith.negf %slice3A_291 : vector<1x64xf32>
      %logistic3A_293 = math.exp %logistic3A_292 : vector<1x64xf32>
      %logistic3A_294 = arith.constant 1.000000e+00 : f32
      %logistic3A_295 = vector.broadcast %logistic3A_294 : f32 to vector<1x64xf32>
      %logistic3A_296 = arith.addf %logistic3A_295, %logistic3A_293 : vector<1x64xf32>
      %logistic3A_297 = arith.divf %logistic3A_295, %logistic3A_296 : vector<1x64xf32>
      %slice3A_298 = vector.extract_strided_slice %add3A_288 {offsets = [0, 64], sizes = [1, 64], strides = [1, 1]} : vector<1x256xf32> to vector<1x64xf32>
      %logistic3A_299 = arith.negf %slice3A_298 : vector<1x64xf32>
      %logistic3A_300 = math.exp %logistic3A_299 : vector<1x64xf32>
      %logistic3A_301 = arith.constant 1.000000e+00 : f32
      %logistic3A_302 = vector.broadcast %logistic3A_301 : f32 to vector<1x64xf32>
      %logistic3A_303 = arith.addf %logistic3A_302, %logistic3A_300 : vector<1x64xf32>
      %logistic3A_304 = arith.divf %logistic3A_302, %logistic3A_303 : vector<1x64xf32>
      %slice3A_305 = vector.extract_strided_slice %add3A_288 {offsets = [0, 128], sizes = [1, 64], strides = [1, 1]} : vector<1x256xf32> to vector<1x64xf32>
      %tanh3A_306 = math.tanh %slice3A_305 : vector<1x64xf32>
      %slice3A_307 = vector.extract_strided_slice %add3A_288 {offsets = [0, 192], sizes = [1, 64], strides = [1, 1]} : vector<1x256xf32> to vector<1x64xf32>
      %logistic3A_308 = arith.negf %slice3A_307 : vector<1x64xf32>
      %logistic3A_309 = math.exp %logistic3A_308 : vector<1x64xf32>
      %logistic3A_310 = arith.constant 1.000000e+00 : f32
      %logistic3A_311 = vector.broadcast %logistic3A_310 : f32 to vector<1x64xf32>
      %logistic3A_312 = arith.addf %logistic3A_311, %logistic3A_309 : vector<1x64xf32>
      %logistic3A_313 = arith.divf %logistic3A_311, %logistic3A_312 : vector<1x64xf32>
      %mul3A_314 = arith.mulf %logistic3A_304, %add3A_239 : vector<1x64xf32>
      %mul3A_315 = arith.mulf %logistic3A_297, %tanh3A_306 : vector<1x64xf32>
      %add3A_316 = arith.addf %mul3A_314, %mul3A_315 : vector<1x64xf32>
      %tanh3A_317 = math.tanh %add3A_316 : vector<1x64xf32>
      %mul3A_318 = arith.mulf %logistic3A_313, %tanh3A_317 : vector<1x64xf32>
      %slice3A_319 = vector.extract_strided_slice %add3A_290 {offsets = [0, 0], sizes = [1, 64], strides = [1, 1]} : vector<1x256xf32> to vector<1x64xf32>
      %logistic3A_320 = arith.negf %slice3A_319 : vector<1x64xf32>
      %logistic3A_321 = math.exp %logistic3A_320 : vector<1x64xf32>
      %logistic3A_322 = arith.constant 1.000000e+00 : f32
      %logistic3A_323 = vector.broadcast %logistic3A_322 : f32 to vector<1x64xf32>
      %logistic3A_324 = arith.addf %logistic3A_323, %logistic3A_321 : vector<1x64xf32>
      %logistic3A_325 = arith.divf %logistic3A_323, %logistic3A_324 : vector<1x64xf32>
      %slice3A_326 = vector.extract_strided_slice %add3A_290 {offsets = [0, 64], sizes = [1, 64], strides = [1, 1]} : vector<1x256xf32> to vector<1x64xf32>
      %logistic3A_327 = arith.negf %slice3A_326 : vector<1x64xf32>
      %logistic3A_328 = math.exp %logistic3A_327 : vector<1x64xf32>
      %logistic3A_329 = arith.constant 1.000000e+00 : f32
      %logistic3A_330 = vector.broadcast %logistic3A_329 : f32 to vector<1x64xf32>
      %logistic3A_331 = arith.addf %logistic3A_330, %logistic3A_328 : vector<1x64xf32>
      %logistic3A_332 = arith.divf %logistic3A_330, %logistic3A_331 : vector<1x64xf32>
      %slice3A_333 = vector.extract_strided_slice %add3A_290 {offsets = [0, 128], sizes = [1, 64], strides = [1, 1]} : vector<1x256xf32> to vector<1x64xf32>
      %tanh3A_334 = math.tanh %slice3A_333 : vector<1x64xf32>
      %slice3A_335 = vector.extract_strided_slice %add3A_290 {offsets = [0, 192], sizes = [1, 64], strides = [1, 1]} : vector<1x256xf32> to vector<1x64xf32>
      %logistic3A_336 = arith.negf %slice3A_335 : vector<1x64xf32>
      %logistic3A_337 = math.exp %logistic3A_336 : vector<1x64xf32>
      %logistic3A_338 = arith.constant 1.000000e+00 : f32
      %logistic3A_339 = vector.broadcast %logistic3A_338 : f32 to vector<1x64xf32>
      %logistic3A_340 = arith.addf %logistic3A_339, %logistic3A_337 : vector<1x64xf32>
      %logistic3A_341 = arith.divf %logistic3A_339, %logistic3A_340 : vector<1x64xf32>
      %mul3A_342 = arith.mulf %logistic3A_332, %add3A_267 : vector<1x64xf32>
      %mul3A_343 = arith.mulf %logistic3A_325, %tanh3A_334 : vector<1x64xf32>
      %add3A_344 = arith.addf %mul3A_342, %mul3A_343 : vector<1x64xf32>
      %tanh3A_345 = math.tanh %add3A_344 : vector<1x64xf32>
      %mul3A_346 = arith.mulf %logistic3A_341, %tanh3A_345 : vector<1x64xf32>
      %swap3A_347 = arith.index_cast %scan3A_277 : i32 to index
      %swap3A_348 = arith.constant 0 : index
      %swap3A_349 = vector.load %arg13[%swap3A_347, %swap3A_348] : memref<10240x128xf32, #tpu.memory_space<vmem>>, vector<1x64xf32>
      tpu.vector_store %arg13[%swap3A_347, %swap3A_348], %mul3A_318 {strides = array<i32>} : memref<10240x128xf32, #tpu.memory_space<vmem>>, vector<1x64xf32>,
      %swap3A_350 = arith.index_cast %sub3A_279 : i32 to index
      %swap3A_351 = arith.constant 64 : index
      %swap3A_352 = vector.load %arg13[%swap3A_350, %swap3A_351] : memref<10240x128xf32, #tpu.memory_space<vmem>>, vector<1x64xf32>
      tpu.vector_store %arg13[%swap3A_350, %swap3A_351], %mul3A_346 {strides = array<i32>} : memref<10240x128xf32, #tpu.memory_space<vmem>>, vector<1x64xf32>,
      scf.yield %mul3A_318, %add3A_316, %mul3A_346, %add3A_344 : vector<1x64xf32>, vector<1x64xf32>, vector<1x64xf32>, vector<1x64xf32>
    }
    %scan3A_40 = arith.constant 10000 : i32
    %scan3A_41 = arith.constant 0 : i32
    %scan3A_42 = arith.constant 20 : i32
    %scan3A_43 = arith.addi %scan3A_41, %scan3A_42 : i32
    %scan3A_44 = arith.constant 1 : i32
    scf.for %scan3A_46 = %scan3A_41 to %scan3A_43 step %scan3A_44  : i32 {
      %mul3A = arith.constant 512 : i32
      %mul3A_47 = arith.muli %scan3A_46, %mul3A : i32
      %get3A_48 = arith.index_cast %mul3A_47 : i32 to index
      %get3A_49 = arith.constant 0 : index
      %get3A_50 = vector.load %arg13[%get3A_48, %get3A_49] : memref<10240x128xf32, #tpu.memory_space<vmem>>, vector<512x128xf32>
      %reduce_sum3A = arith.constant dense<0.000000e+00> : vector<512xf32>
      %reduce_sum3A_51 = vector.multi_reduction <add>, %get3A_50, %reduce_sum3A [1] : vector<512x128xf32> to vector<512xf32>
      %broadcast_in_dim3A_52 = vector.shape_cast %reduce_sum3A_51 : vector<512xf32> to vector<512x1xf32>
      %div3A = arith.constant 1.280000e+02 : f32
      %div3A_53 = vector.broadcast %div3A : f32 to vector<512x1xf32>
      %div3A_54 = arith.divf %broadcast_in_dim3A_52, %div3A_53 : vector<512x1xf32>
      %sub3A = vector.broadcast %div3A_54 : vector<512x1xf32> to vector<512x128xf32>
      %sub3A_55 = arith.subf %get3A_50, %sub3A : vector<512x128xf32>
      %integer_pow3A = arith.mulf %sub3A_55, %sub3A_55 : vector<512x128xf32>
      %reduce_sum3A_56 = arith.constant dense<0.000000e+00> : vector<512xf32>
      %reduce_sum3A_57 = vector.multi_reduction <add>, %integer_pow3A, %reduce_sum3A_56 [1] : vector<512x128xf32> to vector<512xf32>
      %broadcast_in_dim3A_58 = vector.shape_cast %reduce_sum3A_57 : vector<512xf32> to vector<512x1xf32>
      %div3A_59 = arith.constant 1.280000e+02 : f32
      %div3A_60 = vector.broadcast %div3A_59 : f32 to vector<512x1xf32>
      %div3A_61 = arith.divf %broadcast_in_dim3A_58, %div3A_60 : vector<512x1xf32>
      %sub3A_62 = vector.broadcast %div3A_54 : vector<512x1xf32> to vector<512x128xf32>
      %sub3A_63 = arith.subf %get3A_50, %sub3A_62 : vector<512x128xf32>
      %add3A_64 = arith.constant 9.99999974E-6 : f32
      %add3A_65 = vector.broadcast %add3A_64 : f32 to vector<512x1xf32>
      %add3A_66 = arith.addf %div3A_61, %add3A_65 : vector<512x1xf32>
      %sqrt3A = math.sqrt %add3A_66 : vector<512x1xf32>
      %div3A_67 = vector.broadcast %sqrt3A : vector<512x1xf32> to vector<512x128xf32>
      %div3A_68 = arith.divf %sub3A_63, %div3A_67 : vector<512x128xf32>
      %get3A_69 = arith.constant 0 : index
      %get3A_70 = arith.constant 0 : index
      %get3A_71 = vector.load %arg6[%get3A_69, %get3A_70] : memref<1x128xf32, #tpu.memory_space<vmem>>, vector<1x128xf32>
      %mul3A_72 = vector.broadcast %get3A_71 : vector<1x128xf32> to vector<512x128xf32>
      %mul3A_73 = arith.mulf %div3A_68, %mul3A_72 : vector<512x128xf32>
      %get3A_74 = arith.constant 0 : index
      %get3A_75 = arith.constant 0 : index
      %get3A_76 = vector.load %arg7[%get3A_74, %get3A_75] : memref<1x128xf32, #tpu.memory_space<vmem>>, vector<1x128xf32>
      %add3A_77 = vector.broadcast %get3A_76 : vector<1x128xf32> to vector<512x128xf32>
      %add3A_78 = arith.addf %mul3A_73, %add3A_77 : vector<512x128xf32>
      %get3A_79 = arith.constant 0 : index
      %get3A_80 = arith.constant 0 : index
      %get3A_81 = vector.load %arg8[%get3A_79, %get3A_80] : memref<128x8xf32, #tpu.memory_space<vmem>>, vector<128x8xf32>
      %dot_general3A_82 = arith.constant dense<0.000000e+00> : vector<512x8xf32>
      %dot_general3A_83 = tpu.matmul %add3A_78, %get3A_81, %dot_general3A_82 {dimension_numbers = #tpu.dot_dimension_numbers<[1], [0], [0], [1], [0, 0, 1, 1], [], []>, transpose_lhs_hint = false} : vector<512x128xf32>, vector<128x8xf32>, vector<512x8xf32> -> vector<512x8xf32>
      %get3A_84 = arith.constant 0 : index
      %get3A_85 = arith.constant 0 : index
      %get3A_86 = vector.load %arg9[%get3A_84, %get3A_85] : memref<1x8xf32, #tpu.memory_space<vmem>>, vector<1x8xf32>
      %add3A_87 = vector.broadcast %get3A_86 : vector<1x8xf32> to vector<512x8xf32>
      %add3A_88 = arith.addf %dot_general3A_83, %add3A_87 : vector<512x8xf32>
      %swap3A_89 = arith.index_cast %mul3A_47 : i32 to index
      %swap3A_90 = arith.constant 0 : index
      %swap3A_91 = vector.load %arg11[%swap3A_89, %swap3A_90] : memref<10240x8xf32, #tpu.memory_space<vmem>>, vector<512x8xf32>
      tpu.vector_store %arg11[%swap3A_89, %swap3A_90], %add3A_88 {strides = array<i32>} : memref<10240x8xf32, #tpu.memory_space<vmem>>, vector<512x8xf32>,
    }
    %scan3A_45 = arith.constant 20 : i32
    return
  }
}

</mosaic_0001>

<sc_bundles>
// kernel: kernel.11.cloned.1.call-start
scs
__scs_entry_jumppad:
0x0: {  	(pc) =	sbr.rel $0x88, $3  }
0x1: {  	(tag) =	ssettag $0x0;
	lr =	simm.s32 $0x1  }
0x2: {  	[smem:$0x3F86] =	sst lr;
	_ =	strace $0xD0000000  }
0x3: {  	_ = 	snop  }
0x4: {  	_ = 	snop  }
0x5: {  	_ = 	snop  }
0x6: {  	_ = 	snop  }
0x7: {  	_ = 	snop  }
__scs_overlays_trampoline_lowered:
0x8: {  	[smem:$0x3F95] =	sst s0  }
0x9: {  	[smem:$0x3F96] =	sst s1  }
0xa: {  	[smem:$0x3F97] =	sst s2  }
0xb: {  	[smem:$0x3F98] =	sst s3  }
0xc: {  	[smem:$0x3F99] =	sst s4  }
0xd: {  	[smem:$0x3F9A] =	sst s5  }
0xe: {  	[smem:$0x3F9B] =	sst s6  }
0xf: {  	[smem:$0x3F9C] =	sst s7  }
0x10: {  	[smem:$0x3F9D] =	sst s8  }
0x11: {  	[smem:$0x3F9E] =	sst s9;
	s0 =	simm.s32 @!p0 $0x0  }
0x12: {  	s1 =	sld [smem:$0x3F84];
	s0 =	simm.s32 @p0 $0x1  }
0x13: {  	[smem:$0x3F9F] =	sst s0;
	s0 =	simm.s32 @!p1 $0x0  }
0x14: {  	s2 =	sld [smem:$0x3F83];
	s0 =	simm.s32 @p1 $0x1  }
0x15: {  	[smem:$0x3FA0] =	sst s0;
	s0 =	simm.s32 @!p2 $0x0  }
0x16: {  	s3 =	sld [smem:$0x3FDB];
	s0 =	simm.s32 @p2 $0x1  }
0x17: {  	s4 =	simm.s32 $0x1BF5;
	[smem:$0x3FA2] =	sst s0  }
0x18: {  	s0 =	sld [smem:$0x3F85];
	_ =	swait.ge [sflag:s4], $0x0  }
0x19: {  	s7 =	sld [smem:$0x3F86]  }
0x1a: {  	s8 =	sadd.s32 $0xFFFFE003, lr  }
0x1b: {  	s9 =	sadd.s32 $0xFFFFFEF7, lr;
	s5 =	simm.s32 $0xFFFFFFFF;
	p2 =	slt.u32 s8, $0xFFFFF086  }
0x1c: {  	p1 =	slt.u32 s9, $0xF7A;
	s5 =	simm.s32 @!p2 $0x0  }
0x1d: {  	s5 =	simm.s32 @p1 $0x1;
	p0 =	seq.s32 s7, s2  }
0x1e: {  	s7 =	smul.u32 @!p0 $0xF7A, s2;
	p2 =	seq.s32 @!p0 s5, $0x0  }
0x1f: {  	s9 =	smul.u32 $0xF7A, s1;
	s8 =	simm.s32 @!p0 $0x1BF5;
	p2 =	por !p2, p0  }
0x20: {  	[sflag:s8] =	ssyncset.s32 @!p0 $0xFFFFF086;
	s6 =	sadd.s32 @!p0 s3, s7;
	s7 =	simm.s32 @!p0 $0x108  }
0x21: {  	s3 =	sadd.s32 s3, s9;
	s6 =	sadd.s32 @!p0 $0x88, s6;
	s7 =	simm.s32 @p2 $0x1082  }
0x22: {  	[simem:s7], [sflag:s8] =	dma.local @!p0 [hbm:s6], $0xF7A  }
0x23: {  	s9 =	sor.u32 $0xD0000000, s2;
	s6 =	simm.s32 $0x108;
	_ =	swait.ge @!p0 [sflag:s8], $0x0  }
0x24: {  	s3 =	sadd.s32 $0x88, s3;
	s6 =	simm.s32 @!p1 $0x1082;
	[sflag:s4] =	ssyncset.s32 $0xFFFFF086  }
0x25: {  	[simem:s6], [sflag:s4] =	dma.local [hbm:s3], $0xF7A  }
0x26: {  	[smem:$0x3F86] =	sst s1;
	(tag) =	ssettag s2;
	_ =	strace s9  }
0x27: {  	s1 =	sld [smem:$0x3F96]  }
0x28: {  	s2 =	sld [smem:$0x3F97]  }
0x29: {  	s4 =	sld [smem:$0x3F99]  }
0x2a: {  	p0 =	seq.s32 s5, $0x0;
	s5 =	sld [smem:$0x3F9A]  }
0x2b: {  	s6 =	sld [smem:$0x3F9B]  }
0x2c: {  	s7 =	sld [smem:$0x3F9C]  }
0x2d: {  	s3 =	simm.s32 $0x108;
	s8 =	sld [smem:$0x3F9D]  }
0x2e: {  	s3 =	simm.s32 @!p0 $0x1082;
	s9 =	sld [smem:$0x3F9E]  }
0x2f: {  	lr =	sadd.s32 s0, s3;
	s0 =	sld [smem:$0x3F95]  }
0x30: {  	s3 =	sld [smem:$0x3F98]  }
0x31: {  	[smem:$0x3FA1] =	sst s10  }
0x32: {  	s10 =	sld [smem:$0x3F9F];
	_ =	sdelay $0x3  }
0x33: {  	p0 =	seq.s32 s10, $0x1;
	s10 =	sld [smem:$0x3FA1];
	_ =	sdelay $0x3  }
0x34: {  	[smem:$0x3FA1] =	sst s10  }
0x35: {  	s10 =	sld [smem:$0x3FA0];
	_ =	sdelay $0x3  }
0x36: {  	p1 =	seq.s32 s10, $0x1;
	s10 =	sld [smem:$0x3FA1];
	_ =	sdelay $0x3  }
0x37: {  	[smem:$0x3FA1] =	sst s10  }
0x38: {  	s10 =	sld [smem:$0x3FA2]  }
0x39: {  	_ = 	snop;
	(pc) =	sbr.ind lr, $3  }
0x3a: {  	_ = 	snop  }
0x3b: {  	_ = 	snop  }
0x3c: {  	p2 =	seq.s32 s10, $0x1;
	s10 =	sld [smem:$0x3FA1]  }
0x3d: {  	_ =	shalt  }
0x3e: {  	_ =	shalt  }
0x3f: {  	_ =	shalt  }
0x40: {  	_ =	shalt  }
0x41: {  	_ =	shalt  }
0x42: {  	_ =	shalt  }
0x43: {  	_ =	shalt  }
0x44: {  	_ =	shalt  }
0x45: {  	_ =	shalt  }
0x46: {  	_ =	shalt  }
0x47: {  	_ =	shalt  }
0x48: {  	_ =	shalt  }
0x49: {  	_ =	shalt  }
0x4a: {  	_ =	shalt  }
0x4b: {  	_ =	shalt  }
0x4c: {  	_ =	shalt  }
0x4d: {  	_ =	shalt  }
0x4e: {  	_ =	shalt  }
0x4f: {  	_ =	shalt  }
0x50: {  	_ =	shalt  }
0x51: {  	_ =	shalt  }
0x52: {  	_ =	shalt  }
0x53: {  	_ =	shalt  }
0x54: {  	_ =	shalt  }
0x55: {  	_ =	shalt  }
0x56: {  	_ =	shalt  }
0x57: {  	_ =	shalt  }
0x58: {  	_ =	shalt  }
0x59: {  	_ =	shalt  }
0x5a: {  	_ =	shalt  }
0x5b: {  	_ =	shalt  }
0x5c: {  	_ =	shalt  }
0x5d: {  	_ =	shalt  }
0x5e: {  	_ =	shalt  }
0x5f: {  	_ =	shalt  }
0x60: {  	_ =	shalt  }
0x61: {  	_ =	shalt  }
0x62: {  	_ =	shalt  }
0x63: {  	_ =	shalt  }
0x64: {  	_ =	shalt  }
0x65: {  	_ =	shalt  }
0x66: {  	_ =	shalt  }
0x67: {  	_ =	shalt  }
0x68: {  	_ =	shalt  }
0x69: {  	_ =	shalt  }
0x6a: {  	_ =	shalt  }
0x6b: {  	_ =	shalt  }
0x6c: {  	_ =	shalt  }
0x6d: {  	_ =	shalt  }
0x6e: {  	_ =	shalt  }
0x6f: {  	_ =	shalt  }
0x70: {  	_ =	shalt  }
0x71: {  	_ =	shalt  }
0x72: {  	_ =	shalt  }
0x73: {  	_ =	shalt  }
0x74: {  	_ =	shalt  }
0x75: {  	_ =	shalt  }
0x76: {  	_ =	shalt  }
0x77: {  	_ =	shalt  }
0x78: {  	_ =	shalt  }
0x79: {  	_ =	shalt  }
0x7a: {  	_ =	shalt  }
0x7b: {  	_ =	shalt  }
0x7c: {  	_ =	shalt  }
0x7d: {  	_ =	shalt  }
0x7e: {  	_ =	shalt  }
0x7f: {  	_ =	shalt  }
0x80: {  	_ =	shalt  }
0x81: {  	_ =	shalt  }
0x82: {  	_ =	shalt  }
0x83: {  	_ =	shalt  }
0x84: {  	_ =	shalt  }
0x85: {  	_ =	shalt  }
0x86: {  	_ =	shalt  }
0x87: {  	_ =	shalt  }
.Lfunc_end0:
.L_simem_size_0:
called_computation_lowered:
.L_overlay_start_0:
0x88: {  	s2 =	sld [smem:$0x3FD9]  }
0x89: {  	s3 =	sld [smem:$0x3FFE];
	_ =	sdelay $0x1  }
0x8a: {  	s1 =	srdreg.scid  }
0x8b: {  	s0 =	sand.u32 $0x1, s1  }
0x8c: {  	s16 =	sshll.u32 s0, $0xA;
	s2 =	sadd.s32 s3, s2  }
0x8d: {  	s2 =	sadd.s32 s2, s16  }
0x8e: {  	[smem:$0x3FAD] =	sst s2  }
0x8f: {  	_ = 	snop  }
0x90: {  	(tm) =	ssettm $0x1  }
0x91: {  	s17 =	sld [smem:$0x3FFB];
	_ =	sdelay $0x3  }
0x92: {  	_ =	strace s17  }
0x93: {  	s2 =	sld [smem:$0x3FFC];
	_ =	sdelay $0x3  }
0x94: {  	_ =	strace s2  }
0x95: {  	s2 =	sld [smem:$0x3FFD];
	_ =	sdelay $0x3  }
0x96: {  	_ =	strace s2  }
0x97: {  	_ =	strace $0x8FFFFFFF  }
0x98: {  	s18 =	sld [smem:$0x3FDB];
	_ =	sdelay $0x1  }
0x99: {  	s19 =	simm.s32 $_scs_section_size  }
0x9a: {  	s4 =	simm.s32 $_size__tile_overlayer_lowered;
	s5 =	simm.s32 $_tile_overlayer_lowered  }
0x9b: {  	s22 =	simm.s32 $0x1BFF;
	s21 =	sshll.u32 s5, $0x1;
	s2 =	sadd.s32 s19, s18  }
0x9c: {  	s6 =	simm.s32 $0x0;
	s20 =	sshll.u32 s4, $0x1;
	s4 =	sadd.s32 s21, s2  }
0x9d: {  	[timem:s6], [sflag:s22] =	dma.local [hbm:s4], s20  }
0x9e: {  	_ =	swait.ge [sflag:s22], s20  }
0x9f: {  	s3 =	ssub.s32 $0x0, s20;
	[sflag:s22] =	ssyncset.done $0x0  }
0xa0: {  	[sflag:s22] =	ssyncadd.s32 s3;
	_ =	sdelay $0x1  }
0xa1: {  	s23 =	simm.s32 $0x1B8B  }
0xa2: {  	_ =	swait.ge [sflag:s23], $0x1  }
0xa3: {  	[sflag:s23] =	ssyncset.done $0x0  }
0xa4: {  	s25 =	simm.s32 $0x1B8E;
	s24 =	sld [smem:$0x3FFE];
	[sflag:s23] =	ssyncadd.s32 $0xFFFFFFFF  }
0xa5: {  	s26 =	simm.s32 $execute0_lowered;
	[smem:$0x3FD2] =	sst s25  }
0xa6: {  	s4 =	sshll.u32 s26, $0x1;
	_ =	strace $0x80000046;
	[dreg:$0x1] =	wrdreg $0xFFFFFFFF  }
0xa7: {  	s28 =	simm.s32 $_size_execute0_lowered;
	s2 =	sadd.s32 s2, s4;
	[dreg:$0x0] =	wrdreg $0x0  }
0xa8: {  	s4 =	sshll.u32 s28, $0x1;
	[dreg:$0x2] =	wrdreg s2  }
0xa9: {  	[dreg:$0x3] =	wrdreg s4  }
0xaa: {  	[dreg:$0x4] =	wrdreg $0xC0  }
0xab: {  	_ =	task [dreg:s6], $0x5FFFF  }
0xac: {  	[dreg:$0x1] =	wrdreg $0xFFFFFFFF  }
0xad: {  	[dreg:$0x0] =	wrdreg $0x60  }
0xae: {  	[dreg:$0x2] =	wrdreg s24  }
0xaf: {  	[dreg:$0x3] =	wrdreg $0x9  }
0xb0: {  	_ =	task.clear_ibuf [dreg:s6], $0x4FFFF;
	_ =	strace $0x90000046  }
0xb1: {  	s29 =	simm.s32 $0x9;
	_ =	strace $0x80000048  }
0xb2: {  	_ =	swait.ge [sflag:s29], $0x1  }
0xb3: {  	[sflag:s29] =	ssyncadd.s32 $0xFFFFFFFF  }
0xb4: {  	_ =	strace $0x90000048  }
0xb5: {  	_ =	sfence  }
0xb6: {  	s30 =	sld [smem:$0x0];
	_ =	sdelay $0x2  }
0xb7: {  	s31 =	sshll.u32 s1, $0xD;
	s1 =	sshrl.u32 s1, $0x2  }
0xb8: {  	s3 =	sand.u32 $0x4000, s31;
	s1 =	sadd.s32 s1, s30  }
0xb9: {  	s0 =	sor.u32 s3, s0;
	s1 =	sshll.u32 s1, $0x11  }
0xba: {  	s0 =	sor.u32 s1, s0  }
0xbb: {  	s0 =	sadd.s32 $0x8F2B, s0  }
0xbc: {  	[sflag:s0] =	ssyncadd.remote.s32 $0x1  }
0xbd: {  	_ =	sfence.sel $0xFFFF  }
0xbe: {  	[dreg:$0x0] =	wrdreg $0xFFFFFFFF;
	(pc) =	sbr.abs _section_cstart, $3  }
0xbf: {  	[dreg:$0x1] =	wrdreg $0xFFFFFFFF  }
0xc0: {  	_ =	task.clear_ibuf [dreg:s6], $0x2FFFF;
	_ =	strace $0x9FFFFFFF  }
0xc1: {  	(tm) =	ssettm $0x7FFFFFFF  }
tec
execute0_lowered:
.L_overlay_start_1:
0x0: {  	(tag) =	ssettag $0x1  }
0x1: {  	s1 =	srdreg.scid  }
0x2: {  	s0 =	stileid.u32;
	s4 =	rddreg [dreg:$0x0];
	s2 =	simm.s32 $0x0  }
0x3: {  	s12 =	simm.s32 $0x9400;
	s13 =	simm.s32 $0xD400;
	s14 =	simm.s32 $0x1  }
0x4: {  	s15 =	simm.s32 $0x2;
	s16 =	simm.s32 $0x0;
	s7 =	smul.u32 $0x140000, s0  }
0x5: {  	s5 =	sand.u32 $0x1, s1;
	s1 =	rddreg [dreg:$0x1];
	s11 =	smul.u32 $0x28000, s0  }
0x6: {  	s3 =	sshll.u32 s0, $0x1;
	[smem:$0x7FF] =	sst s2;
	s9 =	smul.u32 $0xA0000, s5  }
0x7: {  	s10 =	sadd.s32 $0x35C00, s4;
	s3 =	sor.u32 s5, s3;
	s29 =	smul.u32 $0x14000, s5  }
0x8: {  	_ =	strace $0x80000047;
	s8 =	ssub.s32 $0x2, s5;
	s6 =	smul.u32 $0x280, s3  }
0x9: {  	s3 =	sadd.s32 $0xDC00, s4;
	s28 =	sshrl.u32 s8, $0x1;
	s31 =	sadd.s32 s11, s10  }
0xa: {  	s11 =	simm.s32 $0x5400;
	s8 =	ssub.s32 s8, s28;
	s7 =	sadd.s32 s9, s7  }
0xb: {  	s9 =	simm.s32 $0x80;
	s6 =	sadd.s32 s6, s4;
	s30 =	sshrl.u32 s7, $0x3  }
0xc: {  	s5 =	smax.u32 s8, $0x1;
	s7 =	sadd.s32 s29, s31;
	s8 =	simm.s32 $0x3  }
0xd: {  	s4 =	sadd.s32 $0x3C00, s6;
	s6 =	sadd.s32 s30, s10;
	s10 =	simm.s32 $0x1400  }
.LBB2_1:
0xe: {  	[tilespmem:s2], [sflag:$0x3] =	stream.linear.gather [hbm4b:s4+s2], $0x1400, $0x38;
	[tilespmem:$0x11400] =	vst v63  }
0xf: {  	_ =	swait.ge [sflag:s8], $0x1400  }
0x10: {  	[sflag:s8] =	ssyncset.done $0x0  }
0x11: {  	[sflag:s8] =	ssyncadd.s32 $0xFFFFEC00  }
0x12: {  	[tilespmem:s10], [sflag:$0x1] =	stream.indirect.gather [hbm4b:s3+s9], $0x80, s2, s9, $0xb8;
	[tilespmem:$0x11400] =	vst v63  }
0x13: {  	s17 =	simm.s32 $0x80  }
0x14: {  	[tilespmem:s11], [sflag:$0x1] =	stream.indirect.gather [hbm4b:s3+s9], $0x80, s17, s9, $0xb8;
	[tilespmem:$0x11400] =	vst v63  }
0x15: {  	s25 =	simm.s32 $0x100  }
0x16: {  	[tilespmem:s12], [sflag:$0x1] =	stream.indirect.gather [hbm4b:s3+s9], $0x80, s25, s9, $0xb8;
	[tilespmem:$0x11400] =	vst v63  }
0x17: {  	s26 =	simm.s32 $0x180  }
0x18: {  	[tilespmem:s13], [sflag:$0x1] =	stream.indirect.gather [hbm4b:s3+s9], $0x80, s26, s9, $0xb8;
	[tilespmem:$0x11400] =	vst v63  }
0x19: {  	_ =	swait.ge [sflag:s14], $0x4000  }
0x1a: {  	[sflag:s14] =	ssyncset.done $0x0  }
0x1b: {  	[sflag:s14] =	ssyncadd.s32 $0xFFFFC000  }
0x1c: {  	_ =	swait.ge [sflag:s14], $0x4000  }
0x1d: {  	[sflag:s14] =	ssyncset.done $0x0  }
0x1e: {  	[sflag:s14] =	ssyncadd.s32 $0xFFFFC000  }
0x1f: {  	_ =	swait.ge [sflag:s14], $0x4000  }
0x20: {  	[sflag:s14] =	ssyncset.done $0x0  }
0x21: {  	[sflag:s14] =	ssyncadd.s32 $0xFFFFC000  }
0x22: {  	_ =	swait.ge [sflag:s14], $0x4000  }
0x23: {  	[sflag:s14] =	ssyncset.done $0x0  }
0x24: {  	s28 =	sadd.s32 $0x0, s6;
	s18 =	sadd.s32 $0x0, s7;
	[sflag:s14] =	ssyncadd.s32 $0xFFFFC000  }
0x25: {  	[hbm4b:s28+s2] =	stream.linear.scatter [tilespmem:s10], [sflag:$0x2], $0x4000, $0x38;
	[tilespmem:$0x11400] =	vst v63  }
0x26: {  	s29 =	sadd.s32 $0x800, s18  }
0x27: {  	[hbm4b:s29+s2] =	stream.linear.scatter [tilespmem:s11], [sflag:$0x2], $0x4000, $0x38;
	[tilespmem:$0x11400] =	vst v63  }
0x28: {  	s30 =	sadd.s32 $0x1000, s18  }
0x29: {  	[hbm4b:s30+s2] =	stream.linear.scatter [tilespmem:s12], [sflag:$0x2], $0x4000, $0x38;
	[tilespmem:$0x11400] =	vst v63  }
0x2a: {  	s31 =	sadd.s32 $0x1800, s18  }
0x2b: {  	[hbm4b:s31+s2] =	stream.linear.scatter [tilespmem:s13], [sflag:$0x2], $0x4000, $0x38;
	[tilespmem:$0x11400] =	vst v63  }
0x2c: {  	_ =	swait.ge [sflag:s15], $0x4000  }
0x2d: {  	[sflag:s15] =	ssyncset.done $0x0  }
0x2e: {  	[sflag:s15] =	ssyncadd.s32 $0xFFFFC000  }
0x2f: {  	_ =	swait.ge [sflag:s15], $0x4000  }
0x30: {  	[sflag:s15] =	ssyncset.done $0x0  }
0x31: {  	[sflag:s15] =	ssyncadd.s32 $0xFFFFC000  }
0x32: {  	_ =	swait.ge [sflag:s15], $0x4000  }
0x33: {  	[sflag:s15] =	ssyncset.done $0x0  }
0x34: {  	[sflag:s15] =	ssyncadd.s32 $0xFFFFC000  }
0x35: {  	_ =	swait.ge [sflag:s15], $0x4000  }
0x36: {  	s18 =	simm.s32 $0x0;
	s17 =	simm.s32 $0x2000;
	[sflag:s15] =	ssyncset.done $0x0  }
.LBB2_2:
0x37: {  	p0 =	sne.s32 s17, $0x12000;
	[sflag:s15] =	ssyncadd.s32 $0xFFFFC000;
	s18 =	sadd.s32 $0x200, s18  }
0x38: {  	[tilespmem:s10], [sflag:$0x1] =	stream.indirect.gather [hbm4b:s3+s9], $0x80, s18, s9, $0xb8;
	[tilespmem:$0x11400] =	vst v63  }
0x39: {  	s20 =	smov.u32 s17;
	s17 =	sadd.s32 $0x2000, s17;
	s19 =	sadd.s32 $0x80, s18  }
0x3a: {  	[tilespmem:s11], [sflag:$0x1] =	stream.indirect.gather [hbm4b:s3+s9], $0x80, s19, s9, $0xb8;
	[tilespmem:$0x11400] =	vst v63  }
0x3b: {  	s19 =	sadd.s32 $0x100, s18  }
0x3c: {  	[tilespmem:s12], [sflag:$0x1] =	stream.indirect.gather [hbm4b:s3+s9], $0x80, s19, s9, $0xb8;
	[tilespmem:$0x11400] =	vst v63  }
0x3d: {  	s19 =	sadd.s32 $0x180, s18  }
0x3e: {  	[tilespmem:s13], [sflag:$0x1] =	stream.indirect.gather [hbm4b:s3+s9], $0x80, s19, s9, $0xb8;
	[tilespmem:$0x11400] =	vst v63  }
0x3f: {  	_ =	swait.ge [sflag:s14], $0x4000  }
0x40: {  	[sflag:s14] =	ssyncset.done $0x0  }
0x41: {  	[sflag:s14] =	ssyncadd.s32 $0xFFFFC000  }
0x42: {  	_ =	swait.ge [sflag:s14], $0x4000  }
0x43: {  	[sflag:s14] =	ssyncset.done $0x0  }
0x44: {  	[sflag:s14] =	ssyncadd.s32 $0xFFFFC000  }
0x45: {  	_ =	swait.ge [sflag:s14], $0x4000  }
0x46: {  	[sflag:s14] =	ssyncset.done $0x0  }
0x47: {  	[sflag:s14] =	ssyncadd.s32 $0xFFFFC000  }
0x48: {  	_ =	swait.ge [sflag:s14], $0x4000  }
0x49: {  	[sflag:s14] =	ssyncset.done $0x0  }
0x4a: {  	s19 =	sadd.s32 s20, s6;
	s20 =	sadd.s32 s20, s7;
	[sflag:s14] =	ssyncadd.s32 $0xFFFFC000  }
0x4b: {  	[hbm4b:s19+s2] =	stream.linear.scatter [tilespmem:s10], [sflag:$0x2], $0x4000, $0x38;
	[tilespmem:$0x11400] =	vst v63  }
0x4c: {  	s19 =	sadd.s32 $0x800, s20  }
0x4d: {  	[hbm4b:s19+s2] =	stream.linear.scatter [tilespmem:s11], [sflag:$0x2], $0x4000, $0x38;
	[tilespmem:$0x11400] =	vst v63  }
0x4e: {  	s19 =	sadd.s32 $0x1000, s20  }
0x4f: {  	[hbm4b:s19+s2] =	stream.linear.scatter [tilespmem:s12], [sflag:$0x2], $0x4000, $0x38;
	[tilespmem:$0x11400] =	vst v63  }
0x50: {  	s19 =	sadd.s32 $0x1800, s20  }
0x51: {  	[hbm4b:s19+s2] =	stream.linear.scatter [tilespmem:s13], [sflag:$0x2], $0x4000, $0x38;
	[tilespmem:$0x11400] =	vst v63  }
0x52: {  	_ =	swait.ge [sflag:s15], $0x4000  }
0x53: {  	[sflag:s15] =	ssyncset.done $0x0  }
0x54: {  	[sflag:s15] =	ssyncadd.s32 $0xFFFFC000  }
0x55: {  	_ =	swait.ge [sflag:s15], $0x4000  }
0x56: {  	[sflag:s15] =	ssyncset.done $0x0  }
0x57: {  	[sflag:s15] =	ssyncadd.s32 $0xFFFFC000  }
.Ltmp0:
0x58: {  	_ =	swait.ge [sflag:s15], $0x4000;
	(pc) =	sbr.rel @p0 .LBB2_2-.Ltmp0, $4  }
0x59: {  	[sflag:s15] =	ssyncset.done $0x0  }
0x5a: {  	[sflag:s15] =	ssyncadd.s32 $0xFFFFC000  }
0x5b: {  	_ =	swait.ge [sflag:s15], $0x4000  }
0x5c: {  	[sflag:s15] =	ssyncset.done $0x0  }
0x5d: {  	s16 =	sadd.s32 $0x1, s16  }
0x5e: {  	p0 =	sne.s32 s16, s5  }
.Ltmp1:
0x5f: {  	_ = 	snop;
	(pc) =	sbr.rel @p0 .LBB2_1-.Ltmp1, $2  }
0x60: {  	_ =	sdelay $0x2  }
0x61: {  	[sflag:s15] =	ssyncadd.s32 $0xFFFFC000  }
0x62: {  	_ =	sfence.sel $0x180000  }
0x63: {  	[bflag:$0x0] =	sbarrier.arrive $0xFFFF  }
0x64: {  	p0 =	sne.s32 s0, $0x0;
	_ =	strace $0x90000047  }
0x65: {  	s0 =	sadd.s32 @!p0 $0x100000, s1;
	[bflag:$0x2] =	sbarrier.arrive $0xFFFF  }
0x66: {  	[sflag:s0] =	ssyncadd.tile.s32 @!p0 $0x1;
	_ =	shalt  }
.Lfunc_end2:
_tile_overlayer_lowered:
.L_overlay_start_2:
0x67: {  	(tag) =	ssettag $0x2  }
0x68: {  	s0 =	rddreg [dreg:$0x0];
	s2 =	stileid.u32  }
0x69: {  	s1 =	rddreg [dreg:$0x1];
	p0 =	sne.s32 s2, $0x0  }
0x6a: {  	s3 =	rddreg [dreg:$0x2];
	[bflag:$0x3] =	sbarrier.arrive $0xFFFF;
	s2 =	simm.s32 @!p0 $0x1C03  }
0x6b: {  	[timem:s3], [sflag:s2] =	dma.local @!p0 [hbm:s0], s1  }
0x6c: {  	s0 =	simm.s32 @!p0 $0x3  }
0x6d: {  	_ =	swait.ge @!p0 [sflag:s0], s1  }
0x6e: {  	s1 =	ssub.s32 @!p0 $0x0, s1;
	[sflag:s0] =	ssyncset.done @!p0 $0x0  }
0x6f: {  	[sflag:s0] =	ssyncadd.s32 @!p0 s1  }
0x70: {  	[bflag:$0x3] =	sbarrier.arrive $0xFFFF  }
0x71: {  	_ =	shalt  }

// kernel: kernel.14.cloned.1.call-start
scs
__scs_entry_jumppad:
0x0: {  	(pc) =	sbr.rel $0x88, $3  }
0x1: {  	(tag) =	ssettag $0x0;
	lr =	simm.s32 $0x1  }
0x2: {  	[smem:$0x3F86] =	sst lr;
	_ =	strace $0xD0000000  }
0x3: {  	_ = 	snop  }
0x4: {  	_ = 	snop  }
0x5: {  	_ = 	snop  }
0x6: {  	_ = 	snop  }
0x7: {  	_ = 	snop  }
__scs_overlays_trampoline_lowered:
0x8: {  	[smem:$0x3F95] =	sst s0  }
0x9: {  	[smem:$0x3F96] =	sst s1  }
0xa: {  	[smem:$0x3F97] =	sst s2  }
0xb: {  	[smem:$0x3F98] =	sst s3  }
0xc: {  	[smem:$0x3F99] =	sst s4  }
0xd: {  	[smem:$0x3F9A] =	sst s5  }
0xe: {  	[smem:$0x3F9B] =	sst s6  }
0xf: {  	[smem:$0x3F9C] =	sst s7  }
0x10: {  	[smem:$0x3F9D] =	sst s8  }
0x11: {  	[smem:$0x3F9E] =	sst s9;
	s0 =	simm.s32 @!p0 $0x0  }
0x12: {  	s1 =	sld [smem:$0x3F84];
	s0 =	simm.s32 @p0 $0x1  }
0x13: {  	[smem:$0x3F9F] =	sst s0;
	s0 =	simm.s32 @!p1 $0x0  }
0x14: {  	s2 =	sld [smem:$0x3F83];
	s0 =	simm.s32 @p1 $0x1  }
0x15: {  	[smem:$0x3FA0] =	sst s0;
	s0 =	simm.s32 @!p2 $0x0  }
0x16: {  	s3 =	sld [smem:$0x3FDB];
	s0 =	simm.s32 @p2 $0x1  }
0x17: {  	s4 =	simm.s32 $0x1BF5;
	[smem:$0x3FA2] =	sst s0  }
0x18: {  	s0 =	sld [smem:$0x3F85];
	_ =	swait.ge [sflag:s4], $0x0  }
0x19: {  	s7 =	sld [smem:$0x3F86]  }
0x1a: {  	s8 =	sadd.s32 $0xFFFFE003, lr  }
0x1b: {  	s9 =	sadd.s32 $0xFFFFFEF7, lr;
	s5 =	simm.s32 $0xFFFFFFFF;
	p2 =	slt.u32 s8, $0xFFFFF086  }
0x1c: {  	p1 =	slt.u32 s9, $0xF7A;
	s5 =	simm.s32 @!p2 $0x0  }
0x1d: {  	s5 =	simm.s32 @p1 $0x1;
	p0 =	seq.s32 s7, s2  }
0x1e: {  	s7 =	smul.u32 @!p0 $0xF7A, s2;
	p2 =	seq.s32 @!p0 s5, $0x0  }
0x1f: {  	s9 =	smul.u32 $0xF7A, s1;
	s8 =	simm.s32 @!p0 $0x1BF5;
	p2 =	por !p2, p0  }
0x20: {  	[sflag:s8] =	ssyncset.s32 @!p0 $0xFFFFF086;
	s6 =	sadd.s32 @!p0 s3, s7;
	s7 =	simm.s32 @!p0 $0x108  }
0x21: {  	s3 =	sadd.s32 s3, s9;
	s6 =	sadd.s32 @!p0 $0x88, s6;
	s7 =	simm.s32 @p2 $0x1082  }
0x22: {  	[simem:s7], [sflag:s8] =	dma.local @!p0 [hbm:s6], $0xF7A  }
0x23: {  	s9 =	sor.u32 $0xD0000000, s2;
	s6 =	simm.s32 $0x108;
	_ =	swait.ge @!p0 [sflag:s8], $0x0  }
0x24: {  	s3 =	sadd.s32 $0x88, s3;
	s6 =	simm.s32 @!p1 $0x1082;
	[sflag:s4] =	ssyncset.s32 $0xFFFFF086  }
0x25: {  	[simem:s6], [sflag:s4] =	dma.local [hbm:s3], $0xF7A  }
0x26: {  	[smem:$0x3F86] =	sst s1;
	(tag) =	ssettag s2;
	_ =	strace s9  }
0x27: {  	s1 =	sld [smem:$0x3F96]  }
0x28: {  	s2 =	sld [smem:$0x3F97]  }
0x29: {  	s4 =	sld [smem:$0x3F99]  }
0x2a: {  	p0 =	seq.s32 s5, $0x0;
	s5 =	sld [smem:$0x3F9A]  }
0x2b: {  	s6 =	sld [smem:$0x3F9B]  }
0x2c: {  	s7 =	sld [smem:$0x3F9C]  }
0x2d: {  	s3 =	simm.s32 $0x108;
	s8 =	sld [smem:$0x3F9D]  }
0x2e: {  	s3 =	simm.s32 @!p0 $0x1082;
	s9 =	sld [smem:$0x3F9E]  }
0x2f: {  	lr =	sadd.s32 s0, s3;
	s0 =	sld [smem:$0x3F95]  }
0x30: {  	s3 =	sld [smem:$0x3F98]  }
0x31: {  	[smem:$0x3FA1] =	sst s10  }
0x32: {  	s10 =	sld [smem:$0x3F9F];
	_ =	sdelay $0x3  }
0x33: {  	p0 =	seq.s32 s10, $0x1;
	s10 =	sld [smem:$0x3FA1];
	_ =	sdelay $0x3  }
0x34: {  	[smem:$0x3FA1] =	sst s10  }
0x35: {  	s10 =	sld [smem:$0x3FA0];
	_ =	sdelay $0x3  }
0x36: {  	p1 =	seq.s32 s10, $0x1;
	s10 =	sld [smem:$0x3FA1];
	_ =	sdelay $0x3  }
0x37: {  	[smem:$0x3FA1] =	sst s10  }
0x38: {  	s10 =	sld [smem:$0x3FA2]  }
0x39: {  	_ = 	snop;
	(pc) =	sbr.ind lr, $3  }
0x3a: {  	_ = 	snop  }
0x3b: {  	_ = 	snop  }
0x3c: {  	p2 =	seq.s32 s10, $0x1;
	s10 =	sld [smem:$0x3FA1]  }
0x3d: {  	_ =	shalt  }
0x3e: {  	_ =	shalt  }
0x3f: {  	_ =	shalt  }
0x40: {  	_ =	shalt  }
0x41: {  	_ =	shalt  }
0x42: {  	_ =	shalt  }
0x43: {  	_ =	shalt  }
0x44: {  	_ =	shalt  }
0x45: {  	_ =	shalt  }
0x46: {  	_ =	shalt  }
0x47: {  	_ =	shalt  }
0x48: {  	_ =	shalt  }
0x49: {  	_ =	shalt  }
0x4a: {  	_ =	shalt  }
0x4b: {  	_ =	shalt  }
0x4c: {  	_ =	shalt  }
0x4d: {  	_ =	shalt  }
0x4e: {  	_ =	shalt  }
0x4f: {  	_ =	shalt  }
0x50: {  	_ =	shalt  }
0x51: {  	_ =	shalt  }
0x52: {  	_ =	shalt  }
0x53: {  	_ =	shalt  }
0x54: {  	_ =	shalt  }
0x55: {  	_ =	shalt  }
0x56: {  	_ =	shalt  }
0x57: {  	_ =	shalt  }
0x58: {  	_ =	shalt  }
0x59: {  	_ =	shalt  }
0x5a: {  	_ =	shalt  }
0x5b: {  	_ =	shalt  }
0x5c: {  	_ =	shalt  }
0x5d: {  	_ =	shalt  }
0x5e: {  	_ =	shalt  }
0x5f: {  	_ =	shalt  }
0x60: {  	_ =	shalt  }
0x61: {  	_ =	shalt  }
0x62: {  	_ =	shalt  }
0x63: {  	_ =	shalt  }
0x64: {  	_ =	shalt  }
0x65: {  	_ =	shalt  }
0x66: {  	_ =	shalt  }
0x67: {  	_ =	shalt  }
0x68: {  	_ =	shalt  }
0x69: {  	_ =	shalt  }
0x6a: {  	_ =	shalt  }
0x6b: {  	_ =	shalt  }
0x6c: {  	_ =	shalt  }
0x6d: {  	_ =	shalt  }
0x6e: {  	_ =	shalt  }
0x6f: {  	_ =	shalt  }
0x70: {  	_ =	shalt  }
0x71: {  	_ =	shalt  }
0x72: {  	_ =	shalt  }
0x73: {  	_ =	shalt  }
0x74: {  	_ =	shalt  }
0x75: {  	_ =	shalt  }
0x76: {  	_ =	shalt  }
0x77: {  	_ =	shalt  }
0x78: {  	_ =	shalt  }
0x79: {  	_ =	shalt  }
0x7a: {  	_ =	shalt  }
0x7b: {  	_ =	shalt  }
0x7c: {  	_ =	shalt  }
0x7d: {  	_ =	shalt  }
0x7e: {  	_ =	shalt  }
0x7f: {  	_ =	shalt  }
0x80: {  	_ =	shalt  }
0x81: {  	_ =	shalt  }
0x82: {  	_ =	shalt  }
0x83: {  	_ =	shalt  }
0x84: {  	_ =	shalt  }
0x85: {  	_ =	shalt  }
0x86: {  	_ =	shalt  }
0x87: {  	_ =	shalt  }
.Lfunc_end0:
.L_simem_size_0:
called_computation.1_lowered:
.L_overlay_start_0:
0x88: {  	s2 =	sld [smem:$0x3FD9]  }
0x89: {  	s3 =	sld [smem:$0x3FFE];
	_ =	sdelay $0x1  }
0x8a: {  	s1 =	srdreg.scid  }
0x8b: {  	s0 =	sand.u32 $0x1, s1  }
0x8c: {  	s16 =	sshll.u32 s0, $0xA;
	s2 =	sadd.s32 s3, s2  }
0x8d: {  	s2 =	sadd.s32 s2, s16  }
0x8e: {  	[smem:$0x3FAD] =	sst s2  }
0x8f: {  	_ = 	snop  }
0x90: {  	(tm) =	ssettm $0x1  }
0x91: {  	s17 =	sld [smem:$0x3FFB];
	_ =	sdelay $0x3  }
0x92: {  	_ =	strace s17  }
0x93: {  	s2 =	sld [smem:$0x3FFC];
	_ =	sdelay $0x3  }
0x94: {  	_ =	strace s2  }
0x95: {  	s2 =	sld [smem:$0x3FFD];
	_ =	sdelay $0x3  }
0x96: {  	_ =	strace s2  }
0x97: {  	_ =	strace $0x8FFFFFFF  }
0x98: {  	s18 =	sld [smem:$0x3FDB];
	_ =	sdelay $0x1  }
0x99: {  	s19 =	simm.s32 $_scs_section_size  }
0x9a: {  	s4 =	simm.s32 $_size__tile_overlayer_lowered;
	s5 =	simm.s32 $_tile_overlayer_lowered  }
0x9b: {  	s22 =	simm.s32 $0x1BFF;
	s21 =	sshll.u32 s5, $0x1;
	s2 =	sadd.s32 s19, s18  }
0x9c: {  	s6 =	simm.s32 $0x0;
	s20 =	sshll.u32 s4, $0x1;
	s4 =	sadd.s32 s21, s2  }
0x9d: {  	[timem:s6], [sflag:s22] =	dma.local [hbm:s4], s20  }
0x9e: {  	_ =	swait.ge [sflag:s22], s20  }
0x9f: {  	s3 =	ssub.s32 $0x0, s20;
	[sflag:s22] =	ssyncset.done $0x0  }
0xa0: {  	[sflag:s22] =	ssyncadd.s32 s3;
	_ =	sdelay $0x1  }
0xa1: {  	s23 =	simm.s32 $0x1B8B  }
0xa2: {  	_ =	swait.ge [sflag:s23], $0x1  }
0xa3: {  	[sflag:s23] =	ssyncset.done $0x0  }
0xa4: {  	s25 =	simm.s32 $0x1B8E;
	s24 =	sld [smem:$0x3FFE];
	[sflag:s23] =	ssyncadd.s32 $0xFFFFFFFF  }
0xa5: {  	s26 =	simm.s32 $execute0_lowered;
	[smem:$0x3FD2] =	sst s25  }
0xa6: {  	s4 =	sshll.u32 s26, $0x1;
	_ =	strace $0x80000049;
	[dreg:$0x1] =	wrdreg $0xFFFFFFFF  }
0xa7: {  	s28 =	simm.s32 $_size_execute0_lowered;
	s2 =	sadd.s32 s2, s4;
	[dreg:$0x0] =	wrdreg $0x0  }
0xa8: {  	s4 =	sshll.u32 s28, $0x1;
	[dreg:$0x2] =	wrdreg s2  }
0xa9: {  	[dreg:$0x3] =	wrdreg s4  }
0xaa: {  	[dreg:$0x4] =	wrdreg $0xC0  }
0xab: {  	_ =	task [dreg:s6], $0x5FFFF  }
0xac: {  	[dreg:$0x1] =	wrdreg $0xFFFFFFFF  }
0xad: {  	[dreg:$0x0] =	wrdreg $0x60  }
0xae: {  	[dreg:$0x2] =	wrdreg s24  }
0xaf: {  	[dreg:$0x3] =	wrdreg $0x54000  }
0xb0: {  	[dreg:$0x4] =	wrdreg $0x9  }
0xb1: {  	_ =	task.clear_ibuf [dreg:s6], $0x5FFFF;
	_ =	strace $0x90000049  }
0xb2: {  	s29 =	simm.s32 $0x9;
	_ =	strace $0x8000004B  }
0xb3: {  	_ =	swait.ge [sflag:s29], $0x1  }
0xb4: {  	[sflag:s29] =	ssyncadd.s32 $0xFFFFFFFF  }
0xb5: {  	_ =	strace $0x9000004B  }
0xb6: {  	_ =	sfence  }
0xb7: {  	s30 =	sld [smem:$0x0];
	_ =	sdelay $0x2  }
0xb8: {  	s31 =	sshll.u32 s1, $0xD;
	s1 =	sshrl.u32 s1, $0x2  }
0xb9: {  	s3 =	sand.u32 $0x4000, s31;
	s1 =	sadd.s32 s1, s30  }
0xba: {  	s0 =	sor.u32 s3, s0;
	s1 =	sshll.u32 s1, $0x11  }
0xbb: {  	s0 =	sor.u32 s1, s0  }
0xbc: {  	s0 =	sadd.s32 $0x8F2B, s0  }
0xbd: {  	[sflag:s0] =	ssyncadd.remote.s32 $0x1  }
0xbe: {  	_ =	sfence.sel $0xFFFF  }
0xbf: {  	[dreg:$0x0] =	wrdreg $0xFFFFFFFF;
	(pc) =	sbr.abs _section_cstart, $3  }
0xc0: {  	[dreg:$0x1] =	wrdreg $0xFFFFFFFF  }
0xc1: {  	_ =	task.clear_ibuf [dreg:s6], $0x2FFFF;
	_ =	strace $0x9FFFFFFF  }
0xc2: {  	(tm) =	ssettm $0x7FFFFFFF  }
0xc3: {  	_ =	shalt  }
tec
execute0_lowered:
.L_overlay_start_1:
0x0: {  	(tag) =	ssettag $0x1  }
0x1: {  	s0 =	stileid.u32  }
0x2: {  	s1 =	srdreg.scid;
	s4 =	rddreg [dreg:$0x0]  }
0x3: {  	s2 =	rddreg [dreg:$0x1];
	s3 =	simm.s32 $0x0;
	s6 =	smul.u32 $0x28000, s0  }
0x4: {  	s14 =	simm.s32 $0x0;
	s5 =	sand.u32 $0x1, s1;
	s8 =	smul.u32 $0x14000, s0  }
0x5: {  	s24 =	sshll.u32 s0, $0x1;
	s1 =	rddreg [dreg:$0x2];
	s11 =	smul.u32 $0x50000, s0  }
0x6: {  	[smem:$0x7FF] =	sst s3;
	s30 =	sshll.u32 s0, $0x6;
	s9 =	smul.u32 $0x140000, s5  }
0x7: {  	s7 =	sor.u32 s5, s24;
	_ =	strace $0x8000004A;
	s13 =	smul.u32 $0x14000, s5  }
0x8: {  	s28 =	ssub.s32 $0x2, s5;
	s5 =	sor.u32 $0x1C01, s30;
	s7 =	smul.u32 $0x280, s7  }
0x9: {  	s10 =	sadd.s32 s6, s4;
	s26 =	sshrl.u32 s8, $0x3;
	s12 =	sshrl.u32 s28, $0x1  }
0xa: {  	s29 =	sshrl.u32 s11, $0x2;
	s8 =	sadd.s32 s8, s9;
	s9 =	ssub.s32 s28, s12  }
0xb: {  	s11 =	sadd.s32 s29, s2;
	s31 =	sadd.s32 s13, s10;
	s12 =	simm.s32 $0x1400  }
0xc: {  	s13 =	simm.s32 $0x80;
	s25 =	sadd.s32 s7, s4;
	s7 =	sadd.s32 s26, s4  }
0xd: {  	s8 =	sshrl.u32 s8, $0x3;
	s10 =	sshrl.u32 s11, $0x3;
	s11 =	simm.s32 $0x1  }
0xe: {  	s8 =	sadd.s32 s8, s4;
	s4 =	sadd.s32 $0x35C00, s7;
	s6 =	sadd.s32 $0x8C00, s25  }
0xf: {  	s7 =	sadd.s32 $0x5DC00, s8;
	s8 =	smax.u32 s9, $0x1;
	s9 =	sadd.s32 $0x7A6C00, s31  }
.LBB2_1:
0x10: {  	[spmem:s10], [sflag:s5] =	dma.local [hbm:s4], $0x2800  }
0x11: {  	_ =	swait.ge [sflag:s11], $0x2800  }
0x12: {  	[sflag:s11] =	ssyncset.done $0x0  }
0x13: {  	[sflag:s11] =	ssyncadd.s32 $0xFFFFD800  }
0x14: {  	[tilespmem:s3], [sflag:$0x1] =	stream.linear.gather [hbm4b:s6+s3], $0x1400, $0x38;
	[tilespmem:$0x19400] =	vst v63  }
0x15: {  	_ =	swait.ge [sflag:s11], $0x1400  }
0x16: {  	[sflag:s11] =	ssyncset.done $0x0  }
0x17: {  	[sflag:s11] =	ssyncadd.s32 $0xFFFFEC00  }
0x18: {  	[bflag:$0x0] =	sbarrier.arrive $0xFFFF  }
0x19: {  	[tilespmem:s12], [sflag:$0x1] =	stream.linear.gather [hbm4b:s9+s3], $0x4000, $0x38;
	[tilespmem:$0x19400] =	vst v63  }
0x1a: {  	_ =	swait.ge [sflag:s11], $0x4000  }
0x1b: {  	[sflag:s11] =	ssyncset.done $0x0  }
0x1c: {  	s15 =	simm.s32 $0x0;
	[sflag:s11] =	ssyncadd.s32 $0xFFFFC000  }
0x1d: {  	[spmem:s2] =	stream.indirect.scatter.add.f32 [tilespmem:s12], [sflag:$0x1], $0x80, s15, s13, $0xb8;
	[tilespmem:$0x19400] =	vst v63  }
0x1e: {  	_ =	swait.ge [sflag:s11], $0x4000  }
0x1f: {  	s16 =	smov.u32 s9;
	s15 =	simm.s32 $0x200;
	[sflag:s11] =	ssyncset.done $0x0  }
.LBB2_2:
0x20: {  	p0 =	sne.s32 s15, $0x4E00;
	[sflag:s11] =	ssyncadd.s32 $0xFFFFC000;
	s16 =	sadd.s32 $0x800, s16  }
0x21: {  	[tilespmem:s12], [sflag:$0x1] =	stream.linear.gather [hbm4b:s16+s3], $0x4000, $0x38;
	[tilespmem:$0x19400] =	vst v63  }
0x22: {  	s17 =	smov.u32 s15;
	s15 =	sadd.s32 $0x200, s15;
	_ =	swait.ge [sflag:s11], $0x4000  }
.Ltmp0:
0x23: {  	[sflag:s11] =	ssyncset.done $0x0;
	(pc) =	sbr.rel @p0 .LBB2_2-.Ltmp0, $4  }
0x24: {  	s17 =	sshra.s32 s17, $0x2;
	[sflag:s11] =	ssyncadd.s32 $0xFFFFC000  }
0x25: {  	[spmem:s2] =	stream.indirect.scatter.add.f32 [tilespmem:s12], [sflag:$0x1], $0x80, s17, s13, $0xb8;
	[tilespmem:$0x19400] =	vst v63  }
0x26: {  	_ =	swait.ge [sflag:s11], $0x4000  }
0x27: {  	[sflag:s11] =	ssyncset.done $0x0  }
0x28: {  	s14 =	sadd.s32 $0x1, s14  }
0x29: {  	[sflag:s11] =	ssyncadd.s32 $0xFFFFC000;
	p0 =	sne.s32 s14, s8  }
.Ltmp1:
0x2a: {  	[bflag:$0x0] =	sbarrier.arrive $0xFFFF;
	(pc) =	sbr.rel @p0 .LBB2_1-.Ltmp1, $4  }
0x2b: {  	[hbm:s7], [sflag:s5] =	dma.local [spmem:s10], $0x2800  }
0x2c: {  	_ =	swait.ge [sflag:s11], $0x2800  }
0x2d: {  	[sflag:s11] =	ssyncset.done $0x0  }
0x2e: {  	[sflag:s11] =	ssyncadd.s32 $0xFFFFD800  }
0x2f: {  	_ =	sfence.sel $0x180000  }
0x30: {  	[bflag:$0x0] =	sbarrier.arrive $0xFFFF  }
0x31: {  	p0 =	sne.s32 s0, $0x0;
	_ =	strace $0x9000004A  }
0x32: {  	s0 =	sadd.s32 @!p0 $0x100000, s1;
	[bflag:$0x2] =	sbarrier.arrive $0xFFFF  }
0x33: {  	[sflag:s0] =	ssyncadd.tile.s32 @!p0 $0x1;
	_ =	shalt  }
.Lfunc_end2:
_tile_overlayer_lowered:
.L_overlay_start_2:
0x34: {  	(tag) =	ssettag $0x2  }
0x35: {  	s0 =	rddreg [dreg:$0x0];
	s2 =	stileid.u32  }
0x36: {  	s1 =	rddreg [dreg:$0x1];
	p0 =	sne.s32 s2, $0x0  }
0x37: {  	s3 =	rddreg [dreg:$0x2];
	[bflag:$0x3] =	sbarrier.arrive $0xFFFF;
	s2 =	simm.s32 @!p0 $0x1C01  }
0x38: {  	[timem:s3], [sflag:s2] =	dma.local @!p0 [hbm:s0], s1  }
0x39: {  	s0 =	simm.s32 @!p0 $0x1  }
0x3a: {  	_ =	swait.ge @!p0 [sflag:s0], s1  }
0x3b: {  	s1 =	ssub.s32 @!p0 $0x0, s1;
	[sflag:s0] =	ssyncset.done @!p0 $0x0  }
0x3c: {  	[sflag:s0] =	ssyncadd.s32 @!p0 s1  }
0x3d: {  	[bflag:$0x3] =	sbarrier.arrive $0xFFFF  }
0x3e: {  	_ =	shalt  }

// kernel: kernel.17.cloned.1.call-start
scs
__scs_entry_jumppad:
0x0: {  	(pc) =	sbr.rel $0x88, $3  }
0x1: {  	(tag) =	ssettag $0x0;
	lr =	simm.s32 $0x1  }
0x2: {  	[smem:$0x3F86] =	sst lr;
	_ =	strace $0xD0000000  }
0x3: {  	_ = 	snop  }
0x4: {  	_ = 	snop  }
0x5: {  	_ = 	snop  }
0x6: {  	_ = 	snop  }
0x7: {  	_ = 	snop  }
__scs_overlays_trampoline_lowered:
0x8: {  	[smem:$0x3F95] =	sst s0  }
0x9: {  	[smem:$0x3F96] =	sst s1  }
0xa: {  	[smem:$0x3F97] =	sst s2  }
0xb: {  	[smem:$0x3F98] =	sst s3  }
0xc: {  	[smem:$0x3F99] =	sst s4  }
0xd: {  	[smem:$0x3F9A] =	sst s5  }
0xe: {  	[smem:$0x3F9B] =	sst s6  }
0xf: {  	[smem:$0x3F9C] =	sst s7  }
0x10: {  	[smem:$0x3F9D] =	sst s8  }
0x11: {  	[smem:$0x3F9E] =	sst s9;
	s0 =	simm.s32 @!p0 $0x0  }
0x12: {  	s1 =	sld [smem:$0x3F84];
	s0 =	simm.s32 @p0 $0x1  }
0x13: {  	[smem:$0x3F9F] =	sst s0;
	s0 =	simm.s32 @!p1 $0x0  }
0x14: {  	s2 =	sld [smem:$0x3F83];
	s0 =	simm.s32 @p1 $0x1  }
0x15: {  	[smem:$0x3FA0] =	sst s0;
	s0 =	simm.s32 @!p2 $0x0  }
0x16: {  	s3 =	sld [smem:$0x3FDB];
	s0 =	simm.s32 @p2 $0x1  }
0x17: {  	s4 =	simm.s32 $0x1BF5;
	[smem:$0x3FA2] =	sst s0  }
0x18: {  	s0 =	sld [smem:$0x3F85];
	_ =	swait.ge [sflag:s4], $0x0  }
0x19: {  	s7 =	sld [smem:$0x3F86]  }
0x1a: {  	s8 =	sadd.s32 $0xFFFFE003, lr  }
0x1b: {  	s9 =	sadd.s32 $0xFFFFFEF7, lr;
	s5 =	simm.s32 $0xFFFFFFFF;
	p2 =	slt.u32 s8, $0xFFFFF086  }
0x1c: {  	p1 =	slt.u32 s9, $0xF7A;
	s5 =	simm.s32 @!p2 $0x0  }
0x1d: {  	s5 =	simm.s32 @p1 $0x1;
	p0 =	seq.s32 s7, s2  }
0x1e: {  	s7 =	smul.u32 @!p0 $0xF7A, s2;
	p2 =	seq.s32 @!p0 s5, $0x0  }
0x1f: {  	s9 =	smul.u32 $0xF7A, s1;
	s8 =	simm.s32 @!p0 $0x1BF5;
	p2 =	por !p2, p0  }
0x20: {  	[sflag:s8] =	ssyncset.s32 @!p0 $0xFFFFF086;
	s6 =	sadd.s32 @!p0 s3, s7;
	s7 =	simm.s32 @!p0 $0x108  }
0x21: {  	s3 =	sadd.s32 s3, s9;
	s6 =	sadd.s32 @!p0 $0x88, s6;
	s7 =	simm.s32 @p2 $0x1082  }
0x22: {  	[simem:s7], [sflag:s8] =	dma.local @!p0 [hbm:s6], $0xF7A  }
0x23: {  	s9 =	sor.u32 $0xD0000000, s2;
	s6 =	simm.s32 $0x108;
	_ =	swait.ge @!p0 [sflag:s8], $0x0  }
0x24: {  	s3 =	sadd.s32 $0x88, s3;
	s6 =	simm.s32 @!p1 $0x1082;
	[sflag:s4] =	ssyncset.s32 $0xFFFFF086  }
0x25: {  	[simem:s6], [sflag:s4] =	dma.local [hbm:s3], $0xF7A  }
0x26: {  	[smem:$0x3F86] =	sst s1;
	(tag) =	ssettag s2;
	_ =	strace s9  }
0x27: {  	s1 =	sld [smem:$0x3F96]  }
0x28: {  	s2 =	sld [smem:$0x3F97]  }
0x29: {  	s4 =	sld [smem:$0x3F99]  }
0x2a: {  	p0 =	seq.s32 s5, $0x0;
	s5 =	sld [smem:$0x3F9A]  }
0x2b: {  	s6 =	sld [smem:$0x3F9B]  }
0x2c: {  	s7 =	sld [smem:$0x3F9C]  }
0x2d: {  	s3 =	simm.s32 $0x108;
	s8 =	sld [smem:$0x3F9D]  }
0x2e: {  	s3 =	simm.s32 @!p0 $0x1082;
	s9 =	sld [smem:$0x3F9E]  }
0x2f: {  	lr =	sadd.s32 s0, s3;
	s0 =	sld [smem:$0x3F95]  }
0x30: {  	s3 =	sld [smem:$0x3F98]  }
0x31: {  	[smem:$0x3FA1] =	sst s10  }
0x32: {  	s10 =	sld [smem:$0x3F9F];
	_ =	sdelay $0x3  }
0x33: {  	p0 =	seq.s32 s10, $0x1;
	s10 =	sld [smem:$0x3FA1];
	_ =	sdelay $0x3  }
0x34: {  	[smem:$0x3FA1] =	sst s10  }
0x35: {  	s10 =	sld [smem:$0x3FA0];
	_ =	sdelay $0x3  }
0x36: {  	p1 =	seq.s32 s10, $0x1;
	s10 =	sld [smem:$0x3FA1];
	_ =	sdelay $0x3  }
0x37: {  	[smem:$0x3FA1] =	sst s10  }
0x38: {  	s10 =	sld [smem:$0x3FA2]  }
0x39: {  	_ = 	snop;
	(pc) =	sbr.ind lr, $3  }
0x3a: {  	_ = 	snop  }
0x3b: {  	_ = 	snop  }
0x3c: {  	p2 =	seq.s32 s10, $0x1;
	s10 =	sld [smem:$0x3FA1]  }
0x3d: {  	_ =	shalt  }
0x3e: {  	_ =	shalt  }
0x3f: {  	_ =	shalt  }
0x40: {  	_ =	shalt  }
0x41: {  	_ =	shalt  }
0x42: {  	_ =	shalt  }
0x43: {  	_ =	shalt  }
0x44: {  	_ =	shalt  }
0x45: {  	_ =	shalt  }
0x46: {  	_ =	shalt  }
0x47: {  	_ =	shalt  }
0x48: {  	_ =	shalt  }
0x49: {  	_ =	shalt  }
0x4a: {  	_ =	shalt  }
0x4b: {  	_ =	shalt  }
0x4c: {  	_ =	shalt  }
0x4d: {  	_ =	shalt  }
0x4e: {  	_ =	shalt  }
0x4f: {  	_ =	shalt  }
0x50: {  	_ =	shalt  }
0x51: {  	_ =	shalt  }
0x52: {  	_ =	shalt  }
0x53: {  	_ =	shalt  }
0x54: {  	_ =	shalt  }
0x55: {  	_ =	shalt  }
0x56: {  	_ =	shalt  }
0x57: {  	_ =	shalt  }
0x58: {  	_ =	shalt  }
0x59: {  	_ =	shalt  }
0x5a: {  	_ =	shalt  }
0x5b: {  	_ =	shalt  }
0x5c: {  	_ =	shalt  }
0x5d: {  	_ =	shalt  }
0x5e: {  	_ =	shalt  }
0x5f: {  	_ =	shalt  }
0x60: {  	_ =	shalt  }
0x61: {  	_ =	shalt  }
0x62: {  	_ =	shalt  }
0x63: {  	_ =	shalt  }
0x64: {  	_ =	shalt  }
0x65: {  	_ =	shalt  }
0x66: {  	_ =	shalt  }
0x67: {  	_ =	shalt  }
0x68: {  	_ =	shalt  }
0x69: {  	_ =	shalt  }
0x6a: {  	_ =	shalt  }
0x6b: {  	_ =	shalt  }
0x6c: {  	_ =	shalt  }
0x6d: {  	_ =	shalt  }
0x6e: {  	_ =	shalt  }
0x6f: {  	_ =	shalt  }
0x70: {  	_ =	shalt  }
0x71: {  	_ =	shalt  }
0x72: {  	_ =	shalt  }
0x73: {  	_ =	shalt  }
0x74: {  	_ =	shalt  }
0x75: {  	_ =	shalt  }
0x76: {  	_ =	shalt  }
0x77: {  	_ =	shalt  }
0x78: {  	_ =	shalt  }
0x79: {  	_ =	shalt  }
0x7a: {  	_ =	shalt  }
0x7b: {  	_ =	shalt  }
0x7c: {  	_ =	shalt  }
0x7d: {  	_ =	shalt  }
0x7e: {  	_ =	shalt  }
0x7f: {  	_ =	shalt  }
0x80: {  	_ =	shalt  }
0x81: {  	_ =	shalt  }
0x82: {  	_ =	shalt  }
0x83: {  	_ =	shalt  }
0x84: {  	_ =	shalt  }
0x85: {  	_ =	shalt  }
0x86: {  	_ =	shalt  }
0x87: {  	_ =	shalt  }
.Lfunc_end0:
.L_simem_size_0:
called_computation.2_lowered:
.L_overlay_start_0:
0x88: {  	s2 =	sld [smem:$0x3FD9]  }
0x89: {  	s3 =	sld [smem:$0x3FFE];
	_ =	sdelay $0x1  }
0x8a: {  	s1 =	srdreg.scid  }
0x8b: {  	s0 =	sand.u32 $0x1, s1  }
0x8c: {  	s16 =	sshll.u32 s0, $0xA;
	s2 =	sadd.s32 s3, s2  }
0x8d: {  	s2 =	sadd.s32 s2, s16  }
0x8e: {  	[smem:$0x3FAD] =	sst s2  }
0x8f: {  	_ = 	snop  }
0x90: {  	(tm) =	ssettm $0x1  }
0x91: {  	s17 =	sld [smem:$0x3FFB];
	_ =	sdelay $0x3  }
0x92: {  	_ =	strace s17  }
0x93: {  	s2 =	sld [smem:$0x3FFC];
	_ =	sdelay $0x3  }
0x94: {  	_ =	strace s2  }
0x95: {  	s2 =	sld [smem:$0x3FFD];
	_ =	sdelay $0x3  }
0x96: {  	_ =	strace s2  }
0x97: {  	_ =	strace $0x8FFFFFFF  }
0x98: {  	s18 =	sld [smem:$0x3FDB];
	_ =	sdelay $0x1  }
0x99: {  	s19 =	simm.s32 $_scs_section_size  }
0x9a: {  	s4 =	simm.s32 $_size__tile_overlayer_lowered;
	s5 =	simm.s32 $_tile_overlayer_lowered  }
0x9b: {  	s22 =	simm.s32 $0x1BFF;
	s21 =	sshll.u32 s5, $0x1;
	s2 =	sadd.s32 s19, s18  }
0x9c: {  	s6 =	simm.s32 $0x0;
	s20 =	sshll.u32 s4, $0x1;
	s4 =	sadd.s32 s21, s2  }
0x9d: {  	[timem:s6], [sflag:s22] =	dma.local [hbm:s4], s20  }
0x9e: {  	_ =	swait.ge [sflag:s22], s20  }
0x9f: {  	s3 =	ssub.s32 $0x0, s20;
	[sflag:s22] =	ssyncset.done $0x0  }
0xa0: {  	[sflag:s22] =	ssyncadd.s32 s3;
	_ =	sdelay $0x1  }
0xa1: {  	s23 =	simm.s32 $0x1B8B  }
0xa2: {  	_ =	swait.ge [sflag:s23], $0x1  }
0xa3: {  	[sflag:s23] =	ssyncset.done $0x0  }
0xa4: {  	s25 =	simm.s32 $0x1B8E;
	s24 =	sld [smem:$0x3FFE];
	[sflag:s23] =	ssyncadd.s32 $0xFFFFFFFF  }
0xa5: {  	s26 =	simm.s32 $execute0_lowered;
	[smem:$0x3FD2] =	sst s25  }
0xa6: {  	s4 =	sshll.u32 s26, $0x1;
	_ =	strace $0x8000004C;
	[dreg:$0x1] =	wrdreg $0xFFFFFFFF  }
0xa7: {  	s28 =	simm.s32 $_size_execute0_lowered;
	s2 =	sadd.s32 s2, s4;
	[dreg:$0x0] =	wrdreg $0x0  }
0xa8: {  	s4 =	sshll.u32 s28, $0x1;
	[dreg:$0x2] =	wrdreg s2  }
0xa9: {  	[dreg:$0x3] =	wrdreg s4  }
0xaa: {  	[dreg:$0x4] =	wrdreg $0xC0  }
0xab: {  	_ =	task [dreg:s6], $0x5FFFF  }
0xac: {  	[dreg:$0x1] =	wrdreg $0xFFFFFFFF  }
0xad: {  	[dreg:$0x0] =	wrdreg $0x60  }
0xae: {  	[dreg:$0x2] =	wrdreg s24  }
0xaf: {  	[dreg:$0x3] =	wrdreg $0x9  }
0xb0: {  	_ =	task.clear_ibuf [dreg:s6], $0x4FFFF;
	_ =	strace $0x9000004C  }
0xb1: {  	s29 =	simm.s32 $0x9;
	_ =	strace $0x8000004E  }
0xb2: {  	_ =	swait.ge [sflag:s29], $0x1  }
0xb3: {  	[sflag:s29] =	ssyncadd.s32 $0xFFFFFFFF  }
0xb4: {  	_ =	strace $0x9000004E  }
0xb5: {  	_ =	sfence  }
0xb6: {  	s30 =	sld [smem:$0x0];
	_ =	sdelay $0x2  }
0xb7: {  	s31 =	sshll.u32 s1, $0xD;
	s1 =	sshrl.u32 s1, $0x2  }
0xb8: {  	s3 =	sand.u32 $0x4000, s31;
	s1 =	sadd.s32 s1, s30  }
0xb9: {  	s0 =	sor.u32 s3, s0;
	s1 =	sshll.u32 s1, $0x11  }
0xba: {  	s0 =	sor.u32 s1, s0  }
0xbb: {  	s0 =	sadd.s32 $0x8F2B, s0  }
0xbc: {  	[sflag:s0] =	ssyncadd.remote.s32 $0x1  }
0xbd: {  	_ =	sfence.sel $0xFFFF  }
0xbe: {  	[dreg:$0x0] =	wrdreg $0xFFFFFFFF;
	(pc) =	sbr.abs _section_cstart, $3  }
0xbf: {  	[dreg:$0x1] =	wrdreg $0xFFFFFFFF  }
0xc0: {  	_ =	task.clear_ibuf [dreg:s6], $0x2FFFF;
	_ =	strace $0x9FFFFFFF  }
0xc1: {  	(tm) =	ssettm $0x7FFFFFFF  }
tec
execute0_lowered:
.L_overlay_start_1:
0x0: {  	(tag) =	ssettag $0x1  }
0x1: {  	s1 =	srdreg.scid  }
0x2: {  	s0 =	stileid.u32;
	s4 =	rddreg [dreg:$0x0];
	s2 =	simm.s32 $0x0  }
0x3: {  	s12 =	simm.s32 $0x9400;
	s13 =	simm.s32 $0xD400;
	s14 =	simm.s32 $0x1  }
0x4: {  	s15 =	simm.s32 $0x2;
	s16 =	simm.s32 $0x0;
	s7 =	smul.u32 $0x140000, s0  }
0x5: {  	s5 =	sand.u32 $0x1, s1;
	s1 =	rddreg [dreg:$0x1];
	s11 =	smul.u32 $0x28000, s0  }
0x6: {  	s3 =	sshll.u32 s0, $0x1;
	[smem:$0x7FF] =	sst s2;
	s9 =	smul.u32 $0xA0000, s5  }
0x7: {  	s10 =	sadd.s32 $0x85C00, s4;
	s3 =	sor.u32 s5, s3;
	s29 =	smul.u32 $0x14000, s5  }
0x8: {  	_ =	strace $0x8000004D;
	s8 =	ssub.s32 $0x2, s5;
	s6 =	smul.u32 $0x280, s3  }
0x9: {  	s3 =	sadd.s32 $0xDC00, s4;
	s28 =	sshrl.u32 s8, $0x1;
	s31 =	sadd.s32 s11, s10  }
0xa: {  	s11 =	simm.s32 $0x5400;
	s8 =	ssub.s32 s8, s28;
	s7 =	sadd.s32 s9, s7  }
0xb: {  	s9 =	simm.s32 $0x80;
	s6 =	sadd.s32 s6, s4;
	s30 =	sshrl.u32 s7, $0x3  }
0xc: {  	s5 =	smax.u32 s8, $0x1;
	s7 =	sadd.s32 s29, s31;
	s8 =	simm.s32 $0x3  }
0xd: {  	s4 =	sadd.s32 $0x3C00, s6;
	s6 =	sadd.s32 s30, s10;
	s10 =	simm.s32 $0x1400  }
.LBB2_1:
0xe: {  	[tilespmem:s2], [sflag:$0x3] =	stream.linear.gather [hbm4b:s4+s2], $0x1400, $0x38;
	[tilespmem:$0x11400] =	vst v63  }
0xf: {  	_ =	swait.ge [sflag:s8], $0x1400  }
0x10: {  	[sflag:s8] =	ssyncset.done $0x0  }
0x11: {  	[sflag:s8] =	ssyncadd.s32 $0xFFFFEC00  }
0x12: {  	[tilespmem:s10], [sflag:$0x1] =	stream.indirect.gather [hbm4b:s3+s9], $0x80, s2, s9, $0xb8;
	[tilespmem:$0x11400] =	vst v63  }
0x13: {  	s17 =	simm.s32 $0x80  }
0x14: {  	[tilespmem:s11], [sflag:$0x1] =	stream.indirect.gather [hbm4b:s3+s9], $0x80, s17, s9, $0xb8;
	[tilespmem:$0x11400] =	vst v63  }
0x15: {  	s25 =	simm.s32 $0x100  }
0x16: {  	[tilespmem:s12], [sflag:$0x1] =	stream.indirect.gather [hbm4b:s3+s9], $0x80, s25, s9, $0xb8;
	[tilespmem:$0x11400] =	vst v63  }
0x17: {  	s26 =	simm.s32 $0x180  }
0x18: {  	[tilespmem:s13], [sflag:$0x1] =	stream.indirect.gather [hbm4b:s3+s9], $0x80, s26, s9, $0xb8;
	[tilespmem:$0x11400] =	vst v63  }
0x19: {  	_ =	swait.ge [sflag:s14], $0x4000  }
0x1a: {  	[sflag:s14] =	ssyncset.done $0x0  }
0x1b: {  	[sflag:s14] =	ssyncadd.s32 $0xFFFFC000  }
0x1c: {  	_ =	swait.ge [sflag:s14], $0x4000  }
0x1d: {  	[sflag:s14] =	ssyncset.done $0x0  }
0x1e: {  	[sflag:s14] =	ssyncadd.s32 $0xFFFFC000  }
0x1f: {  	_ =	swait.ge [sflag:s14], $0x4000  }
0x20: {  	[sflag:s14] =	ssyncset.done $0x0  }
0x21: {  	[sflag:s14] =	ssyncadd.s32 $0xFFFFC000  }
0x22: {  	_ =	swait.ge [sflag:s14], $0x4000  }
0x23: {  	[sflag:s14] =	ssyncset.done $0x0  }
0x24: {  	s28 =	sadd.s32 $0x0, s6;
	s18 =	sadd.s32 $0x0, s7;
	[sflag:s14] =	ssyncadd.s32 $0xFFFFC000  }
0x25: {  	[hbm4b:s28+s2] =	stream.linear.scatter [tilespmem:s10], [sflag:$0x2], $0x4000, $0x38;
	[tilespmem:$0x11400] =	vst v63  }
0x26: {  	s29 =	sadd.s32 $0x800, s18  }
0x27: {  	[hbm4b:s29+s2] =	stream.linear.scatter [tilespmem:s11], [sflag:$0x2], $0x4000, $0x38;
	[tilespmem:$0x11400] =	vst v63  }
0x28: {  	s30 =	sadd.s32 $0x1000, s18  }
0x29: {  	[hbm4b:s30+s2] =	stream.linear.scatter [tilespmem:s12], [sflag:$0x2], $0x4000, $0x38;
	[tilespmem:$0x11400] =	vst v63  }
0x2a: {  	s31 =	sadd.s32 $0x1800, s18  }
0x2b: {  	[hbm4b:s31+s2] =	stream.linear.scatter [tilespmem:s13], [sflag:$0x2], $0x4000, $0x38;
	[tilespmem:$0x11400] =	vst v63  }
0x2c: {  	_ =	swait.ge [sflag:s15], $0x4000  }
0x2d: {  	[sflag:s15] =	ssyncset.done $0x0  }
0x2e: {  	[sflag:s15] =	ssyncadd.s32 $0xFFFFC000  }
0x2f: {  	_ =	swait.ge [sflag:s15], $0x4000  }
0x30: {  	[sflag:s15] =	ssyncset.done $0x0  }
0x31: {  	[sflag:s15] =	ssyncadd.s32 $0xFFFFC000  }
0x32: {  	_ =	swait.ge [sflag:s15], $0x4000  }
0x33: {  	[sflag:s15] =	ssyncset.done $0x0  }
0x34: {  	[sflag:s15] =	ssyncadd.s32 $0xFFFFC000  }
0x35: {  	_ =	swait.ge [sflag:s15], $0x4000  }
0x36: {  	s18 =	simm.s32 $0x0;
	s17 =	simm.s32 $0x2000;
	[sflag:s15] =	ssyncset.done $0x0  }
.LBB2_2:
0x37: {  	p0 =	sne.s32 s17, $0x12000;
	[sflag:s15] =	ssyncadd.s32 $0xFFFFC000;
	s18 =	sadd.s32 $0x200, s18  }
0x38: {  	[tilespmem:s10], [sflag:$0x1] =	stream.indirect.gather [hbm4b:s3+s9], $0x80, s18, s9, $0xb8;
	[tilespmem:$0x11400] =	vst v63  }
0x39: {  	s20 =	smov.u32 s17;
	s17 =	sadd.s32 $0x2000, s17;
	s19 =	sadd.s32 $0x80, s18  }
0x3a: {  	[tilespmem:s11], [sflag:$0x1] =	stream.indirect.gather [hbm4b:s3+s9], $0x80, s19, s9, $0xb8;
	[tilespmem:$0x11400] =	vst v63  }
0x3b: {  	s19 =	sadd.s32 $0x100, s18  }
0x3c: {  	[tilespmem:s12], [sflag:$0x1] =	stream.indirect.gather [hbm4b:s3+s9], $0x80, s19, s9, $0xb8;
	[tilespmem:$0x11400] =	vst v63  }
0x3d: {  	s19 =	sadd.s32 $0x180, s18  }
0x3e: {  	[tilespmem:s13], [sflag:$0x1] =	stream.indirect.gather [hbm4b:s3+s9], $0x80, s19, s9, $0xb8;
	[tilespmem:$0x11400] =	vst v63  }
0x3f: {  	_ =	swait.ge [sflag:s14], $0x4000  }
0x40: {  	[sflag:s14] =	ssyncset.done $0x0  }
0x41: {  	[sflag:s14] =	ssyncadd.s32 $0xFFFFC000  }
0x42: {  	_ =	swait.ge [sflag:s14], $0x4000  }
0x43: {  	[sflag:s14] =	ssyncset.done $0x0  }
0x44: {  	[sflag:s14] =	ssyncadd.s32 $0xFFFFC000  }
0x45: {  	_ =	swait.ge [sflag:s14], $0x4000  }
0x46: {  	[sflag:s14] =	ssyncset.done $0x0  }
0x47: {  	[sflag:s14] =	ssyncadd.s32 $0xFFFFC000  }
0x48: {  	_ =	swait.ge [sflag:s14], $0x4000  }
0x49: {  	[sflag:s14] =	ssyncset.done $0x0  }
0x4a: {  	s19 =	sadd.s32 s20, s6;
	s20 =	sadd.s32 s20, s7;
	[sflag:s14] =	ssyncadd.s32 $0xFFFFC000  }
0x4b: {  	[hbm4b:s19+s2] =	stream.linear.scatter [tilespmem:s10], [sflag:$0x2], $0x4000, $0x38;
	[tilespmem:$0x11400] =	vst v63  }
0x4c: {  	s19 =	sadd.s32 $0x800, s20  }
0x4d: {  	[hbm4b:s19+s2] =	stream.linear.scatter [tilespmem:s11], [sflag:$0x2], $0x4000, $0x38;
	[tilespmem:$0x11400] =	vst v63  }
0x4e: {  	s19 =	sadd.s32 $0x1000, s20  }
0x4f: {  	[hbm4b:s19+s2] =	stream.linear.scatter [tilespmem:s12], [sflag:$0x2], $0x4000, $0x38;
	[tilespmem:$0x11400] =	vst v63  }
0x50: {  	s19 =	sadd.s32 $0x1800, s20  }
0x51: {  	[hbm4b:s19+s2] =	stream.linear.scatter [tilespmem:s13], [sflag:$0x2], $0x4000, $0x38;
	[tilespmem:$0x11400] =	vst v63  }
0x52: {  	_ =	swait.ge [sflag:s15], $0x4000  }
0x53: {  	[sflag:s15] =	ssyncset.done $0x0  }
0x54: {  	[sflag:s15] =	ssyncadd.s32 $0xFFFFC000  }
0x55: {  	_ =	swait.ge [sflag:s15], $0x4000  }
0x56: {  	[sflag:s15] =	ssyncset.done $0x0  }
0x57: {  	[sflag:s15] =	ssyncadd.s32 $0xFFFFC000  }
.Ltmp0:
0x58: {  	_ =	swait.ge [sflag:s15], $0x4000;
	(pc) =	sbr.rel @p0 .LBB2_2-.Ltmp0, $4  }
0x59: {  	[sflag:s15] =	ssyncset.done $0x0  }
0x5a: {  	[sflag:s15] =	ssyncadd.s32 $0xFFFFC000  }
0x5b: {  	_ =	swait.ge [sflag:s15], $0x4000  }
0x5c: {  	[sflag:s15] =	ssyncset.done $0x0  }
0x5d: {  	s16 =	sadd.s32 $0x1, s16  }
0x5e: {  	p0 =	sne.s32 s16, s5  }
.Ltmp1:
0x5f: {  	_ = 	snop;
	(pc) =	sbr.rel @p0 .LBB2_1-.Ltmp1, $2  }
0x60: {  	_ =	sdelay $0x2  }
0x61: {  	[sflag:s15] =	ssyncadd.s32 $0xFFFFC000  }
0x62: {  	_ =	sfence.sel $0x180000  }
0x63: {  	[bflag:$0x0] =	sbarrier.arrive $0xFFFF  }
0x64: {  	p0 =	sne.s32 s0, $0x0;
	_ =	strace $0x9000004D  }
0x65: {  	s0 =	sadd.s32 @!p0 $0x100000, s1;
	[bflag:$0x2] =	sbarrier.arrive $0xFFFF  }
0x66: {  	[sflag:s0] =	ssyncadd.tile.s32 @!p0 $0x1;
	_ =	shalt  }
.Lfunc_end2:
_tile_overlayer_lowered:
.L_overlay_start_2:
0x67: {  	(tag) =	ssettag $0x2  }
0x68: {  	s0 =	rddreg [dreg:$0x0];
	s2 =	stileid.u32  }
0x69: {  	s1 =	rddreg [dreg:$0x1];
	p0 =	sne.s32 s2, $0x0  }
0x6a: {  	s3 =	rddreg [dreg:$0x2];
	[bflag:$0x3] =	sbarrier.arrive $0xFFFF;
	s2 =	simm.s32 @!p0 $0x1C03  }
0x6b: {  	[timem:s3], [sflag:s2] =	dma.local @!p0 [hbm:s0], s1  }
0x6c: {  	s0 =	simm.s32 @!p0 $0x3  }
0x6d: {  	_ =	swait.ge @!p0 [sflag:s0], s1  }
0x6e: {  	s1 =	ssub.s32 @!p0 $0x0, s1;
	[sflag:s0] =	ssyncset.done @!p0 $0x0  }
0x6f: {  	[sflag:s0] =	ssyncadd.s32 @!p0 s1  }
0x70: {  	[bflag:$0x3] =	sbarrier.arrive $0xFFFF  }
0x71: {  	_ =	shalt  }

// kernel: kernel.20.cloned.1.call-start
scs
__scs_entry_jumppad:
0x0: {  	(pc) =	sbr.rel $0x88, $3  }
0x1: {  	(tag) =	ssettag $0x0;
	lr =	simm.s32 $0x1  }
0x2: {  	[smem:$0x3F86] =	sst lr;
	_ =	strace $0xD0000000  }
0x3: {  	_ = 	snop  }
0x4: {  	_ = 	snop  }
0x5: {  	_ = 	snop  }
0x6: {  	_ = 	snop  }
0x7: {  	_ = 	snop  }
__scs_overlays_trampoline_lowered:
0x8: {  	[smem:$0x3F95] =	sst s0  }
0x9: {  	[smem:$0x3F96] =	sst s1  }
0xa: {  	[smem:$0x3F97] =	sst s2  }
0xb: {  	[smem:$0x3F98] =	sst s3  }
0xc: {  	[smem:$0x3F99] =	sst s4  }
0xd: {  	[smem:$0x3F9A] =	sst s5  }
0xe: {  	[smem:$0x3F9B] =	sst s6  }
0xf: {  	[smem:$0x3F9C] =	sst s7  }
0x10: {  	[smem:$0x3F9D] =	sst s8  }
0x11: {  	[smem:$0x3F9E] =	sst s9;
	s0 =	simm.s32 @!p0 $0x0  }
0x12: {  	s1 =	sld [smem:$0x3F84];
	s0 =	simm.s32 @p0 $0x1  }
0x13: {  	[smem:$0x3F9F] =	sst s0;
	s0 =	simm.s32 @!p1 $0x0  }
0x14: {  	s2 =	sld [smem:$0x3F83];
	s0 =	simm.s32 @p1 $0x1  }
0x15: {  	[smem:$0x3FA0] =	sst s0;
	s0 =	simm.s32 @!p2 $0x0  }
0x16: {  	s3 =	sld [smem:$0x3FDB];
	s0 =	simm.s32 @p2 $0x1  }
0x17: {  	s4 =	simm.s32 $0x1BF5;
	[smem:$0x3FA2] =	sst s0  }
0x18: {  	s0 =	sld [smem:$0x3F85];
	_ =	swait.ge [sflag:s4], $0x0  }
0x19: {  	s7 =	sld [smem:$0x3F86]  }
0x1a: {  	s8 =	sadd.s32 $0xFFFFE003, lr  }
0x1b: {  	s9 =	sadd.s32 $0xFFFFFEF7, lr;
	s5 =	simm.s32 $0xFFFFFFFF;
	p2 =	slt.u32 s8, $0xFFFFF086  }
0x1c: {  	p1 =	slt.u32 s9, $0xF7A;
	s5 =	simm.s32 @!p2 $0x0  }
0x1d: {  	s5 =	simm.s32 @p1 $0x1;
	p0 =	seq.s32 s7, s2  }
0x1e: {  	s7 =	smul.u32 @!p0 $0xF7A, s2;
	p2 =	seq.s32 @!p0 s5, $0x0  }
0x1f: {  	s9 =	smul.u32 $0xF7A, s1;
	s8 =	simm.s32 @!p0 $0x1BF5;
	p2 =	por !p2, p0  }
0x20: {  	[sflag:s8] =	ssyncset.s32 @!p0 $0xFFFFF086;
	s6 =	sadd.s32 @!p0 s3, s7;
	s7 =	simm.s32 @!p0 $0x108  }
0x21: {  	s3 =	sadd.s32 s3, s9;
	s6 =	sadd.s32 @!p0 $0x88, s6;
	s7 =	simm.s32 @p2 $0x1082  }
0x22: {  	[simem:s7], [sflag:s8] =	dma.local @!p0 [hbm:s6], $0xF7A  }
0x23: {  	s9 =	sor.u32 $0xD0000000, s2;
	s6 =	simm.s32 $0x108;
	_ =	swait.ge @!p0 [sflag:s8], $0x0  }
0x24: {  	s3 =	sadd.s32 $0x88, s3;
	s6 =	simm.s32 @!p1 $0x1082;
	[sflag:s4] =	ssyncset.s32 $0xFFFFF086  }
0x25: {  	[simem:s6], [sflag:s4] =	dma.local [hbm:s3], $0xF7A  }
0x26: {  	[smem:$0x3F86] =	sst s1;
	(tag) =	ssettag s2;
	_ =	strace s9  }
0x27: {  	s1 =	sld [smem:$0x3F96]  }
0x28: {  	s2 =	sld [smem:$0x3F97]  }
0x29: {  	s4 =	sld [smem:$0x3F99]  }
0x2a: {  	p0 =	seq.s32 s5, $0x0;
	s5 =	sld [smem:$0x3F9A]  }
0x2b: {  	s6 =	sld [smem:$0x3F9B]  }
0x2c: {  	s7 =	sld [smem:$0x3F9C]  }
0x2d: {  	s3 =	simm.s32 $0x108;
	s8 =	sld [smem:$0x3F9D]  }
0x2e: {  	s3 =	simm.s32 @!p0 $0x1082;
	s9 =	sld [smem:$0x3F9E]  }
0x2f: {  	lr =	sadd.s32 s0, s3;
	s0 =	sld [smem:$0x3F95]  }
0x30: {  	s3 =	sld [smem:$0x3F98]  }
0x31: {  	[smem:$0x3FA1] =	sst s10  }
0x32: {  	s10 =	sld [smem:$0x3F9F];
	_ =	sdelay $0x3  }
0x33: {  	p0 =	seq.s32 s10, $0x1;
	s10 =	sld [smem:$0x3FA1];
	_ =	sdelay $0x3  }
0x34: {  	[smem:$0x3FA1] =	sst s10  }
0x35: {  	s10 =	sld [smem:$0x3FA0];
	_ =	sdelay $0x3  }
0x36: {  	p1 =	seq.s32 s10, $0x1;
	s10 =	sld [smem:$0x3FA1];
	_ =	sdelay $0x3  }
0x37: {  	[smem:$0x3FA1] =	sst s10  }
0x38: {  	s10 =	sld [smem:$0x3FA2]  }
0x39: {  	_ = 	snop;
	(pc) =	sbr.ind lr, $3  }
0x3a: {  	_ = 	snop  }
0x3b: {  	_ = 	snop  }
0x3c: {  	p2 =	seq.s32 s10, $0x1;
	s10 =	sld [smem:$0x3FA1]  }
0x3d: {  	_ =	shalt  }
0x3e: {  	_ =	shalt  }
0x3f: {  	_ =	shalt  }
0x40: {  	_ =	shalt  }
0x41: {  	_ =	shalt  }
0x42: {  	_ =	shalt  }
0x43: {  	_ =	shalt  }
0x44: {  	_ =	shalt  }
0x45: {  	_ =	shalt  }
0x46: {  	_ =	shalt  }
0x47: {  	_ =	shalt  }
0x48: {  	_ =	shalt  }
0x49: {  	_ =	shalt  }
0x4a: {  	_ =	shalt  }
0x4b: {  	_ =	shalt  }
0x4c: {  	_ =	shalt  }
0x4d: {  	_ =	shalt  }
0x4e: {  	_ =	shalt  }
0x4f: {  	_ =	shalt  }
0x50: {  	_ =	shalt  }
0x51: {  	_ =	shalt  }
0x52: {  	_ =	shalt  }
0x53: {  	_ =	shalt  }
0x54: {  	_ =	shalt  }
0x55: {  	_ =	shalt  }
0x56: {  	_ =	shalt  }
0x57: {  	_ =	shalt  }
0x58: {  	_ =	shalt  }
0x59: {  	_ =	shalt  }
0x5a: {  	_ =	shalt  }
0x5b: {  	_ =	shalt  }
0x5c: {  	_ =	shalt  }
0x5d: {  	_ =	shalt  }
0x5e: {  	_ =	shalt  }
0x5f: {  	_ =	shalt  }
0x60: {  	_ =	shalt  }
0x61: {  	_ =	shalt  }
0x62: {  	_ =	shalt  }
0x63: {  	_ =	shalt  }
0x64: {  	_ =	shalt  }
0x65: {  	_ =	shalt  }
0x66: {  	_ =	shalt  }
0x67: {  	_ =	shalt  }
0x68: {  	_ =	shalt  }
0x69: {  	_ =	shalt  }
0x6a: {  	_ =	shalt  }
0x6b: {  	_ =	shalt  }
0x6c: {  	_ =	shalt  }
0x6d: {  	_ =	shalt  }
0x6e: {  	_ =	shalt  }
0x6f: {  	_ =	shalt  }
0x70: {  	_ =	shalt  }
0x71: {  	_ =	shalt  }
0x72: {  	_ =	shalt  }
0x73: {  	_ =	shalt  }
0x74: {  	_ =	shalt  }
0x75: {  	_ =	shalt  }
0x76: {  	_ =	shalt  }
0x77: {  	_ =	shalt  }
0x78: {  	_ =	shalt  }
0x79: {  	_ =	shalt  }
0x7a: {  	_ =	shalt  }
0x7b: {  	_ =	shalt  }
0x7c: {  	_ =	shalt  }
0x7d: {  	_ =	shalt  }
0x7e: {  	_ =	shalt  }
0x7f: {  	_ =	shalt  }
0x80: {  	_ =	shalt  }
0x81: {  	_ =	shalt  }
0x82: {  	_ =	shalt  }
0x83: {  	_ =	shalt  }
0x84: {  	_ =	shalt  }
0x85: {  	_ =	shalt  }
0x86: {  	_ =	shalt  }
0x87: {  	_ =	shalt  }
.Lfunc_end0:
.L_simem_size_0:
called_computation.3_lowered:
.L_overlay_start_0:
0x88: {  	s2 =	sld [smem:$0x3FD9]  }
0x89: {  	s3 =	sld [smem:$0x3FFE];
	_ =	sdelay $0x1  }
0x8a: {  	s1 =	srdreg.scid  }
0x8b: {  	s0 =	sand.u32 $0x1, s1  }
0x8c: {  	s16 =	sshll.u32 s0, $0xA;
	s2 =	sadd.s32 s3, s2  }
0x8d: {  	s2 =	sadd.s32 s2, s16  }
0x8e: {  	[smem:$0x3FAD] =	sst s2  }
0x8f: {  	_ = 	snop  }
0x90: {  	(tm) =	ssettm $0x1  }
0x91: {  	s17 =	sld [smem:$0x3FFB];
	_ =	sdelay $0x3  }
0x92: {  	_ =	strace s17  }
0x93: {  	s2 =	sld [smem:$0x3FFC];
	_ =	sdelay $0x3  }
0x94: {  	_ =	strace s2  }
0x95: {  	s2 =	sld [smem:$0x3FFD];
	_ =	sdelay $0x3  }
0x96: {  	_ =	strace s2  }
0x97: {  	_ =	strace $0x8FFFFFFF  }
0x98: {  	s18 =	sld [smem:$0x3FDB];
	_ =	sdelay $0x1  }
0x99: {  	s19 =	simm.s32 $_scs_section_size  }
0x9a: {  	s4 =	simm.s32 $_size__tile_overlayer_lowered;
	s5 =	simm.s32 $_tile_overlayer_lowered  }
0x9b: {  	s22 =	simm.s32 $0x1BFF;
	s21 =	sshll.u32 s5, $0x1;
	s2 =	sadd.s32 s19, s18  }
0x9c: {  	s6 =	simm.s32 $0x0;
	s20 =	sshll.u32 s4, $0x1;
	s4 =	sadd.s32 s21, s2  }
0x9d: {  	[timem:s6], [sflag:s22] =	dma.local [hbm:s4], s20  }
0x9e: {  	_ =	swait.ge [sflag:s22], s20  }
0x9f: {  	s3 =	ssub.s32 $0x0, s20;
	[sflag:s22] =	ssyncset.done $0x0  }
0xa0: {  	[sflag:s22] =	ssyncadd.s32 s3;
	_ =	sdelay $0x1  }
0xa1: {  	s23 =	simm.s32 $0x1B8B  }
0xa2: {  	_ =	swait.ge [sflag:s23], $0x1  }
0xa3: {  	[sflag:s23] =	ssyncset.done $0x0  }
0xa4: {  	s25 =	simm.s32 $0x1B8E;
	s24 =	sld [smem:$0x3FFE];
	[sflag:s23] =	ssyncadd.s32 $0xFFFFFFFF  }
0xa5: {  	s26 =	simm.s32 $execute0_lowered;
	[smem:$0x3FD2] =	sst s25  }
0xa6: {  	s4 =	sshll.u32 s26, $0x1;
	_ =	strace $0x8000004F;
	[dreg:$0x1] =	wrdreg $0xFFFFFFFF  }
0xa7: {  	s28 =	simm.s32 $_size_execute0_lowered;
	s2 =	sadd.s32 s2, s4;
	[dreg:$0x0] =	wrdreg $0x0  }
0xa8: {  	s4 =	sshll.u32 s28, $0x1;
	[dreg:$0x2] =	wrdreg s2  }
0xa9: {  	[dreg:$0x3] =	wrdreg s4  }
0xaa: {  	[dreg:$0x4] =	wrdreg $0xC0  }
0xab: {  	_ =	task [dreg:s6], $0x5FFFF  }
0xac: {  	[dreg:$0x1] =	wrdreg $0xFFFFFFFF  }
0xad: {  	[dreg:$0x0] =	wrdreg $0x60  }
0xae: {  	[dreg:$0x2] =	wrdreg s24  }
0xaf: {  	[dreg:$0x3] =	wrdreg $0x54000  }
0xb0: {  	[dreg:$0x4] =	wrdreg $0x9  }
0xb1: {  	_ =	task.clear_ibuf [dreg:s6], $0x5FFFF;
	_ =	strace $0x9000004F  }
0xb2: {  	s29 =	simm.s32 $0x9;
	_ =	strace $0x80000051  }
0xb3: {  	_ =	swait.ge [sflag:s29], $0x1  }
0xb4: {  	[sflag:s29] =	ssyncadd.s32 $0xFFFFFFFF  }
0xb5: {  	_ =	strace $0x90000051  }
0xb6: {  	_ =	sfence  }
0xb7: {  	s30 =	sld [smem:$0x0];
	_ =	sdelay $0x2  }
0xb8: {  	s31 =	sshll.u32 s1, $0xD;
	s1 =	sshrl.u32 s1, $0x2  }
0xb9: {  	s3 =	sand.u32 $0x4000, s31;
	s1 =	sadd.s32 s1, s30  }
0xba: {  	s0 =	sor.u32 s3, s0;
	s1 =	sshll.u32 s1, $0x11  }
0xbb: {  	s0 =	sor.u32 s1, s0  }
0xbc: {  	s0 =	sadd.s32 $0x8F2B, s0  }
0xbd: {  	[sflag:s0] =	ssyncadd.remote.s32 $0x1  }
0xbe: {  	_ =	sfence.sel $0xFFFF  }
0xbf: {  	[dreg:$0x0] =	wrdreg $0xFFFFFFFF;
	(pc) =	sbr.abs _section_cstart, $3  }
0xc0: {  	[dreg:$0x1] =	wrdreg $0xFFFFFFFF  }
0xc1: {  	_ =	task.clear_ibuf [dreg:s6], $0x2FFFF;
	_ =	strace $0x9FFFFFFF  }
0xc2: {  	(tm) =	ssettm $0x7FFFFFFF  }
0xc3: {  	_ =	shalt  }
tec
execute0_lowered:
.L_overlay_start_1:
0x0: {  	(tag) =	ssettag $0x1  }
0x1: {  	s0 =	stileid.u32  }
0x2: {  	s1 =	srdreg.scid;
	s4 =	rddreg [dreg:$0x0]  }
0x3: {  	s2 =	rddreg [dreg:$0x1];
	s3 =	simm.s32 $0x0;
	s6 =	smul.u32 $0x28000, s0  }
0x4: {  	s14 =	simm.s32 $0x0;
	s5 =	sand.u32 $0x1, s1;
	s8 =	smul.u32 $0x14000, s0  }
0x5: {  	s24 =	sshll.u32 s0, $0x1;
	s1 =	rddreg [dreg:$0x2];
	s11 =	smul.u32 $0x50000, s0  }
0x6: {  	[smem:$0x7FF] =	sst s3;
	s30 =	sshll.u32 s0, $0x6;
	s9 =	smul.u32 $0x140000, s5  }
0x7: {  	s7 =	sor.u32 s5, s24;
	_ =	strace $0x80000050;
	s13 =	smul.u32 $0x14000, s5  }
0x8: {  	s28 =	ssub.s32 $0x2, s5;
	s5 =	sor.u32 $0x1C01, s30;
	s7 =	smul.u32 $0x280, s7  }
0x9: {  	s10 =	sadd.s32 s6, s4;
	s26 =	sshrl.u32 s8, $0x3;
	s12 =	sshrl.u32 s28, $0x1  }
0xa: {  	s29 =	sshrl.u32 s11, $0x2;
	s8 =	sadd.s32 s8, s9;
	s9 =	ssub.s32 s28, s12  }
0xb: {  	s11 =	sadd.s32 s29, s2;
	s31 =	sadd.s32 s13, s10;
	s12 =	simm.s32 $0x1400  }
0xc: {  	s13 =	simm.s32 $0x80;
	s25 =	sadd.s32 s7, s4;
	s7 =	sadd.s32 s26, s4  }
0xd: {  	s8 =	sshrl.u32 s8, $0x3;
	s10 =	sshrl.u32 s11, $0x3;
	s11 =	simm.s32 $0x1  }
0xe: {  	s8 =	sadd.s32 s8, s4;
	s4 =	sadd.s32 $0x35C00, s7;
	s6 =	sadd.s32 $0x8C00, s25  }
0xf: {  	s7 =	sadd.s32 $0x85C00, s8;
	s8 =	smax.u32 s9, $0x1;
	s9 =	sadd.s32 $0x7A6C00, s31  }
.LBB2_1:
0x10: {  	[spmem:s10], [sflag:s5] =	dma.local [hbm:s4], $0x2800  }
0x11: {  	_ =	swait.ge [sflag:s11], $0x2800  }
0x12: {  	[sflag:s11] =	ssyncset.done $0x0  }
0x13: {  	[sflag:s11] =	ssyncadd.s32 $0xFFFFD800  }
0x14: {  	[tilespmem:s3], [sflag:$0x1] =	stream.linear.gather [hbm4b:s6+s3], $0x1400, $0x38;
	[tilespmem:$0x19400] =	vst v63  }
0x15: {  	_ =	swait.ge [sflag:s11], $0x1400  }
0x16: {  	[sflag:s11] =	ssyncset.done $0x0  }
0x17: {  	[sflag:s11] =	ssyncadd.s32 $0xFFFFEC00  }
0x18: {  	[bflag:$0x0] =	sbarrier.arrive $0xFFFF  }
0x19: {  	[tilespmem:s12], [sflag:$0x1] =	stream.linear.gather [hbm4b:s9+s3], $0x4000, $0x38;
	[tilespmem:$0x19400] =	vst v63  }
0x1a: {  	_ =	swait.ge [sflag:s11], $0x4000  }
0x1b: {  	[sflag:s11] =	ssyncset.done $0x0  }
0x1c: {  	s15 =	simm.s32 $0x0;
	[sflag:s11] =	ssyncadd.s32 $0xFFFFC000  }
0x1d: {  	[spmem:s2] =	stream.indirect.scatter.add.f32 [tilespmem:s12], [sflag:$0x1], $0x80, s15, s13, $0xb8;
	[tilespmem:$0x19400] =	vst v63  }
0x1e: {  	_ =	swait.ge [sflag:s11], $0x4000  }
0x1f: {  	s16 =	smov.u32 s9;
	s15 =	simm.s32 $0x200;
	[sflag:s11] =	ssyncset.done $0x0  }
.LBB2_2:
0x20: {  	p0 =	sne.s32 s15, $0x4E00;
	[sflag:s11] =	ssyncadd.s32 $0xFFFFC000;
	s16 =	sadd.s32 $0x800, s16  }
0x21: {  	[tilespmem:s12], [sflag:$0x1] =	stream.linear.gather [hbm4b:s16+s3], $0x4000, $0x38;
	[tilespmem:$0x19400] =	vst v63  }
0x22: {  	s17 =	smov.u32 s15;
	s15 =	sadd.s32 $0x200, s15;
	_ =	swait.ge [sflag:s11], $0x4000  }
.Ltmp0:
0x23: {  	[sflag:s11] =	ssyncset.done $0x0;
	(pc) =	sbr.rel @p0 .LBB2_2-.Ltmp0, $4  }
0x24: {  	s17 =	sshra.s32 s17, $0x2;
	[sflag:s11] =	ssyncadd.s32 $0xFFFFC000  }
0x25: {  	[spmem:s2] =	stream.indirect.scatter.add.f32 [tilespmem:s12], [sflag:$0x1], $0x80, s17, s13, $0xb8;
	[tilespmem:$0x19400] =	vst v63  }
0x26: {  	_ =	swait.ge [sflag:s11], $0x4000  }
0x27: {  	[sflag:s11] =	ssyncset.done $0x0  }
0x28: {  	s14 =	sadd.s32 $0x1, s14  }
0x29: {  	[sflag:s11] =	ssyncadd.s32 $0xFFFFC000;
	p0 =	sne.s32 s14, s8  }
.Ltmp1:
0x2a: {  	[bflag:$0x0] =	sbarrier.arrive $0xFFFF;
	(pc) =	sbr.rel @p0 .LBB2_1-.Ltmp1, $4  }
0x2b: {  	[hbm:s7], [sflag:s5] =	dma.local [spmem:s10], $0x2800  }
0x2c: {  	_ =	swait.ge [sflag:s11], $0x2800  }
0x2d: {  	[sflag:s11] =	ssyncset.done $0x0  }
0x2e: {  	[sflag:s11] =	ssyncadd.s32 $0xFFFFD800  }
0x2f: {  	_ =	sfence.sel $0x180000  }
0x30: {  	[bflag:$0x0] =	sbarrier.arrive $0xFFFF  }
0x31: {  	p0 =	sne.s32 s0, $0x0;
	_ =	strace $0x90000050  }
0x32: {  	s0 =	sadd.s32 @!p0 $0x100000, s1;
	[bflag:$0x2] =	sbarrier.arrive $0xFFFF  }
0x33: {  	[sflag:s0] =	ssyncadd.tile.s32 @!p0 $0x1;
	_ =	shalt  }
.Lfunc_end2:
_tile_overlayer_lowered:
.L_overlay_start_2:
0x34: {  	(tag) =	ssettag $0x2  }
0x35: {  	s0 =	rddreg [dreg:$0x0];
	s2 =	stileid.u32  }
0x36: {  	s1 =	rddreg [dreg:$0x1];
	p0 =	sne.s32 s2, $0x0  }
0x37: {  	s3 =	rddreg [dreg:$0x2];
	[bflag:$0x3] =	sbarrier.arrive $0xFFFF;
	s2 =	simm.s32 @!p0 $0x1C01  }
0x38: {  	[timem:s3], [sflag:s2] =	dma.local @!p0 [hbm:s0], s1  }
0x39: {  	s0 =	simm.s32 @!p0 $0x1  }
0x3a: {  	_ =	swait.ge @!p0 [sflag:s0], s1  }
0x3b: {  	s1 =	ssub.s32 @!p0 $0x0, s1;
	[sflag:s0] =	ssyncset.done @!p0 $0x0  }
0x3c: {  	[sflag:s0] =	ssyncadd.s32 @!p0 s1  }
0x3d: {  	[bflag:$0x3] =	sbarrier.arrive $0xFFFF  }
0x3e: {  	_ =	shalt  }

</sc_bundles>
